<compile_context>
chip_gen: v7x
topology: tpu7x:2x2x1
jax: 0.10.2.dev20260603
libtpu: 0.0.44.dev20260713+nightly
codegen_flags: <defaults>
</compile_context>

<pallas_src>
import functools

import jax
import jax.numpy as jnp
from jax import lax
from jax.experimental import pallas as pl
from jax.experimental.pallas import tpu as pltpu
from jax.experimental.pallas import tpu_sc as plsc

N_NODES = 10000
N_EDGES = 320000
IN_DIM = 128
HIDDEN = 32
HEADS = 4
OUT_DIM = 64
LEAKY_SLOPE = 0.2
BETA = 0.5
C_CONST = 1.0

NC = 2
NS = 16
L = 16
NW = NC * NS

NACC = 10240
ROW_BLK = 512
N_ROW_BLKS = NACC // ROW_BLK

K = 96
E_TOT = N_EDGES + N_NODES
N_CHUNKS = -(-E_TOT // (NW * K))
N_CHUNKS += -N_CHUNKS % 4
E_PAD = NW * K * N_CHUNKS
EPT = E_PAD // NW
EDGE_UNROLL = 2

W1ROW = 144
W2ROW = 80

_mesh = plsc.VectorSubcoreMesh(
    core_axis_name="c", subcore_axis_name="s", num_cores=NC, num_subcores=NS)


def _tc1_body(x_ref, w_ref, as_ref, ad_ref, t_ref, adst_ref):
    h = jnp.dot(x_ref[...], w_ref[...], preferred_element_type=jnp.float32)
    asrc = jnp.dot(h, as_ref[...], preferred_element_type=jnp.float32)
    adst = jnp.dot(h, ad_ref[...], preferred_element_type=jnp.float32)
    t_ref[...] = jnp.concatenate([h, asrc], axis=1)
    adst_ref[...] = adst


def _tc1(x_pad, W1, Asrc, Adst):
    return pl.pallas_call(
        _tc1_body,
        grid=(N_ROW_BLKS,),
        in_specs=[
            pl.BlockSpec((ROW_BLK, IN_DIM), lambda i: (i, 0)),
            pl.BlockSpec((IN_DIM, HEADS * HIDDEN), lambda i: (0, 0)),
            pl.BlockSpec((HEADS * HIDDEN, L), lambda i: (0, 0)),
            pl.BlockSpec((HEADS * HIDDEN, L), lambda i: (0, 0)),
        ],
        out_specs=[
            pl.BlockSpec((ROW_BLK, W1ROW), lambda i: (i, 0)),
            pl.BlockSpec((ROW_BLK, L), lambda i: (i, 0)),
        ],
        out_shape=[
            jax.ShapeDtypeStruct((NACC, W1ROW), jnp.float32),
            jax.ShapeDtypeStruct((NACC, L), jnp.float32),
        ],
    )(x_pad, W1, Asrc, Adst)


def _sc_edge_body(roww, nheads, hidden,
                  tab, adsth, edg, out,
                  idx0, idx1, adstv0, adstv1, rowsv0, rowsv1, acc,
                  semr0, semr1, semsc0, semsc1):
    c = lax.axis_index("c")
    s = lax.axis_index("s")
    wid = s * NC + c
    idxs = [idx0, idx1]
    rows = [rowsv0, rowsv1]
    adsts = [adstv0, adstv1]
    semrs = [semr0, semr1]
    semscs = [semsc0, semsc1]

    lane = lax.iota(jnp.int32, L)
    zero = (lane * 0).astype(jnp.float32)
    ngrp = roww // L
    rows_per_tile = NACC // NS
    r0 = s * rows_per_tile

    def _zrow(i, _):
        for g in range(ngrp):
            rowsv0[i, pl.ds(g * L, L)] = zero
        return 0
    lax.fori_loop(0, K, _zrow, 0)

    def _zacc(t, _):
        pltpu.sync_copy(rowsv0, acc.at[pl.ds(r0 + t * K, K)])
        return 0
    nfull = rows_per_tile // K
    lax.fori_loop(0, nfull, _zacc, 0)
    rem = rows_per_tile - nfull * K
    if rem:
        pltpu.sync_copy(rowsv0.at[pl.ds(0, rem)],
                        acc.at[pl.ds(r0 + nfull * K, rem)])
    plsc.subcore_barrier()

    bidx = [lane * 0 + hd for hd in range(nheads)]
    fcols = roww - L

    def _issue_rows(b):
        pltpu.async_copy(tab.at[idxs[b].at[0]], rows[b], semrs[b])
        pltpu.async_copy(adsth.at[idxs[b].at[1]], adsts[b], semrs[b])

    def _wait_rows(b):
        pltpu.make_async_copy(tab.at[idxs[0].at[0]], rows[b],
                              semrs[b]).wait()
        pltpu.make_async_copy(adsth.at[idxs[0].at[1]], adsts[b],
                              semrs[b]).wait()

    def _wait_scatter(b):
        pltpu.make_async_copy(rows[b], acc.at[idxs[0].at[1]],
                              semscs[b]).wait()

    def _compute(rowsb, adstb):
        def _equad(ei, _):
            for u in range(EDGE_UNROLL):
                e = ei * EDGE_UNROLL + u
                asrc = rowsb[e, pl.ds(fcols, L)]
                adv = adstb[e, :]
                al = asrc + adv
                al = jnp.where(al > 0.0, al, LEAKY_SLOPE * al)
                exv = jnp.exp(al)
                rowsb[e, pl.ds(fcols, L)] = exv
                for hd in range(nheads):
                    bv = lax.gather(
                        exv, bidx[hd][:, None],
                        dimension_numbers=lax.GatherDimensionNumbers(
                            offset_dims=(), collapsed_slice_dims=(0,),
                            start_index_map=(0,)),
                        slice_sizes=(1,),
                        mode=lax.GatherScatterMode.PROMISE_IN_BOUNDS)
                    for half in range(hidden // L):
                        col = hd * hidden + half * L
                        rowsb[e, pl.ds(col, L)] = rowsb[e, pl.ds(col, L)] * bv
            return 0
        lax.fori_loop(0, K // EDGE_UNROLL, _equad, 0)

    pltpu.sync_copy(edg.at[wid, 0], idx0)
    _issue_rows(0)

    def _step(it, b, nb):
        @pl.when(it < N_CHUNKS - 1)
        def _():
            @pl.when(it > 0)
            def _():
                _wait_scatter(nb)
            pltpu.sync_copy(edg.at[wid, it + 1], idxs[nb])
            _issue_rows(nb)
        _wait_rows(b)
        _compute(rows[b], adsts[b])
        pltpu.async_copy(rows[b], acc.at[idxs[b].at[1]], semscs[b],
                         add=True)

    def _pair(j, _):
        _step(2 * j, 0, 1)
        _step(2 * j + 1, 1, 0)
        return 0
    lax.fori_loop(0, N_CHUNKS // 2, _pair, 0)
    _wait_scatter((N_CHUNKS - 2) % 2)
    _wait_scatter((N_CHUNKS - 1) % 2)
    plsc.subcore_barrier()

    pltpu.sync_copy(acc.at[pl.ds(r0, rows_per_tile)],
                    out.at[c, pl.ds(r0, rows_per_tile)])


def _sc_edge(roww, nheads, hidden, tab, adsth, edg):
    body = functools.partial(_sc_edge_body, roww, nheads, hidden)
    return pl.kernel(
        body,
        out_type=jax.ShapeDtypeStruct((NC, NACC, roww), jnp.float32),
        mesh=_mesh,
        compiler_params=pltpu.CompilerParams(use_tc_tiling_on_sc=False),
        scratch_types=[
            pltpu.VMEM((2, K), jnp.int32),
            pltpu.VMEM((2, K), jnp.int32),
            pltpu.VMEM((K, L), jnp.float32),
            pltpu.VMEM((K, L), jnp.float32),
            pltpu.VMEM((K, roww), jnp.float32),
            pltpu.VMEM((K, roww), jnp.float32),
            pltpu.VMEM_SHARED((NACC, roww), jnp.float32),
            pltpu.SemaphoreType.DMA,
            pltpu.SemaphoreType.DMA,
            pltpu.SemaphoreType.DMA,
            pltpu.SemaphoreType.DMA,
        ],
    )(tab, adsth, edg)


def _tc2_body(p_ref, e4_ref, b1_ref, w2_ref, as2_ref, ad2_ref,
              t2_ref, adst2_ref):
    a = p_ref[0] + p_ref[1]
    num = a[:, 0:HEADS * HIDDEN]
    den4 = a[:, HEADS * HIDDEN:HEADS * HIDDEN + 4]
    denb = jnp.dot(den4, e4_ref[...], preferred_element_type=jnp.float32)
    z = num / (denb + 1e-16) + b1_ref[...]
    h1 = BETA * z + (C_CONST - BETA) * z * jax.nn.sigmoid(z)
    h2 = jnp.dot(h1, w2_ref[...], preferred_element_type=jnp.float32)
    asrc2 = jnp.dot(h2, as2_ref[...], preferred_element_type=jnp.float32)
    adst2 = jnp.dot(h2, ad2_ref[...], preferred_element_type=jnp.float32)
    t2_ref[...] = jnp.concatenate([h2, asrc2], axis=1)
    adst2_ref[...] = adst2


def _tc2(p1, E4, b1, W2, As2, Ad2):
    return pl.pallas_call(
        _tc2_body,
        grid=(N_ROW_BLKS,),
        in_specs=[
            pl.BlockSpec((NC, ROW_BLK, W1ROW), lambda i: (0, i, 0)),
            pl.BlockSpec((4, HEADS * HIDDEN), lambda i: (0, 0)),
            pl.BlockSpec((1, HEADS * HIDDEN), lambda i: (0, 0)),
            pl.BlockSpec((HEADS * HIDDEN, OUT_DIM), lambda i: (0, 0)),
            pl.BlockSpec((OUT_DIM, L), lambda i: (0, 0)),
            pl.BlockSpec((OUT_DIM, L), lambda i: (0, 0)),
        ],
        out_specs=[
            pl.BlockSpec((ROW_BLK, W2ROW), lambda i: (i, 0)),
            pl.BlockSpec((ROW_BLK, L), lambda i: (i, 0)),
        ],
        out_shape=[
            jax.ShapeDtypeStruct((NACC, W2ROW), jnp.float32),
            jax.ShapeDtypeStruct((NACC, L), jnp.float32),
        ],
    )(p1, E4, b1, W2, As2, Ad2)


def _tc3_body(p_ref, b2_ref, o_ref):
    a = p_ref[0] + p_ref[1]
    num = a[:, 0:OUT_DIM]
    den = a[:, OUT_DIM:OUT_DIM + 1]
    o_ref[...] = C_CONST * (num / (den + 1e-16) + b2_ref[...])


def _tc3(p2, b2):
    return pl.pallas_call(
        _tc3_body,
        grid=(N_ROW_BLKS,),
        in_specs=[
            pl.BlockSpec((NC, ROW_BLK, W2ROW), lambda i: (0, i, 0)),
            pl.BlockSpec((1, OUT_DIM), lambda i: (0, 0)),
        ],
        out_specs=pl.BlockSpec((ROW_BLK, OUT_DIM), lambda i: (i, 0)),
        out_shape=jax.ShapeDtypeStruct((NACC, OUT_DIM), jnp.float32),
    )(p2, b2)


def _expand_att(att, in_dim):
    heads, ch = att.shape
    a = jnp.zeros((in_dim, L), jnp.float32)
    rows = jnp.arange(heads * ch)
    cols = jnp.repeat(jnp.arange(heads), ch)
    return a.at[rows, cols].set(att.reshape(-1))


def kernel(x, edge_index, W1, att_src1, att_dst1, b1, W2, att_src2, att_dst2, b2):
    x_pad = jnp.zeros((NACC, IN_DIM), jnp.float32).at[:N_NODES].set(x)
    loop = jnp.arange(N_NODES, dtype=jnp.int32)
    src = jnp.concatenate([edge_index[0].astype(jnp.int32), loop])
    dst = jnp.concatenate([edge_index[1].astype(jnp.int32), loop])
    src = jnp.concatenate(
        [src, jnp.zeros((E_PAD - E_TOT,), jnp.int32)]).reshape(
            NW, N_CHUNKS, 1, K)
    pad_dst = N_NODES + jnp.arange(E_PAD - E_TOT, dtype=jnp.int32) % (
        NACC - N_NODES)
    dst = jnp.concatenate([dst, pad_dst]).reshape(NW, N_CHUNKS, 1, K)
    edg = jnp.concatenate([src, dst], axis=2)

    Asrc1 = _expand_att(att_src1, HEADS * HIDDEN)
    Adst1 = _expand_att(att_dst1, HEADS * HIDDEN)
    As2 = _expand_att(att_src2, OUT_DIM)
    Ad2 = _expand_att(att_dst2, OUT_DIM)
    E4 = jnp.zeros((4, HEADS * HIDDEN), jnp.float32).at[
        jnp.repeat(jnp.arange(4), HIDDEN), jnp.arange(HEADS * HIDDEN)].set(1.0)

    tab1, adst1 = _tc1(x_pad, W1, Asrc1, Adst1)
    p1 = _sc_edge(W1ROW, HEADS, HIDDEN, tab1, adst1, edg)
    tab2, adst2 = _tc2(p1, E4, b1.reshape(1, -1), W2, As2, Ad2)
    p2 = _sc_edge(W2ROW, 1, OUT_DIM, tab2, adst2, edg)
    out = _tc3(p2, b2.reshape(1, -1))
    return out[:N_NODES]

# --- scband reference (transcript-rebuilt; emitter-appended) ---
"""Pipeline reference for scband-mix-gat-14697378087235 (READ-ONLY COPY).

The authoritative reference and input builder live on the scoring server;
editing this copy changes nothing except your own understanding.
"""

import jax, jax.numpy as jnp
import numpy as np

N_NODES = 10000
N_EDGES = 320000
IN_DIM = 128
HIDDEN = 32
HEADS = 4
OUT_DIM = 64
LEAKY_SLOPE = 0.2
BETA = 0.5
C_CONST = 1.0


def setup_inputs(seed: int = 0) -> dict:
    key = jax.random.key(seed)
    ks = jax.random.split(key, 12)
    x = jax.random.normal(ks[0], (N_NODES, IN_DIM), dtype=jnp.float32)
    edge_index = jax.random.randint(ks[1], (2, N_EDGES), 0, N_NODES, dtype=jnp.int64)
    s1 = 1.0 / np.sqrt(IN_DIM)
    W1 = jax.random.uniform(ks[2], (IN_DIM, HEADS * HIDDEN), minval=-s1, maxval=s1, dtype=jnp.float32)
    att_src1 = jax.random.normal(ks[3], (HEADS, HIDDEN), dtype=jnp.float32) * 0.1
    att_dst1 = jax.random.normal(ks[4], (HEADS, HIDDEN), dtype=jnp.float32) * 0.1
    b1 = jnp.zeros((HEADS * HIDDEN,), dtype=jnp.float32)
    s2 = 1.0 / np.sqrt(HEADS * HIDDEN)
    W2 = jax.random.uniform(ks[5], (HEADS * HIDDEN, OUT_DIM), minval=-s2, maxval=s2, dtype=jnp.float32)
    att_src2 = jax.random.normal(ks[6], (1, OUT_DIM), dtype=jnp.float32) * 0.1
    att_dst2 = jax.random.normal(ks[7], (1, OUT_DIM), dtype=jnp.float32) * 0.1
    b2 = jnp.zeros((OUT_DIM,), dtype=jnp.float32)
    return {"x": x, "edge_index": edge_index, "W1": W1, "att_src1": att_src1,
            "att_dst1": att_dst1, "b1": b1, "W2": W2, "att_src2": att_src2,
            "att_dst2": att_dst2, "b2": b2}


def _gat_conv(x, W, att_src, att_dst, bias, src, dst, heads, out_ch, concat):
    N = x.shape[0]
    h = (x @ W).reshape(N, heads, out_ch)
    a_src = (h * att_src[None, :, :]).sum(-1)  # [N, H]
    a_dst = (h * att_dst[None, :, :]).sum(-1)  # [N, H]
    alpha = a_src[src] + a_dst[dst]            # [E, H]
    alpha = jnp.where(alpha > 0, alpha, LEAKY_SLOPE * alpha)
    amax = jax.ops.segment_max(alpha, dst, num_segments=N)
    amax = jnp.where(jnp.isfinite(amax), amax, 0.0)
    ex = jnp.exp(alpha - amax[dst])
    denom = jax.ops.segment_sum(ex, dst, num_segments=N)
    alpha_n = ex / (denom[dst] + 1e-16)
    msg = h[src] * alpha_n[:, :, None]         # [E, H, C]
    out = jax.ops.segment_sum(msg, dst, num_segments=N)  # [N, H, C]
    if concat:
        out = out.reshape(N, heads * out_ch)
    else:
        out = out.mean(axis=1)
    return out + bias[None, :]


def _swish(z):
    return z * jax.nn.sigmoid(z)


def reference(x, edge_index, W1, att_src1, att_dst1, b1, W2, att_src2, att_dst2, b2):
    N = x.shape[0]
    loop = jnp.arange(N, dtype=edge_index.dtype)
    src = jnp.concatenate([edge_index[0], loop])
    dst = jnp.concatenate([edge_index[1], loop])
    # layer 1: heads=4, concat=True, activation=Swish
    z1 = _gat_conv(x, W1, att_src1, att_dst1, b1, src, dst, HEADS, HIDDEN, True)
    h1 = BETA * z1 + (C_CONST - BETA) * _swish(z1)
    # layer 2: heads=1, concat=False, activation=None -> C * z
    z2 = _gat_conv(h1, W2, att_src2, att_dst2, b2, src, dst, 1, OUT_DIM, False)
    out = C_CONST * z2
    return out

if __name__ == "__main__":
    import jax
    _d = setup_inputs()
    print(jax.jit(kernel)(*tuple(_d.values())))

</pallas_src>

<mosaic_0001>
#map = affine_map<(d0, d1) -> (0, 0)>
#map1 = affine_map<(d0, d1) -> (0, 0, 0, 0)>
#map2 = affine_map<(d0, d1) -> (0, 0, 0)>
module attributes {stable_mosaic.version = 14 : i64} {
  func.func @_sc_edge_body(%arg0: i32, %arg1: i32, %arg2: memref<10240x144xf32, #tpu.memory_space<hbm>>, %arg3: memref<10240x16xf32, #tpu.memory_space<hbm>>, %arg4: memref<32x108x2x96xi32, #tpu.memory_space<hbm>>, %arg5: memref<2x10240x144xf32, #tpu.memory_space<hbm>>, %arg6: memref<2x96xi32, #tpu.memory_space<vmem>>, %arg7: memref<2x96xi32, #tpu.memory_space<vmem>>, %arg8: memref<96x16xf32, #tpu.memory_space<vmem>>, %arg9: memref<96x16xf32, #tpu.memory_space<vmem>>, %arg10: memref<96x144xf32, #tpu.memory_space<vmem>>, %arg11: memref<96x144xf32, #tpu.memory_space<vmem>>, %arg12: memref<10240x144xf32, #tpu.memory_space<vmem_shared>>, %arg13: memref<!tpu.dma_semaphore, #tpu.memory_space<semaphore_mem>>, %arg14: memref<!tpu.dma_semaphore, #tpu.memory_space<semaphore_mem>>, %arg15: memref<!tpu.dma_semaphore, #tpu.memory_space<semaphore_mem>>, %arg16: memref<!tpu.dma_semaphore, #tpu.memory_space<semaphore_mem>>) attributes {dimension_semantics = [#tpu.dimension_semantics<core_parallel>, #tpu.dimension_semantics<subcore_parallel>], iteration_bounds = array<i64: 2, 16>, scalar_prefetch = 0 : i64, scratch_operands = 11 : i64, tpu.core_type = #tpu.core_type<sc_vector_subcore>, window_params = [{transform_indices = #map}, {transform_indices = #map}, {transform_indices = #map1}, {transform_indices = #map2}]} {
    %mul3A = arith.constant 2 : i32
    %mul3A_0 = arith.muli %arg1, %mul3A : i32
    %add3A = arith.addi %mul3A_0, %arg0 : i32
    %iota3A = tpu.iota {dimensions = array<i32: 0>} : vector<16xi32>
    %mul3A_1 = arith.constant 0 : i32
    %mul3A_2 = vector.broadcast %mul3A_1 : i32 to vector<16xi32>
    %mul3A_3 = arith.muli %iota3A, %mul3A_2 : vector<16xi32>
    %convert_element_type3A = arith.sitofp %mul3A_3 : vector<16xi32> to vector<16xf32>
    %mul3A_4 = arith.constant 640 : i32
    %mul3A_5 = arith.muli %arg1, %mul3A_4 : i32
    %scan3A = arith.constant 0 : i32
    %scan3A_6 = arith.constant 0 : i32
    %scan3A_7 = arith.constant 96 : i32
    %scan3A_8 = arith.addi %scan3A_6, %scan3A_7 : i32
    %scan3A_9 = arith.constant 1 : i32
    %scan3A_10 = scf.for %scan3A_79 = %scan3A_6 to %scan3A_8 step %scan3A_9 iter_args(%scan3A_80 = %scan3A) -> (i32)  : i32 {
      %swap3A = arith.index_cast %scan3A_79 : i32 to index
      %swap3A_81 = arith.constant 0 : index
      %swap3A_82 = tpu.vector_load %arg10[%swap3A, %swap3A_81] {strides = array<i32>} : memref<96x144xf32, #tpu.memory_space<vmem>>, vector<1x16xf32>,
      %swap3A_83 = vector.shape_cast %swap3A_82 : vector<1x16xf32> to vector<16xf32>
      %swap3A_84 = vector.shape_cast %convert_element_type3A : vector<16xf32> to vector<1x16xf32>
      tpu.vector_store %arg10[%swap3A, %swap3A_81], %swap3A_84 {strides = array<i32>} : memref<96x144xf32, #tpu.memory_space<vmem>>, vector<1x16xf32>,
      %swap3A_85 = arith.index_cast %scan3A_79 : i32 to index
      %swap3A_86 = arith.constant 16 : index
      %swap3A_87 = tpu.vector_load %arg10[%swap3A_85, %swap3A_86] {strides = array<i32>} : memref<96x144xf32, #tpu.memory_space<vmem>>, vector<1x16xf32>,
      %swap3A_88 = vector.shape_cast %swap3A_87 : vector<1x16xf32> to vector<16xf32>
      %swap3A_89 = vector.shape_cast %convert_element_type3A : vector<16xf32> to vector<1x16xf32>
      tpu.vector_store %arg10[%swap3A_85, %swap3A_86], %swap3A_89 {strides = array<i32>} : memref<96x144xf32, #tpu.memory_space<vmem>>, vector<1x16xf32>,
      %swap3A_90 = arith.index_cast %scan3A_79 : i32 to index
      %swap3A_91 = arith.constant 32 : index
      %swap3A_92 = tpu.vector_load %arg10[%swap3A_90, %swap3A_91] {strides = array<i32>} : memref<96x144xf32, #tpu.memory_space<vmem>>, vector<1x16xf32>,
      %swap3A_93 = vector.shape_cast %swap3A_92 : vector<1x16xf32> to vector<16xf32>
      %swap3A_94 = vector.shape_cast %convert_element_type3A : vector<16xf32> to vector<1x16xf32>
      tpu.vector_store %arg10[%swap3A_90, %swap3A_91], %swap3A_94 {strides = array<i32>} : memref<96x144xf32, #tpu.memory_space<vmem>>, vector<1x16xf32>,
      %swap3A_95 = arith.index_cast %scan3A_79 : i32 to index
      %swap3A_96 = arith.constant 48 : index
      %swap3A_97 = tpu.vector_load %arg10[%swap3A_95, %swap3A_96] {strides = array<i32>} : memref<96x144xf32, #tpu.memory_space<vmem>>, vector<1x16xf32>,
      %swap3A_98 = vector.shape_cast %swap3A_97 : vector<1x16xf32> to vector<16xf32>
      %swap3A_99 = vector.shape_cast %convert_element_type3A : vector<16xf32> to vector<1x16xf32>
      tpu.vector_store %arg10[%swap3A_95, %swap3A_96], %swap3A_99 {strides = array<i32>} : memref<96x144xf32, #tpu.memory_space<vmem>>, vector<1x16xf32>,
      %swap3A_100 = arith.index_cast %scan3A_79 : i32 to index
      %swap3A_101 = arith.constant 64 : index
      %swap3A_102 = tpu.vector_load %arg10[%swap3A_100, %swap3A_101] {strides = array<i32>} : memref<96x144xf32, #tpu.memory_space<vmem>>, vector<1x16xf32>,
      %swap3A_103 = vector.shape_cast %swap3A_102 : vector<1x16xf32> to vector<16xf32>
      %swap3A_104 = vector.shape_cast %convert_element_type3A : vector<16xf32> to vector<1x16xf32>
      tpu.vector_store %arg10[%swap3A_100, %swap3A_101], %swap3A_104 {strides = array<i32>} : memref<96x144xf32, #tpu.memory_space<vmem>>, vector<1x16xf32>,
      %swap3A_105 = arith.index_cast %scan3A_79 : i32 to index
      %swap3A_106 = arith.constant 80 : index
      %swap3A_107 = tpu.vector_load %arg10[%swap3A_105, %swap3A_106] {strides = array<i32>} : memref<96x144xf32, #tpu.memory_space<vmem>>, vector<1x16xf32>,
      %swap3A_108 = vector.shape_cast %swap3A_107 : vector<1x16xf32> to vector<16xf32>
      %swap3A_109 = vector.shape_cast %convert_element_type3A : vector<16xf32> to vector<1x16xf32>
      tpu.vector_store %arg10[%swap3A_105, %swap3A_106], %swap3A_109 {strides = array<i32>} : memref<96x144xf32, #tpu.memory_space<vmem>>, vector<1x16xf32>,
      %swap3A_110 = arith.index_cast %scan3A_79 : i32 to index
      %swap3A_111 = arith.constant 96 : index
      %swap3A_112 = tpu.vector_load %arg10[%swap3A_110, %swap3A_111] {strides = array<i32>} : memref<96x144xf32, #tpu.memory_space<vmem>>, vector<1x16xf32>,
      %swap3A_113 = vector.shape_cast %swap3A_112 : vector<1x16xf32> to vector<16xf32>
      %swap3A_114 = vector.shape_cast %convert_element_type3A : vector<16xf32> to vector<1x16xf32>
      tpu.vector_store %arg10[%swap3A_110, %swap3A_111], %swap3A_114 {strides = array<i32>} : memref<96x144xf32, #tpu.memory_space<vmem>>, vector<1x16xf32>,
      %swap3A_115 = arith.index_cast %scan3A_79 : i32 to index
      %swap3A_116 = arith.constant 112 : index
      %swap3A_117 = tpu.vector_load %arg10[%swap3A_115, %swap3A_116] {strides = array<i32>} : memref<96x144xf32, #tpu.memory_space<vmem>>, vector<1x16xf32>,
      %swap3A_118 = vector.shape_cast %swap3A_117 : vector<1x16xf32> to vector<16xf32>
      %swap3A_119 = vector.shape_cast %convert_element_type3A : vector<16xf32> to vector<1x16xf32>
      tpu.vector_store %arg10[%swap3A_115, %swap3A_116], %swap3A_119 {strides = array<i32>} : memref<96x144xf32, #tpu.memory_space<vmem>>, vector<1x16xf32>,
      %swap3A_120 = arith.index_cast %scan3A_79 : i32 to index
      %swap3A_121 = arith.constant 128 : index
      %swap3A_122 = tpu.vector_load %arg10[%swap3A_120, %swap3A_121] {strides = array<i32>} : memref<96x144xf32, #tpu.memory_space<vmem>>, vector<1x16xf32>,
      %swap3A_123 = vector.shape_cast %swap3A_122 : vector<1x16xf32> to vector<16xf32>
      %swap3A_124 = vector.shape_cast %convert_element_type3A : vector<16xf32> to vector<1x16xf32>
      tpu.vector_store %arg10[%swap3A_120, %swap3A_121], %swap3A_124 {strides = array<i32>} : memref<96x144xf32, #tpu.memory_space<vmem>>, vector<1x16xf32>,
      %scan3A_125 = arith.constant 0 : i32
      scf.yield %scan3A_125 : i32
    }
    %scan3A_11 = arith.constant 96 : i32
    %scan3A_12 = arith.constant 0 : i32
    %scan3A_13 = arith.constant 0 : i32
    %scan3A_14 = arith.constant 6 : i32
    %scan3A_15 = arith.addi %scan3A_13, %scan3A_14 : i32
    %scan3A_16 = arith.constant 1 : i32
    %scan3A_17 = scf.for %scan3A_79 = %scan3A_13 to %scan3A_15 step %scan3A_16 iter_args(%scan3A_80 = %scan3A_12) -> (i32)  : i32 {
      %mul3A_81 = arith.constant 96 : i32
      %mul3A_82 = arith.muli %scan3A_79, %mul3A_81 : i32
      %add3A_83 = arith.addi %mul3A_5, %mul3A_82 : i32
      "tpu.region"() ({
        %run_scoped3A_85 = tpu.sem_alloc : memref<!tpu.dma_semaphore, #tpu.memory_space<semaphore_mem>>
        %dma_start3A_86 = arith.constant 0 : i32
        %dma_start3A_87 = tpu.memref_slice %arg12[%add3A_83, %dma_start3A_86] : memref<10240x144xf32, #tpu.memory_space<vmem_shared>> -> memref<96x144xf32, #tpu.memory_space<vmem_shared>>
        %dma_start3A_88 = arith.constant 0 : i32
        %dma_start3A_89 = tpu.memref_slice %arg12[%add3A_83, %dma_start3A_88] : memref<10240x144xf32, #tpu.memory_space<vmem_shared>> -> memref<96x144xf32, #tpu.memory_space<vmem_shared>>
        tpu.enqueue_dma source(%arg10 : memref<96x144xf32, #tpu.memory_space<vmem>>) target(%dma_start3A_89 : memref<96x144xf32, #tpu.memory_space<vmem_shared>>) target_semaphore(%run_scoped3A_85 : memref<!tpu.dma_semaphore, #tpu.memory_space<semaphore_mem>>)
        %dma_wait3A_90 = arith.constant 0 : i32
        %dma_wait3A_91 = tpu.memref_slice %arg12[%add3A_83, %dma_wait3A_90] : memref<10240x144xf32, #tpu.memory_space<vmem_shared>> -> memref<96x144xf32, #tpu.memory_space<vmem_shared>>
        %dma_wait3A_92 = arith.constant 0 : i32
        %dma_wait3A_93 = tpu.memref_slice %arg12[%add3A_83, %dma_wait3A_92] : memref<10240x144xf32, #tpu.memory_space<vmem_shared>> -> memref<96x144xf32, #tpu.memory_space<vmem_shared>>
        tpu.wait_dma2 semaphore(%run_scoped3A_85 : memref<!tpu.dma_semaphore, #tpu.memory_space<semaphore_mem>>) src(%arg10 : memref<96x144xf32, #tpu.memory_space<vmem>>) dst(%dma_wait3A_93 : memref<96x144xf32, #tpu.memory_space<vmem_shared>>)
        tpu.yield
      }) : () -> ()
      %scan3A_84 = arith.constant 0 : i32
      scf.yield %scan3A_84 : i32
    }
    %scan3A_18 = arith.constant 6 : i32
    %add3A_19 = arith.constant 576 : i32
    %add3A_20 = arith.addi %mul3A_5, %add3A_19 : i32
    "tpu.region"() ({
      %run_scoped3A_79 = tpu.sem_alloc : memref<!tpu.dma_semaphore, #tpu.memory_space<semaphore_mem>>
      %dma_start3A_80 = arith.constant 0 : i32
      %dma_start3A_81 = arith.constant 0 : i32
      %dma_start3A_82 = tpu.memref_slice %arg10[%dma_start3A_80, %dma_start3A_81] : memref<96x144xf32, #tpu.memory_space<vmem>> -> memref<64x144xf32, #tpu.memory_space<vmem>>
      %dma_start3A_83 = arith.constant 0 : i32
      %dma_start3A_84 = tpu.memref_slice %arg12[%add3A_20, %dma_start3A_83] : memref<10240x144xf32, #tpu.memory_space<vmem_shared>> -> memref<64x144xf32, #tpu.memory_space<vmem_shared>>
      %dma_start3A_85 = arith.constant 0 : i32
      %dma_start3A_86 = tpu.memref_slice %arg12[%add3A_20, %dma_start3A_85] : memref<10240x144xf32, #tpu.memory_space<vmem_shared>> -> memref<64x144xf32, #tpu.memory_space<vmem_shared>>
      %dma_start3A_87 = arith.constant 0 : i32
      %dma_start3A_88 = arith.constant 0 : i32
      %dma_start3A_89 = tpu.memref_slice %arg10[%dma_start3A_87, %dma_start3A_88] : memref<96x144xf32, #tpu.memory_space<vmem>> -> memref<64x144xf32, #tpu.memory_space<vmem>>
      tpu.enqueue_dma source(%dma_start3A_89 : memref<64x144xf32, #tpu.memory_space<vmem>>) target(%dma_start3A_86 : memref<64x144xf32, #tpu.memory_space<vmem_shared>>) target_semaphore(%run_scoped3A_79 : memref<!tpu.dma_semaphore, #tpu.memory_space<semaphore_mem>>)
      %dma_wait3A_90 = arith.constant 0 : i32
      %dma_wait3A_91 = arith.constant 0 : i32
      %dma_wait3A_92 = tpu.memref_slice %arg10[%dma_wait3A_90, %dma_wait3A_91] : memref<96x144xf32, #tpu.memory_space<vmem>> -> memref<64x144xf32, #tpu.memory_space<vmem>>
      %dma_wait3A_93 = arith.constant 0 : i32
      %dma_wait3A_94 = tpu.memref_slice %arg12[%add3A_20, %dma_wait3A_93] : memref<10240x144xf32, #tpu.memory_space<vmem_shared>> -> memref<64x144xf32, #tpu.memory_space<vmem_shared>>
      %dma_wait3A_95 = arith.constant 0 : i32
      %dma_wait3A_96 = tpu.memref_slice %arg12[%add3A_20, %dma_wait3A_95] : memref<10240x144xf32, #tpu.memory_space<vmem_shared>> -> memref<64x144xf32, #tpu.memory_space<vmem_shared>>
      %dma_wait3A_97 = arith.constant 0 : i32
      %dma_wait3A_98 = arith.constant 0 : i32
      %dma_wait3A_99 = tpu.memref_slice %arg10[%dma_wait3A_97, %dma_wait3A_98] : memref<96x144xf32, #tpu.memory_space<vmem>> -> memref<64x144xf32, #tpu.memory_space<vmem>>
      tpu.wait_dma2 semaphore(%run_scoped3A_79 : memref<!tpu.dma_semaphore, #tpu.memory_space<semaphore_mem>>) src(%dma_wait3A_99 : memref<64x144xf32, #tpu.memory_space<vmem>>) dst(%dma_wait3A_96 : memref<64x144xf32, #tpu.memory_space<vmem_shared>>)
      tpu.yield
    }) : () -> ()
    %barrier3A = arith.constant 0 : index
    tpu.barrier barrier_id(%barrier3A)
    %mul3A_21 = arith.constant 0 : i32
    %mul3A_22 = vector.broadcast %mul3A_21 : i32 to vector<16xi32>
    %mul3A_23 = arith.muli %iota3A, %mul3A_22 : vector<16xi32>
    %add3A_24 = arith.constant 0 : i32
    %add3A_25 = vector.broadcast %add3A_24 : i32 to vector<16xi32>
    %add3A_26 = arith.addi %mul3A_23, %add3A_25 : vector<16xi32>
    %mul3A_27 = arith.constant 0 : i32
    %mul3A_28 = vector.broadcast %mul3A_27 : i32 to vector<16xi32>
    %mul3A_29 = arith.muli %iota3A, %mul3A_28 : vector<16xi32>
    %add3A_30 = arith.constant 1 : i32
    %add3A_31 = vector.broadcast %add3A_30 : i32 to vector<16xi32>
    %add3A_32 = arith.addi %mul3A_29, %add3A_31 : vector<16xi32>
    %mul3A_33 = arith.constant 0 : i32
    %mul3A_34 = vector.broadcast %mul3A_33 : i32 to vector<16xi32>
    %mul3A_35 = arith.muli %iota3A, %mul3A_34 : vector<16xi32>
    %add3A_36 = arith.constant 2 : i32
    %add3A_37 = vector.broadcast %add3A_36 : i32 to vector<16xi32>
    %add3A_38 = arith.addi %mul3A_35, %add3A_37 : vector<16xi32>
    %mul3A_39 = arith.constant 0 : i32
    %mul3A_40 = vector.broadcast %mul3A_39 : i32 to vector<16xi32>
    %mul3A_41 = arith.muli %iota3A, %mul3A_40 : vector<16xi32>
    %add3A_42 = arith.constant 3 : i32
    %add3A_43 = vector.broadcast %add3A_42 : i32 to vector<16xi32>
    %add3A_44 = arith.addi %mul3A_41, %add3A_43 : vector<16xi32>
    %run_scoped3A = arith.constant 0 : i32
    "tpu.region"() ({
      %run_scoped3A_79 = tpu.sem_alloc : memref<!tpu.dma_semaphore, #tpu.memory_space<semaphore_mem>>
      %dma_start3A_80 = arith.constant 0 : i32
      %dma_start3A_81 = arith.constant 0 : i32
      %dma_start3A_82 = tpu.memref_slice %arg4[%add3A, %run_scoped3A, %dma_start3A_80, %dma_start3A_81] : memref<32x108x2x96xi32, #tpu.memory_space<hbm>> -> memref<1x1x2x96xi32, #tpu.memory_space<hbm>>
      %dma_start3A_83 = tpu.memref_squeeze %dma_start3A_82 : memref<1x1x2x96xi32, #tpu.memory_space<hbm>> -> memref<2x96xi32, #tpu.memory_space<hbm>>
      %dma_start3A_84 = arith.constant 0 : i32
      %dma_start3A_85 = arith.constant 0 : i32
      %dma_start3A_86 = tpu.memref_slice %arg4[%add3A, %run_scoped3A, %dma_start3A_84, %dma_start3A_85] : memref<32x108x2x96xi32, #tpu.memory_space<hbm>> -> memref<1x1x2x96xi32, #tpu.memory_space<hbm>>
      %dma_start3A_87 = tpu.memref_squeeze %dma_start3A_86 : memref<1x1x2x96xi32, #tpu.memory_space<hbm>> -> memref<2x96xi32, #tpu.memory_space<hbm>>
      tpu.enqueue_dma source(%dma_start3A_87 : memref<2x96xi32, #tpu.memory_space<hbm>>) target(%arg6 : memref<2x96xi32, #tpu.memory_space<vmem>>) target_semaphore(%run_scoped3A_79 : memref<!tpu.dma_semaphore, #tpu.memory_space<semaphore_mem>>)
      %dma_wait3A_88 = arith.constant 0 : i32
      %dma_wait3A_89 = arith.constant 0 : i32
      %dma_wait3A_90 = tpu.memref_slice %arg4[%add3A, %run_scoped3A, %dma_wait3A_88, %dma_wait3A_89] : memref<32x108x2x96xi32, #tpu.memory_space<hbm>> -> memref<1x1x2x96xi32, #tpu.memory_space<hbm>>
      %dma_wait3A_91 = tpu.memref_squeeze %dma_wait3A_90 : memref<1x1x2x96xi32, #tpu.memory_space<hbm>> -> memref<2x96xi32, #tpu.memory_space<hbm>>
      %dma_wait3A_92 = arith.constant 0 : i32
      %dma_wait3A_93 = arith.constant 0 : i32
      %dma_wait3A_94 = tpu.memref_slice %arg4[%add3A, %run_scoped3A, %dma_wait3A_92, %dma_wait3A_93] : memref<32x108x2x96xi32, #tpu.memory_space<hbm>> -> memref<1x1x2x96xi32, #tpu.memory_space<hbm>>
      %dma_wait3A_95 = tpu.memref_squeeze %dma_wait3A_94 : memref<1x1x2x96xi32, #tpu.memory_space<hbm>> -> memref<2x96xi32, #tpu.memory_space<hbm>>
      tpu.wait_dma2 semaphore(%run_scoped3A_79 : memref<!tpu.dma_semaphore, #tpu.memory_space<semaphore_mem>>) src(%dma_wait3A_95 : memref<2x96xi32, #tpu.memory_space<hbm>>) dst(%arg6 : memref<2x96xi32, #tpu.memory_space<vmem>>)
      tpu.yield
    }) : () -> ()
    %dma_start3A = arith.constant 0 : i32
    %dma_start3A_45 = arith.constant 0 : i32
    %dma_start3A_46 = tpu.memref_slice %arg6[%dma_start3A, %dma_start3A_45] : memref<2x96xi32, #tpu.memory_space<vmem>> -> memref<1x96xi32, #tpu.memory_space<vmem>>
    %dma_start3A_47 = tpu.memref_squeeze %dma_start3A_46 : memref<1x96xi32, #tpu.memory_space<vmem>> -> memref<96xi32, #tpu.memory_space<vmem>>
    %dma_start3A_48 = arith.constant 0 : i32
    %dma_start3A_49 = arith.constant 0 : i32
    %dma_start3A_50 = tpu.memref_slice %arg2[%dma_start3A_48, %dma_start3A_49] : memref<10240x144xf32, #tpu.memory_space<hbm>> -> memref<10240x144xf32, #tpu.memory_space<hbm>>
    tpu.enqueue_indirect_dma source(%dma_start3A_50 : memref<10240x144xf32, #tpu.memory_space<hbm>>) target(%arg10 : memref<96x144xf32, #tpu.memory_space<vmem>>) offsets(%dma_start3A_47 : memref<96xi32, #tpu.memory_space<vmem>>) semaphore(%arg13 : memref<!tpu.dma_semaphore, #tpu.memory_space<semaphore_mem>>)
    %dma_start3A_51 = arith.constant 1 : i32
    %dma_start3A_52 = arith.constant 0 : i32
    %dma_start3A_53 = tpu.memref_slice %arg6[%dma_start3A_51, %dma_start3A_52] : memref<2x96xi32, #tpu.memory_space<vmem>> -> memref<1x96xi32, #tpu.memory_space<vmem>>
    %dma_start3A_54 = tpu.memref_squeeze %dma_start3A_53 : memref<1x96xi32, #tpu.memory_space<vmem>> -> memref<96xi32, #tpu.memory_space<vmem>>
    %dma_start3A_55 = arith.constant 0 : i32
    %dma_start3A_56 = arith.constant 0 : i32
    %dma_start3A_57 = tpu.memref_slice %arg3[%dma_start3A_55, %dma_start3A_56] : memref<10240x16xf32, #tpu.memory_space<hbm>> -> memref<10240x16xf32, #tpu.memory_space<hbm>>
    tpu.enqueue_indirect_dma source(%dma_start3A_57 : memref<10240x16xf32, #tpu.memory_space<hbm>>) target(%arg8 : memref<96x16xf32, #tpu.memory_space<vmem>>) offsets(%dma_start3A_54 : memref<96xi32, #tpu.memory_space<vmem>>) semaphore(%arg13 : memref<!tpu.dma_semaphore, #tpu.memory_space<semaphore_mem>>)
    %scan3A_58 = arith.constant 0 : i32
    %scan3A_59 = arith.constant 0 : i32
    %scan3A_60 = arith.constant 54 : i32
    %scan3A_61 = arith.addi %scan3A_59, %scan3A_60 : i32
    %scan3A_62 = arith.constant 1 : i32
    %scan3A_63 = scf.for %scan3A_79 = %scan3A_59 to %scan3A_61 step %scan3A_62 iter_args(%scan3A_80 = %scan3A_58) -> (i32)  : i32 {
      %mul3A_81 = arith.constant 2 : i32
      %mul3A_82 = arith.muli %mul3A_81, %scan3A_79 : i32
      %lt3A = arith.constant 107 : i32
      %lt3A_83 = arith.cmpi slt, %mul3A_82, %lt3A : i32
      %convert_element_type3A_84 = arith.extui %lt3A_83 : i1 to i32
      %cond3A = arith.constant 0 : i32
      %cond3A_85 = arith.cmpi ne, %convert_element_type3A_84, %cond3A : i32
      scf.if %cond3A_85 {
        %gt3A = arith.constant 0 : i32
        %gt3A_152 = arith.cmpi sgt, %mul3A_82, %gt3A : i32
        %convert_element_type3A_153 = arith.extui %gt3A_152 : i1 to i32
        %cond3A_154 = arith.constant 0 : i32
        %cond3A_155 = arith.cmpi ne, %convert_element_type3A_153, %cond3A_154 : i32
        scf.if %cond3A_155 {
          %dma_wait3A_172 = arith.constant 1 : i32
          %dma_wait3A_173 = arith.constant 0 : i32
          %dma_wait3A_174 = tpu.memref_slice %arg6[%dma_wait3A_172, %dma_wait3A_173] : memref<2x96xi32, #tpu.memory_space<vmem>> -> memref<1x96xi32, #tpu.memory_space<vmem>>
          %dma_wait3A_175 = tpu.memref_squeeze %dma_wait3A_174 : memref<1x96xi32, #tpu.memory_space<vmem>> -> memref<96xi32, #tpu.memory_space<vmem>>
          %dma_wait3A_176 = arith.constant 0 : i32
          %dma_wait3A_177 = arith.constant 0 : i32
          %dma_wait3A_178 = tpu.memref_slice %arg12[%dma_wait3A_176, %dma_wait3A_177] : memref<10240x144xf32, #tpu.memory_space<vmem_shared>> -> memref<10240x144xf32, #tpu.memory_space<vmem_shared>>
          tpu.wait_indirect_dma semaphore(%arg16 : memref<!tpu.dma_semaphore, #tpu.memory_space<semaphore_mem>>) src(%arg11 : memref<96x144xf32, #tpu.memory_space<vmem>>) dst(%dma_wait3A_178 : memref<10240x144xf32, #tpu.memory_space<vmem_shared>>)
        } else {
        }
        %add3A_156 = arith.constant 1 : i32
        %add3A_157 = arith.addi %mul3A_82, %add3A_156 : i32
        "tpu.region"() ({
          %run_scoped3A_172 = tpu.sem_alloc : memref<!tpu.dma_semaphore, #tpu.memory_space<semaphore_mem>>
          %dma_start3A_173 = arith.constant 0 : i32
          %dma_start3A_174 = arith.constant 0 : i32
          %dma_start3A_175 = tpu.memref_slice %arg4[%add3A, %add3A_157, %dma_start3A_173, %dma_start3A_174] : memref<32x108x2x96xi32, #tpu.memory_space<hbm>> -> memref<1x1x2x96xi32, #tpu.memory_space<hbm>>
          %dma_start3A_176 = tpu.memref_squeeze %dma_start3A_175 : memref<1x1x2x96xi32, #tpu.memory_space<hbm>> -> memref<2x96xi32, #tpu.memory_space<hbm>>
          %dma_start3A_177 = arith.constant 0 : i32
          %dma_start3A_178 = arith.constant 0 : i32
          %dma_start3A_179 = tpu.memref_slice %arg4[%add3A, %add3A_157, %dma_start3A_177, %dma_start3A_178] : memref<32x108x2x96xi32, #tpu.memory_space<hbm>> -> memref<1x1x2x96xi32, #tpu.memory_space<hbm>>
          %dma_start3A_180 = tpu.memref_squeeze %dma_start3A_179 : memref<1x1x2x96xi32, #tpu.memory_space<hbm>> -> memref<2x96xi32, #tpu.memory_space<hbm>>
          tpu.enqueue_dma source(%dma_start3A_180 : memref<2x96xi32, #tpu.memory_space<hbm>>) target(%arg7 : memref<2x96xi32, #tpu.memory_space<vmem>>) target_semaphore(%run_scoped3A_172 : memref<!tpu.dma_semaphore, #tpu.memory_space<semaphore_mem>>)
          %dma_wait3A_181 = arith.constant 0 : i32
          %dma_wait3A_182 = arith.constant 0 : i32
          %dma_wait3A_183 = tpu.memref_slice %arg4[%add3A, %add3A_157, %dma_wait3A_181, %dma_wait3A_182] : memref<32x108x2x96xi32, #tpu.memory_space<hbm>> -> memref<1x1x2x96xi32, #tpu.memory_space<hbm>>
          %dma_wait3A_184 = tpu.memref_squeeze %dma_wait3A_183 : memref<1x1x2x96xi32, #tpu.memory_space<hbm>> -> memref<2x96xi32, #tpu.memory_space<hbm>>
          %dma_wait3A_185 = arith.constant 0 : i32
          %dma_wait3A_186 = arith.constant 0 : i32
          %dma_wait3A_187 = tpu.memref_slice %arg4[%add3A, %add3A_157, %dma_wait3A_185, %dma_wait3A_186] : memref<32x108x2x96xi32, #tpu.memory_space<hbm>> -> memref<1x1x2x96xi32, #tpu.memory_space<hbm>>
          %dma_wait3A_188 = tpu.memref_squeeze %dma_wait3A_187 : memref<1x1x2x96xi32, #tpu.memory_space<hbm>> -> memref<2x96xi32, #tpu.memory_space<hbm>>
          tpu.wait_dma2 semaphore(%run_scoped3A_172 : memref<!tpu.dma_semaphore, #tpu.memory_space<semaphore_mem>>) src(%dma_wait3A_188 : memref<2x96xi32, #tpu.memory_space<hbm>>) dst(%arg7 : memref<2x96xi32, #tpu.memory_space<vmem>>)
          tpu.yield
        }) : () -> ()
        %dma_start3A_158 = arith.constant 0 : i32
        %dma_start3A_159 = arith.constant 0 : i32
        %dma_start3A_160 = tpu.memref_slice %arg7[%dma_start3A_158, %dma_start3A_159] : memref<2x96xi32, #tpu.memory_space<vmem>> -> memref<1x96xi32, #tpu.memory_space<vmem>>
        %dma_start3A_161 = tpu.memref_squeeze %dma_start3A_160 : memref<1x96xi32, #tpu.memory_space<vmem>> -> memref<96xi32, #tpu.memory_space<vmem>>
        %dma_start3A_162 = arith.constant 0 : i32
        %dma_start3A_163 = arith.constant 0 : i32
        %dma_start3A_164 = tpu.memref_slice %arg2[%dma_start3A_162, %dma_start3A_163] : memref<10240x144xf32, #tpu.memory_space<hbm>> -> memref<10240x144xf32, #tpu.memory_space<hbm>>
        tpu.enqueue_indirect_dma source(%dma_start3A_164 : memref<10240x144xf32, #tpu.memory_space<hbm>>) target(%arg11 : memref<96x144xf32, #tpu.memory_space<vmem>>) offsets(%dma_start3A_161 : memref<96xi32, #tpu.memory_space<vmem>>) semaphore(%arg14 : memref<!tpu.dma_semaphore, #tpu.memory_space<semaphore_mem>>)
        %dma_start3A_165 = arith.constant 1 : i32
        %dma_start3A_166 = arith.constant 0 : i32
        %dma_start3A_167 = tpu.memref_slice %arg7[%dma_start3A_165, %dma_start3A_166] : memref<2x96xi32, #tpu.memory_space<vmem>> -> memref<1x96xi32, #tpu.memory_space<vmem>>
        %dma_start3A_168 = tpu.memref_squeeze %dma_start3A_167 : memref<1x96xi32, #tpu.memory_space<vmem>> -> memref<96xi32, #tpu.memory_space<vmem>>
        %dma_start3A_169 = arith.constant 0 : i32
        %dma_start3A_170 = arith.constant 0 : i32
        %dma_start3A_171 = tpu.memref_slice %arg3[%dma_start3A_169, %dma_start3A_170] : memref<10240x16xf32, #tpu.memory_space<hbm>> -> memref<10240x16xf32, #tpu.memory_space<hbm>>
        tpu.enqueue_indirect_dma source(%dma_start3A_171 : memref<10240x16xf32, #tpu.memory_space<hbm>>) target(%arg9 : memref<96x16xf32, #tpu.memory_space<vmem>>) offsets(%dma_start3A_168 : memref<96xi32, #tpu.memory_space<vmem>>) semaphore(%arg14 : memref<!tpu.dma_semaphore, #tpu.memory_space<semaphore_mem>>)
      } else {
      }
      %dma_wait3A_86 = arith.constant 0 : i32
      %dma_wait3A_87 = arith.constant 0 : i32
      %dma_wait3A_88 = tpu.memref_slice %arg6[%dma_wait3A_86, %dma_wait3A_87] : memref<2x96xi32, #tpu.memory_space<vmem>> -> memref<1x96xi32, #tpu.memory_space<vmem>>
      %dma_wait3A_89 = tpu.memref_squeeze %dma_wait3A_88 : memref<1x96xi32, #tpu.memory_space<vmem>> -> memref<96xi32, #tpu.memory_space<vmem>>
      %dma_wait3A_90 = arith.constant 0 : i32
      %dma_wait3A_91 = arith.constant 0 : i32
      %dma_wait3A_92 = tpu.memref_slice %arg2[%dma_wait3A_90, %dma_wait3A_91] : memref<10240x144xf32, #tpu.memory_space<hbm>> -> memref<10240x144xf32, #tpu.memory_space<hbm>>
      tpu.wait_indirect_dma semaphore(%arg13 : memref<!tpu.dma_semaphore, #tpu.memory_space<semaphore_mem>>) src(%dma_wait3A_92 : memref<10240x144xf32, #tpu.memory_space<hbm>>) dst(%arg10 : memref<96x144xf32, #tpu.memory_space<vmem>>)
      %dma_wait3A_93 = arith.constant 1 : i32
      %dma_wait3A_94 = arith.constant 0 : i32
      %dma_wait3A_95 = tpu.memref_slice %arg6[%dma_wait3A_93, %dma_wait3A_94] : memref<2x96xi32, #tpu.memory_space<vmem>> -> memref<1x96xi32, #tpu.memory_space<vmem>>
      %dma_wait3A_96 = tpu.memref_squeeze %dma_wait3A_95 : memref<1x96xi32, #tpu.memory_space<vmem>> -> memref<96xi32, #tpu.memory_space<vmem>>
      %dma_wait3A_97 = arith.constant 0 : i32
      %dma_wait3A_98 = arith.constant 0 : i32
      %dma_wait3A_99 = tpu.memref_slice %arg3[%dma_wait3A_97, %dma_wait3A_98] : memref<10240x16xf32, #tpu.memory_space<hbm>> -> memref<10240x16xf32, #tpu.memory_space<hbm>>
      tpu.wait_indirect_dma semaphore(%arg13 : memref<!tpu.dma_semaphore, #tpu.memory_space<semaphore_mem>>) src(%dma_wait3A_99 : memref<10240x16xf32, #tpu.memory_space<hbm>>) dst(%arg8 : memref<96x16xf32, #tpu.memory_space<vmem>>)
      %scan3A_100 = arith.constant 0 : i32
      %scan3A_101 = arith.constant 0 : i32
      %scan3A_102 = arith.constant 48 : i32
      %scan3A_103 = arith.addi %scan3A_101, %scan3A_102 : i32
      %scan3A_104 = arith.constant 1 : i32
      %scan3A_105 = scf.for %scan3A_152 = %scan3A_101 to %scan3A_103 step %scan3A_104 iter_args(%scan3A_153 = %scan3A_100) -> (i32)  : i32 {
        %mul3A_154 = arith.constant 2 : i32
        %mul3A_155 = arith.muli %scan3A_152, %mul3A_154 : i32
        %add3A_156 = arith.constant 0 : i32
        %add3A_157 = arith.addi %mul3A_155, %add3A_156 : i32
        %get3A = arith.index_cast %add3A_157 : i32 to index
        %get3A_158 = arith.constant 128 : index
        %get3A_159 = tpu.vector_load %arg10[%get3A, %get3A_158] {strides = array<i32>} : memref<96x144xf32, #tpu.memory_space<vmem>>, vector<1x16xf32>,
        %get3A_160 = vector.shape_cast %get3A_159 : vector<1x16xf32> to vector<16xf32>
        %get3A_161 = arith.index_cast %add3A_157 : i32 to index
        %get3A_162 = arith.constant 0 : index
        %get3A_163 = tpu.vector_load %arg8[%get3A_161, %get3A_162] {strides = array<i32>} : memref<96x16xf32, #tpu.memory_space<vmem>>, vector<1x16xf32>,
        %get3A_164 = vector.shape_cast %get3A_163 : vector<1x16xf32> to vector<16xf32>
        %add3A_165 = arith.addf %get3A_160, %get3A_164 : vector<16xf32>
        %gt3A = arith.constant 0.000000e+00 : f32
        %gt3A_166 = vector.broadcast %gt3A : f32 to vector<16xf32>
        %gt3A_167 = arith.cmpf ogt, %add3A_165, %gt3A_166 : vector<16xf32>
        %mul3A_168 = arith.constant 2.000000e-01 : f32
        %mul3A_169 = vector.broadcast %mul3A_168 : f32 to vector<16xf32>
        %mul3A_170 = arith.mulf %mul3A_169, %add3A_165 : vector<16xf32>
        %select_n3A = arith.select %gt3A_167, %add3A_165, %mul3A_170 : vector<16xi1>, vector<16xf32>
        %exp3A = math.exp %select_n3A : vector<16xf32>
        %swap3A = arith.index_cast %add3A_157 : i32 to index
        %swap3A_171 = arith.constant 128 : index
        %swap3A_172 = tpu.vector_load %arg10[%swap3A, %swap3A_171] {strides = array<i32>} : memref<96x144xf32, #tpu.memory_space<vmem>>, vector<1x16xf32>,
        %swap3A_173 = vector.shape_cast %swap3A_172 : vector<1x16xf32> to vector<16xf32>
        %swap3A_174 = vector.shape_cast %exp3A : vector<16xf32> to vector<1x16xf32>
        tpu.vector_store %arg10[%swap3A, %swap3A_171], %swap3A_174 {strides = array<i32>} : memref<96x144xf32, #tpu.memory_space<vmem>>, vector<1x16xf32>,
        %broadcast_in_dim3A = vector.shape_cast %add3A_26 : vector<16xi32> to vector<16x1xi32>
        %gather3A = vector.shape_cast %broadcast_in_dim3A : vector<16x1xi32> to vector<16xi32>
        %gather3A_175 = tpu.dynamic_gather %exp3A[%gather3A] in [0] : vector<16xf32>, vector<16xi32> -> vector<16xf32>
        %get3A_176 = arith.index_cast %add3A_157 : i32 to index
        %get3A_177 = arith.constant 0 : index
        %get3A_178 = tpu.vector_load %arg10[%get3A_176, %get3A_177] {strides = array<i32>} : memref<96x144xf32, #tpu.memory_space<vmem>>, vector<1x16xf32>,
        %get3A_179 = vector.shape_cast %get3A_178 : vector<1x16xf32> to vector<16xf32>
        %mul3A_180 = arith.mulf %get3A_179, %gather3A_175 : vector<16xf32>
        %swap3A_181 = arith.index_cast %add3A_157 : i32 to index
        %swap3A_182 = arith.constant 0 : index
        %swap3A_183 = tpu.vector_load %arg10[%swap3A_181, %swap3A_182] {strides = array<i32>} : memref<96x144xf32, #tpu.memory_space<vmem>>, vector<1x16xf32>,
        %swap3A_184 = vector.shape_cast %swap3A_183 : vector<1x16xf32> to vector<16xf32>
        %swap3A_185 = vector.shape_cast %mul3A_180 : vector<16xf32> to vector<1x16xf32>
        tpu.vector_store %arg10[%swap3A_181, %swap3A_182], %swap3A_185 {strides = array<i32>} : memref<96x144xf32, #tpu.memory_space<vmem>>, vector<1x16xf32>,
        %get3A_186 = arith.index_cast %add3A_157 : i32 to index
        %get3A_187 = arith.constant 16 : index
        %get3A_188 = tpu.vector_load %arg10[%get3A_186, %get3A_187] {strides = array<i32>} : memref<96x144xf32, #tpu.memory_space<vmem>>, vector<1x16xf32>,
        %get3A_189 = vector.shape_cast %get3A_188 : vector<1x16xf32> to vector<16xf32>
        %mul3A_190 = arith.mulf %get3A_189, %gather3A_175 : vector<16xf32>
        %swap3A_191 = arith.index_cast %add3A_157 : i32 to index
        %swap3A_192 = arith.constant 16 : index
        %swap3A_193 = tpu.vector_load %arg10[%swap3A_191, %swap3A_192] {strides = array<i32>} : memref<96x144xf32, #tpu.memory_space<vmem>>, vector<1x16xf32>,
        %swap3A_194 = vector.shape_cast %swap3A_193 : vector<1x16xf32> to vector<16xf32>
        %swap3A_195 = vector.shape_cast %mul3A_190 : vector<16xf32> to vector<1x16xf32>
        tpu.vector_store %arg10[%swap3A_191, %swap3A_192], %swap3A_195 {strides = array<i32>} : memref<96x144xf32, #tpu.memory_space<vmem>>, vector<1x16xf32>,
        %broadcast_in_dim3A_196 = vector.shape_cast %add3A_32 : vector<16xi32> to vector<16x1xi32>
        %gather3A_197 = vector.shape_cast %broadcast_in_dim3A_196 : vector<16x1xi32> to vector<16xi32>
        %gather3A_198 = tpu.dynamic_gather %exp3A[%gather3A_197] in [0] : vector<16xf32>, vector<16xi32> -> vector<16xf32>
        %get3A_199 = arith.index_cast %add3A_157 : i32 to index
        %get3A_200 = arith.constant 32 : index
        %get3A_201 = tpu.vector_load %arg10[%get3A_199, %get3A_200] {strides = array<i32>} : memref<96x144xf32, #tpu.memory_space<vmem>>, vector<1x16xf32>,
        %get3A_202 = vector.shape_cast %get3A_201 : vector<1x16xf32> to vector<16xf32>
        %mul3A_203 = arith.mulf %get3A_202, %gather3A_198 : vector<16xf32>
        %swap3A_204 = arith.index_cast %add3A_157 : i32 to index
        %swap3A_205 = arith.constant 32 : index
        %swap3A_206 = tpu.vector_load %arg10[%swap3A_204, %swap3A_205] {strides = array<i32>} : memref<96x144xf32, #tpu.memory_space<vmem>>, vector<1x16xf32>,
        %swap3A_207 = vector.shape_cast %swap3A_206 : vector<1x16xf32> to vector<16xf32>
        %swap3A_208 = vector.shape_cast %mul3A_203 : vector<16xf32> to vector<1x16xf32>
        tpu.vector_store %arg10[%swap3A_204, %swap3A_205], %swap3A_208 {strides = array<i32>} : memref<96x144xf32, #tpu.memory_space<vmem>>, vector<1x16xf32>,
        %get3A_209 = arith.index_cast %add3A_157 : i32 to index
        %get3A_210 = arith.constant 48 : index
        %get3A_211 = tpu.vector_load %arg10[%get3A_209, %get3A_210] {strides = array<i32>} : memref<96x144xf32, #tpu.memory_space<vmem>>, vector<1x16xf32>,
        %get3A_212 = vector.shape_cast %get3A_211 : vector<1x16xf32> to vector<16xf32>
        %mul3A_213 = arith.mulf %get3A_212, %gather3A_198 : vector<16xf32>
        %swap3A_214 = arith.index_cast %add3A_157 : i32 to index
        %swap3A_215 = arith.constant 48 : index
        %swap3A_216 = tpu.vector_load %arg10[%swap3A_214, %swap3A_215] {strides = array<i32>} : memref<96x144xf32, #tpu.memory_space<vmem>>, vector<1x16xf32>,
        %swap3A_217 = vector.shape_cast %swap3A_216 : vector<1x16xf32> to vector<16xf32>
        %swap3A_218 = vector.shape_cast %mul3A_213 : vector<16xf32> to vector<1x16xf32>
        tpu.vector_store %arg10[%swap3A_214, %swap3A_215], %swap3A_218 {strides = array<i32>} : memref<96x144xf32, #tpu.memory_space<vmem>>, vector<1x16xf32>,
        %broadcast_in_dim3A_219 = vector.shape_cast %add3A_38 : vector<16xi32> to vector<16x1xi32>
        %gather3A_220 = vector.shape_cast %broadcast_in_dim3A_219 : vector<16x1xi32> to vector<16xi32>
        %gather3A_221 = tpu.dynamic_gather %exp3A[%gather3A_220] in [0] : vector<16xf32>, vector<16xi32> -> vector<16xf32>
        %get3A_222 = arith.index_cast %add3A_157 : i32 to index
        %get3A_223 = arith.constant 64 : index
        %get3A_224 = tpu.vector_load %arg10[%get3A_222, %get3A_223] {strides = array<i32>} : memref<96x144xf32, #tpu.memory_space<vmem>>, vector<1x16xf32>,
        %get3A_225 = vector.shape_cast %get3A_224 : vector<1x16xf32> to vector<16xf32>
        %mul3A_226 = arith.mulf %get3A_225, %gather3A_221 : vector<16xf32>
        %swap3A_227 = arith.index_cast %add3A_157 : i32 to index
        %swap3A_228 = arith.constant 64 : index
        %swap3A_229 = tpu.vector_load %arg10[%swap3A_227, %swap3A_228] {strides = array<i32>} : memref<96x144xf32, #tpu.memory_space<vmem>>, vector<1x16xf32>,
        %swap3A_230 = vector.shape_cast %swap3A_229 : vector<1x16xf32> to vector<16xf32>
        %swap3A_231 = vector.shape_cast %mul3A_226 : vector<16xf32> to vector<1x16xf32>
        tpu.vector_store %arg10[%swap3A_227, %swap3A_228], %swap3A_231 {strides = array<i32>} : memref<96x144xf32, #tpu.memory_space<vmem>>, vector<1x16xf32>,
        %get3A_232 = arith.index_cast %add3A_157 : i32 to index
        %get3A_233 = arith.constant 80 : index
        %get3A_234 = tpu.vector_load %arg10[%get3A_232, %get3A_233] {strides = array<i32>} : memref<96x144xf32, #tpu.memory_space<vmem>>, vector<1x16xf32>,
        %get3A_235 = vector.shape_cast %get3A_234 : vector<1x16xf32> to vector<16xf32>
        %mul3A_236 = arith.mulf %get3A_235, %gather3A_221 : vector<16xf32>
        %swap3A_237 = arith.index_cast %add3A_157 : i32 to index
        %swap3A_238 = arith.constant 80 : index
        %swap3A_239 = tpu.vector_load %arg10[%swap3A_237, %swap3A_238] {strides = array<i32>} : memref<96x144xf32, #tpu.memory_space<vmem>>, vector<1x16xf32>,
        %swap3A_240 = vector.shape_cast %swap3A_239 : vector<1x16xf32> to vector<16xf32>
        %swap3A_241 = vector.shape_cast %mul3A_236 : vector<16xf32> to vector<1x16xf32>
        tpu.vector_store %arg10[%swap3A_237, %swap3A_238], %swap3A_241 {strides = array<i32>} : memref<96x144xf32, #tpu.memory_space<vmem>>, vector<1x16xf32>,
        %broadcast_in_dim3A_242 = vector.shape_cast %add3A_44 : vector<16xi32> to vector<16x1xi32>
        %gather3A_243 = vector.shape_cast %broadcast_in_dim3A_242 : vector<16x1xi32> to vector<16xi32>
        %gather3A_244 = tpu.dynamic_gather %exp3A[%gather3A_243] in [0] : vector<16xf32>, vector<16xi32> -> vector<16xf32>
        %get3A_245 = arith.index_cast %add3A_157 : i32 to index
        %get3A_246 = arith.constant 96 : index
        %get3A_247 = tpu.vector_load %arg10[%get3A_245, %get3A_246] {strides = array<i32>} : memref<96x144xf32, #tpu.memory_space<vmem>>, vector<1x16xf32>,
        %get3A_248 = vector.shape_cast %get3A_247 : vector<1x16xf32> to vector<16xf32>
        %mul3A_249 = arith.mulf %get3A_248, %gather3A_244 : vector<16xf32>
        %swap3A_250 = arith.index_cast %add3A_157 : i32 to index
        %swap3A_251 = arith.constant 96 : index
        %swap3A_252 = tpu.vector_load %arg10[%swap3A_250, %swap3A_251] {strides = array<i32>} : memref<96x144xf32, #tpu.memory_space<vmem>>, vector<1x16xf32>,
        %swap3A_253 = vector.shape_cast %swap3A_252 : vector<1x16xf32> to vector<16xf32>
        %swap3A_254 = vector.shape_cast %mul3A_249 : vector<16xf32> to vector<1x16xf32>
        tpu.vector_store %arg10[%swap3A_250, %swap3A_251], %swap3A_254 {strides = array<i32>} : memref<96x144xf32, #tpu.memory_space<vmem>>, vector<1x16xf32>,
        %get3A_255 = arith.index_cast %add3A_157 : i32 to index
        %get3A_256 = arith.constant 112 : index
        %get3A_257 = tpu.vector_load %arg10[%get3A_255, %get3A_256] {strides = array<i32>} : memref<96x144xf32, #tpu.memory_space<vmem>>, vector<1x16xf32>,
        %get3A_258 = vector.shape_cast %get3A_257 : vector<1x16xf32> to vector<16xf32>
        %mul3A_259 = arith.mulf %get3A_258, %gather3A_244 : vector<16xf32>
        %swap3A_260 = arith.index_cast %add3A_157 : i32 to index
        %swap3A_261 = arith.constant 112 : index
        %swap3A_262 = tpu.vector_load %arg10[%swap3A_260, %swap3A_261] {strides = array<i32>} : memref<96x144xf32, #tpu.memory_space<vmem>>, vector<1x16xf32>,
        %swap3A_263 = vector.shape_cast %swap3A_262 : vector<1x16xf32> to vector<16xf32>
        %swap3A_264 = vector.shape_cast %mul3A_259 : vector<16xf32> to vector<1x16xf32>
        tpu.vector_store %arg10[%swap3A_260, %swap3A_261], %swap3A_264 {strides = array<i32>} : memref<96x144xf32, #tpu.memory_space<vmem>>, vector<1x16xf32>,
        %mul3A_265 = arith.constant 2 : i32
        %mul3A_266 = arith.muli %scan3A_152, %mul3A_265 : i32
        %add3A_267 = arith.constant 1 : i32
        %add3A_268 = arith.addi %mul3A_266, %add3A_267 : i32
        %get3A_269 = arith.index_cast %add3A_268 : i32 to index
        %get3A_270 = arith.constant 128 : index
        %get3A_271 = tpu.vector_load %arg10[%get3A_269, %get3A_270] {strides = array<i32>} : memref<96x144xf32, #tpu.memory_space<vmem>>, vector<1x16xf32>,
        %get3A_272 = vector.shape_cast %get3A_271 : vector<1x16xf32> to vector<16xf32>
        %get3A_273 = arith.index_cast %add3A_268 : i32 to index
        %get3A_274 = arith.constant 0 : index
        %get3A_275 = tpu.vector_load %arg8[%get3A_273, %get3A_274] {strides = array<i32>} : memref<96x16xf32, #tpu.memory_space<vmem>>, vector<1x16xf32>,
        %get3A_276 = vector.shape_cast %get3A_275 : vector<1x16xf32> to vector<16xf32>
        %add3A_277 = arith.addf %get3A_272, %get3A_276 : vector<16xf32>
        %gt3A_278 = arith.constant 0.000000e+00 : f32
        %gt3A_279 = vector.broadcast %gt3A_278 : f32 to vector<16xf32>
        %gt3A_280 = arith.cmpf ogt, %add3A_277, %gt3A_279 : vector<16xf32>
        %mul3A_281 = arith.constant 2.000000e-01 : f32
        %mul3A_282 = vector.broadcast %mul3A_281 : f32 to vector<16xf32>
        %mul3A_283 = arith.mulf %mul3A_282, %add3A_277 : vector<16xf32>
        %select_n3A_284 = arith.select %gt3A_280, %add3A_277, %mul3A_283 : vector<16xi1>, vector<16xf32>
        %exp3A_285 = math.exp %select_n3A_284 : vector<16xf32>
        %swap3A_286 = arith.index_cast %add3A_268 : i32 to index
        %swap3A_287 = arith.constant 128 : index
        %swap3A_288 = tpu.vector_load %arg10[%swap3A_286, %swap3A_287] {strides = array<i32>} : memref<96x144xf32, #tpu.memory_space<vmem>>, vector<1x16xf32>,
        %swap3A_289 = vector.shape_cast %swap3A_288 : vector<1x16xf32> to vector<16xf32>
        %swap3A_290 = vector.shape_cast %exp3A_285 : vector<16xf32> to vector<1x16xf32>
        tpu.vector_store %arg10[%swap3A_286, %swap3A_287], %swap3A_290 {strides = array<i32>} : memref<96x144xf32, #tpu.memory_space<vmem>>, vector<1x16xf32>,
        %broadcast_in_dim3A_291 = vector.shape_cast %add3A_26 : vector<16xi32> to vector<16x1xi32>
        %gather3A_292 = vector.shape_cast %broadcast_in_dim3A_291 : vector<16x1xi32> to vector<16xi32>
        %gather3A_293 = tpu.dynamic_gather %exp3A_285[%gather3A_292] in [0] : vector<16xf32>, vector<16xi32> -> vector<16xf32>
        %get3A_294 = arith.index_cast %add3A_268 : i32 to index
        %get3A_295 = arith.constant 0 : index
        %get3A_296 = tpu.vector_load %arg10[%get3A_294, %get3A_295] {strides = array<i32>} : memref<96x144xf32, #tpu.memory_space<vmem>>, vector<1x16xf32>,
        %get3A_297 = vector.shape_cast %get3A_296 : vector<1x16xf32> to vector<16xf32>
        %mul3A_298 = arith.mulf %get3A_297, %gather3A_293 : vector<16xf32>
        %swap3A_299 = arith.index_cast %add3A_268 : i32 to index
        %swap3A_300 = arith.constant 0 : index
        %swap3A_301 = tpu.vector_load %arg10[%swap3A_299, %swap3A_300] {strides = array<i32>} : memref<96x144xf32, #tpu.memory_space<vmem>>, vector<1x16xf32>,
        %swap3A_302 = vector.shape_cast %swap3A_301 : vector<1x16xf32> to vector<16xf32>
        %swap3A_303 = vector.shape_cast %mul3A_298 : vector<16xf32> to vector<1x16xf32>
        tpu.vector_store %arg10[%swap3A_299, %swap3A_300], %swap3A_303 {strides = array<i32>} : memref<96x144xf32, #tpu.memory_space<vmem>>, vector<1x16xf32>,
        %get3A_304 = arith.index_cast %add3A_268 : i32 to index
        %get3A_305 = arith.constant 16 : index
        %get3A_306 = tpu.vector_load %arg10[%get3A_304, %get3A_305] {strides = array<i32>} : memref<96x144xf32, #tpu.memory_space<vmem>>, vector<1x16xf32>,
        %get3A_307 = vector.shape_cast %get3A_306 : vector<1x16xf32> to vector<16xf32>
        %mul3A_308 = arith.mulf %get3A_307, %gather3A_293 : vector<16xf32>
        %swap3A_309 = arith.index_cast %add3A_268 : i32 to index
        %swap3A_310 = arith.constant 16 : index
        %swap3A_311 = tpu.vector_load %arg10[%swap3A_309, %swap3A_310] {strides = array<i32>} : memref<96x144xf32, #tpu.memory_space<vmem>>, vector<1x16xf32>,
        %swap3A_312 = vector.shape_cast %swap3A_311 : vector<1x16xf32> to vector<16xf32>
        %swap3A_313 = vector.shape_cast %mul3A_308 : vector<16xf32> to vector<1x16xf32>
        tpu.vector_store %arg10[%swap3A_309, %swap3A_310], %swap3A_313 {strides = array<i32>} : memref<96x144xf32, #tpu.memory_space<vmem>>, vector<1x16xf32>,
        %broadcast_in_dim3A_314 = vector.shape_cast %add3A_32 : vector<16xi32> to vector<16x1xi32>
        %gather3A_315 = vector.shape_cast %broadcast_in_dim3A_314 : vector<16x1xi32> to vector<16xi32>
        %gather3A_316 = tpu.dynamic_gather %exp3A_285[%gather3A_315] in [0] : vector<16xf32>, vector<16xi32> -> vector<16xf32>
        %get3A_317 = arith.index_cast %add3A_268 : i32 to index
        %get3A_318 = arith.constant 32 : index
        %get3A_319 = tpu.vector_load %arg10[%get3A_317, %get3A_318] {strides = array<i32>} : memref<96x144xf32, #tpu.memory_space<vmem>>, vector<1x16xf32>,
        %get3A_320 = vector.shape_cast %get3A_319 : vector<1x16xf32> to vector<16xf32>
        %mul3A_321 = arith.mulf %get3A_320, %gather3A_316 : vector<16xf32>
        %swap3A_322 = arith.index_cast %add3A_268 : i32 to index
        %swap3A_323 = arith.constant 32 : index
        %swap3A_324 = tpu.vector_load %arg10[%swap3A_322, %swap3A_323] {strides = array<i32>} : memref<96x144xf32, #tpu.memory_space<vmem>>, vector<1x16xf32>,
        %swap3A_325 = vector.shape_cast %swap3A_324 : vector<1x16xf32> to vector<16xf32>
        %swap3A_326 = vector.shape_cast %mul3A_321 : vector<16xf32> to vector<1x16xf32>
        tpu.vector_store %arg10[%swap3A_322, %swap3A_323], %swap3A_326 {strides = array<i32>} : memref<96x144xf32, #tpu.memory_space<vmem>>, vector<1x16xf32>,
        %get3A_327 = arith.index_cast %add3A_268 : i32 to index
        %get3A_328 = arith.constant 48 : index
        %get3A_329 = tpu.vector_load %arg10[%get3A_327, %get3A_328] {strides = array<i32>} : memref<96x144xf32, #tpu.memory_space<vmem>>, vector<1x16xf32>,
        %get3A_330 = vector.shape_cast %get3A_329 : vector<1x16xf32> to vector<16xf32>
        %mul3A_331 = arith.mulf %get3A_330, %gather3A_316 : vector<16xf32>
        %swap3A_332 = arith.index_cast %add3A_268 : i32 to index
        %swap3A_333 = arith.constant 48 : index
        %swap3A_334 = tpu.vector_load %arg10[%swap3A_332, %swap3A_333] {strides = array<i32>} : memref<96x144xf32, #tpu.memory_space<vmem>>, vector<1x16xf32>,
        %swap3A_335 = vector.shape_cast %swap3A_334 : vector<1x16xf32> to vector<16xf32>
        %swap3A_336 = vector.shape_cast %mul3A_331 : vector<16xf32> to vector<1x16xf32>
        tpu.vector_store %arg10[%swap3A_332, %swap3A_333], %swap3A_336 {strides = array<i32>} : memref<96x144xf32, #tpu.memory_space<vmem>>, vector<1x16xf32>,
        %broadcast_in_dim3A_337 = vector.shape_cast %add3A_38 : vector<16xi32> to vector<16x1xi32>
        %gather3A_338 = vector.shape_cast %broadcast_in_dim3A_337 : vector<16x1xi32> to vector<16xi32>
        %gather3A_339 = tpu.dynamic_gather %exp3A_285[%gather3A_338] in [0] : vector<16xf32>, vector<16xi32> -> vector<16xf32>
        %get3A_340 = arith.index_cast %add3A_268 : i32 to index
        %get3A_341 = arith.constant 64 : index
        %get3A_342 = tpu.vector_load %arg10[%get3A_340, %get3A_341] {strides = array<i32>} : memref<96x144xf32, #tpu.memory_space<vmem>>, vector<1x16xf32>,
        %get3A_343 = vector.shape_cast %get3A_342 : vector<1x16xf32> to vector<16xf32>
        %mul3A_344 = arith.mulf %get3A_343, %gather3A_339 : vector<16xf32>
        %swap3A_345 = arith.index_cast %add3A_268 : i32 to index
        %swap3A_346 = arith.constant 64 : index
        %swap3A_347 = tpu.vector_load %arg10[%swap3A_345, %swap3A_346] {strides = array<i32>} : memref<96x144xf32, #tpu.memory_space<vmem>>, vector<1x16xf32>,
        %swap3A_348 = vector.shape_cast %swap3A_347 : vector<1x16xf32> to vector<16xf32>
        %swap3A_349 = vector.shape_cast %mul3A_344 : vector<16xf32> to vector<1x16xf32>
        tpu.vector_store %arg10[%swap3A_345, %swap3A_346], %swap3A_349 {strides = array<i32>} : memref<96x144xf32, #tpu.memory_space<vmem>>, vector<1x16xf32>,
        %get3A_350 = arith.index_cast %add3A_268 : i32 to index
        %get3A_351 = arith.constant 80 : index
        %get3A_352 = tpu.vector_load %arg10[%get3A_350, %get3A_351] {strides = array<i32>} : memref<96x144xf32, #tpu.memory_space<vmem>>, vector<1x16xf32>,
        %get3A_353 = vector.shape_cast %get3A_352 : vector<1x16xf32> to vector<16xf32>
        %mul3A_354 = arith.mulf %get3A_353, %gather3A_339 : vector<16xf32>
        %swap3A_355 = arith.index_cast %add3A_268 : i32 to index
        %swap3A_356 = arith.constant 80 : index
        %swap3A_357 = tpu.vector_load %arg10[%swap3A_355, %swap3A_356] {strides = array<i32>} : memref<96x144xf32, #tpu.memory_space<vmem>>, vector<1x16xf32>,
        %swap3A_358 = vector.shape_cast %swap3A_357 : vector<1x16xf32> to vector<16xf32>
        %swap3A_359 = vector.shape_cast %mul3A_354 : vector<16xf32> to vector<1x16xf32>
        tpu.vector_store %arg10[%swap3A_355, %swap3A_356], %swap3A_359 {strides = array<i32>} : memref<96x144xf32, #tpu.memory_space<vmem>>, vector<1x16xf32>,
        %broadcast_in_dim3A_360 = vector.shape_cast %add3A_44 : vector<16xi32> to vector<16x1xi32>
        %gather3A_361 = vector.shape_cast %broadcast_in_dim3A_360 : vector<16x1xi32> to vector<16xi32>
        %gather3A_362 = tpu.dynamic_gather %exp3A_285[%gather3A_361] in [0] : vector<16xf32>, vector<16xi32> -> vector<16xf32>
        %get3A_363 = arith.index_cast %add3A_268 : i32 to index
        %get3A_364 = arith.constant 96 : index
        %get3A_365 = tpu.vector_load %arg10[%get3A_363, %get3A_364] {strides = array<i32>} : memref<96x144xf32, #tpu.memory_space<vmem>>, vector<1x16xf32>,
        %get3A_366 = vector.shape_cast %get3A_365 : vector<1x16xf32> to vector<16xf32>
        %mul3A_367 = arith.mulf %get3A_366, %gather3A_362 : vector<16xf32>
        %swap3A_368 = arith.index_cast %add3A_268 : i32 to index
        %swap3A_369 = arith.constant 96 : index
        %swap3A_370 = tpu.vector_load %arg10[%swap3A_368, %swap3A_369] {strides = array<i32>} : memref<96x144xf32, #tpu.memory_space<vmem>>, vector<1x16xf32>,
        %swap3A_371 = vector.shape_cast %swap3A_370 : vector<1x16xf32> to vector<16xf32>
        %swap3A_372 = vector.shape_cast %mul3A_367 : vector<16xf32> to vector<1x16xf32>
        tpu.vector_store %arg10[%swap3A_368, %swap3A_369], %swap3A_372 {strides = array<i32>} : memref<96x144xf32, #tpu.memory_space<vmem>>, vector<1x16xf32>,
        %get3A_373 = arith.index_cast %add3A_268 : i32 to index
        %get3A_374 = arith.constant 112 : index
        %get3A_375 = tpu.vector_load %arg10[%get3A_373, %get3A_374] {strides = array<i32>} : memref<96x144xf32, #tpu.memory_space<vmem>>, vector<1x16xf32>,
        %get3A_376 = vector.shape_cast %get3A_375 : vector<1x16xf32> to vector<16xf32>
        %mul3A_377 = arith.mulf %get3A_376, %gather3A_362 : vector<16xf32>
        %swap3A_378 = arith.index_cast %add3A_268 : i32 to index
        %swap3A_379 = arith.constant 112 : index
        %swap3A_380 = tpu.vector_load %arg10[%swap3A_378, %swap3A_379] {strides = array<i32>} : memref<96x144xf32, #tpu.memory_space<vmem>>, vector<1x16xf32>,
        %swap3A_381 = vector.shape_cast %swap3A_380 : vector<1x16xf32> to vector<16xf32>
        %swap3A_382 = vector.shape_cast %mul3A_377 : vector<16xf32> to vector<1x16xf32>
        tpu.vector_store %arg10[%swap3A_378, %swap3A_379], %swap3A_382 {strides = array<i32>} : memref<96x144xf32, #tpu.memory_space<vmem>>, vector<1x16xf32>,
        %scan3A_383 = arith.constant 0 : i32
        scf.yield %scan3A_383 : i32
      }
      %scan3A_106 = arith.constant 48 : i32
      %dma_start3A_107 = arith.constant 1 : i32
      %dma_start3A_108 = arith.constant 0 : i32
      %dma_start3A_109 = tpu.memref_slice %arg6[%dma_start3A_107, %dma_start3A_108] : memref<2x96xi32, #tpu.memory_space<vmem>> -> memref<1x96xi32, #tpu.memory_space<vmem>>
      %dma_start3A_110 = tpu.memref_squeeze %dma_start3A_109 : memref<1x96xi32, #tpu.memory_space<vmem>> -> memref<96xi32, #tpu.memory_space<vmem>>
      %dma_start3A_111 = arith.constant 0 : i32
      %dma_start3A_112 = arith.constant 0 : i32
      %dma_start3A_113 = tpu.memref_slice %arg12[%dma_start3A_111, %dma_start3A_112] : memref<10240x144xf32, #tpu.memory_space<vmem_shared>> -> memref<10240x144xf32, #tpu.memory_space<vmem_shared>>
      tpu.enqueue_indirect_dma source(%arg10 : memref<96x144xf32, #tpu.memory_space<vmem>>) target(%dma_start3A_113 : memref<10240x144xf32, #tpu.memory_space<vmem_shared>>) offsets(%dma_start3A_110 : memref<96xi32, #tpu.memory_space<vmem>>) semaphore(%arg15 : memref<!tpu.dma_semaphore, #tpu.memory_space<semaphore_mem>>) {add = true}
      %mul3A_114 = arith.constant 2 : i32
      %mul3A_115 = arith.muli %mul3A_114, %scan3A_79 : i32
      %add3A_116 = arith.constant 1 : i32
      %add3A_117 = arith.addi %mul3A_115, %add3A_116 : i32
      %lt3A_118 = arith.constant 107 : i32
      %lt3A_119 = arith.cmpi slt, %add3A_117, %lt3A_118 : i32
      %convert_element_type3A_120 = arith.extui %lt3A_119 : i1 to i32
      %cond3A_121 = arith.constant 0 : i32
      %cond3A_122 = arith.cmpi ne, %convert_element_type3A_120, %cond3A_121 : i32
      scf.if %cond3A_122 {
        %gt3A = arith.constant 0 : i32
        %gt3A_152 = arith.cmpi sgt, %add3A_117, %gt3A : i32
        %convert_element_type3A_153 = arith.extui %gt3A_152 : i1 to i32
        %cond3A_154 = arith.constant 0 : i32
        %cond3A_155 = arith.cmpi ne, %convert_element_type3A_153, %cond3A_154 : i32
        scf.if %cond3A_155 {
          %dma_wait3A_172 = arith.constant 1 : i32
          %dma_wait3A_173 = arith.constant 0 : i32
          %dma_wait3A_174 = tpu.memref_slice %arg6[%dma_wait3A_172, %dma_wait3A_173] : memref<2x96xi32, #tpu.memory_space<vmem>> -> memref<1x96xi32, #tpu.memory_space<vmem>>
          %dma_wait3A_175 = tpu.memref_squeeze %dma_wait3A_174 : memref<1x96xi32, #tpu.memory_space<vmem>> -> memref<96xi32, #tpu.memory_space<vmem>>
          %dma_wait3A_176 = arith.constant 0 : i32
          %dma_wait3A_177 = arith.constant 0 : i32
          %dma_wait3A_178 = tpu.memref_slice %arg12[%dma_wait3A_176, %dma_wait3A_177] : memref<10240x144xf32, #tpu.memory_space<vmem_shared>> -> memref<10240x144xf32, #tpu.memory_space<vmem_shared>>
          tpu.wait_indirect_dma semaphore(%arg15 : memref<!tpu.dma_semaphore, #tpu.memory_space<semaphore_mem>>) src(%arg10 : memref<96x144xf32, #tpu.memory_space<vmem>>) dst(%dma_wait3A_178 : memref<10240x144xf32, #tpu.memory_space<vmem_shared>>)
        } else {
        }
        %add3A_156 = arith.constant 1 : i32
        %add3A_157 = arith.addi %add3A_117, %add3A_156 : i32
        "tpu.region"() ({
          %run_scoped3A_172 = tpu.sem_alloc : memref<!tpu.dma_semaphore, #tpu.memory_space<semaphore_mem>>
          %dma_start3A_173 = arith.constant 0 : i32
          %dma_start3A_174 = arith.constant 0 : i32
          %dma_start3A_175 = tpu.memref_slice %arg4[%add3A, %add3A_157, %dma_start3A_173, %dma_start3A_174] : memref<32x108x2x96xi32, #tpu.memory_space<hbm>> -> memref<1x1x2x96xi32, #tpu.memory_space<hbm>>
          %dma_start3A_176 = tpu.memref_squeeze %dma_start3A_175 : memref<1x1x2x96xi32, #tpu.memory_space<hbm>> -> memref<2x96xi32, #tpu.memory_space<hbm>>
          %dma_start3A_177 = arith.constant 0 : i32
          %dma_start3A_178 = arith.constant 0 : i32
          %dma_start3A_179 = tpu.memref_slice %arg4[%add3A, %add3A_157, %dma_start3A_177, %dma_start3A_178] : memref<32x108x2x96xi32, #tpu.memory_space<hbm>> -> memref<1x1x2x96xi32, #tpu.memory_space<hbm>>
          %dma_start3A_180 = tpu.memref_squeeze %dma_start3A_179 : memref<1x1x2x96xi32, #tpu.memory_space<hbm>> -> memref<2x96xi32, #tpu.memory_space<hbm>>
          tpu.enqueue_dma source(%dma_start3A_180 : memref<2x96xi32, #tpu.memory_space<hbm>>) target(%arg6 : memref<2x96xi32, #tpu.memory_space<vmem>>) target_semaphore(%run_scoped3A_172 : memref<!tpu.dma_semaphore, #tpu.memory_space<semaphore_mem>>)
          %dma_wait3A_181 = arith.constant 0 : i32
          %dma_wait3A_182 = arith.constant 0 : i32
          %dma_wait3A_183 = tpu.memref_slice %arg4[%add3A, %add3A_157, %dma_wait3A_181, %dma_wait3A_182] : memref<32x108x2x96xi32, #tpu.memory_space<hbm>> -> memref<1x1x2x96xi32, #tpu.memory_space<hbm>>
          %dma_wait3A_184 = tpu.memref_squeeze %dma_wait3A_183 : memref<1x1x2x96xi32, #tpu.memory_space<hbm>> -> memref<2x96xi32, #tpu.memory_space<hbm>>
          %dma_wait3A_185 = arith.constant 0 : i32
          %dma_wait3A_186 = arith.constant 0 : i32
          %dma_wait3A_187 = tpu.memref_slice %arg4[%add3A, %add3A_157, %dma_wait3A_185, %dma_wait3A_186] : memref<32x108x2x96xi32, #tpu.memory_space<hbm>> -> memref<1x1x2x96xi32, #tpu.memory_space<hbm>>
          %dma_wait3A_188 = tpu.memref_squeeze %dma_wait3A_187 : memref<1x1x2x96xi32, #tpu.memory_space<hbm>> -> memref<2x96xi32, #tpu.memory_space<hbm>>
          tpu.wait_dma2 semaphore(%run_scoped3A_172 : memref<!tpu.dma_semaphore, #tpu.memory_space<semaphore_mem>>) src(%dma_wait3A_188 : memref<2x96xi32, #tpu.memory_space<hbm>>) dst(%arg6 : memref<2x96xi32, #tpu.memory_space<vmem>>)
          tpu.yield
        }) : () -> ()
        %dma_start3A_158 = arith.constant 0 : i32
        %dma_start3A_159 = arith.constant 0 : i32
        %dma_start3A_160 = tpu.memref_slice %arg6[%dma_start3A_158, %dma_start3A_159] : memref<2x96xi32, #tpu.memory_space<vmem>> -> memref<1x96xi32, #tpu.memory_space<vmem>>
        %dma_start3A_161 = tpu.memref_squeeze %dma_start3A_160 : memref<1x96xi32, #tpu.memory_space<vmem>> -> memref<96xi32, #tpu.memory_space<vmem>>
        %dma_start3A_162 = arith.constant 0 : i32
        %dma_start3A_163 = arith.constant 0 : i32
        %dma_start3A_164 = tpu.memref_slice %arg2[%dma_start3A_162, %dma_start3A_163] : memref<10240x144xf32, #tpu.memory_space<hbm>> -> memref<10240x144xf32, #tpu.memory_space<hbm>>
        tpu.enqueue_indirect_dma source(%dma_start3A_164 : memref<10240x144xf32, #tpu.memory_space<hbm>>) target(%arg10 : memref<96x144xf32, #tpu.memory_space<vmem>>) offsets(%dma_start3A_161 : memref<96xi32, #tpu.memory_space<vmem>>) semaphore(%arg13 : memref<!tpu.dma_semaphore, #tpu.memory_space<semaphore_mem>>)
        %dma_start3A_165 = arith.constant 1 : i32
        %dma_start3A_166 = arith.constant 0 : i32
        %dma_start3A_167 = tpu.memref_slice %arg6[%dma_start3A_165, %dma_start3A_166] : memref<2x96xi32, #tpu.memory_space<vmem>> -> memref<1x96xi32, #tpu.memory_space<vmem>>
        %dma_start3A_168 = tpu.memref_squeeze %dma_start3A_167 : memref<1x96xi32, #tpu.memory_space<vmem>> -> memref<96xi32, #tpu.memory_space<vmem>>
        %dma_start3A_169 = arith.constant 0 : i32
        %dma_start3A_170 = arith.constant 0 : i32
        %dma_start3A_171 = tpu.memref_slice %arg3[%dma_start3A_169, %dma_start3A_170] : memref<10240x16xf32, #tpu.memory_space<hbm>> -> memref<10240x16xf32, #tpu.memory_space<hbm>>
        tpu.enqueue_indirect_dma source(%dma_start3A_171 : memref<10240x16xf32, #tpu.memory_space<hbm>>) target(%arg8 : memref<96x16xf32, #tpu.memory_space<vmem>>) offsets(%dma_start3A_168 : memref<96xi32, #tpu.memory_space<vmem>>) semaphore(%arg13 : memref<!tpu.dma_semaphore, #tpu.memory_space<semaphore_mem>>)
      } else {
      }
      %dma_wait3A_123 = arith.constant 0 : i32
      %dma_wait3A_124 = arith.constant 0 : i32
      %dma_wait3A_125 = tpu.memref_slice %arg6[%dma_wait3A_123, %dma_wait3A_124] : memref<2x96xi32, #tpu.memory_space<vmem>> -> memref<1x96xi32, #tpu.memory_space<vmem>>
      %dma_wait3A_126 = tpu.memref_squeeze %dma_wait3A_125 : memref<1x96xi32, #tpu.memory_space<vmem>> -> memref<96xi32, #tpu.memory_space<vmem>>
      %dma_wait3A_127 = arith.constant 0 : i32
      %dma_wait3A_128 = arith.constant 0 : i32
      %dma_wait3A_129 = tpu.memref_slice %arg2[%dma_wait3A_127, %dma_wait3A_128] : memref<10240x144xf32, #tpu.memory_space<hbm>> -> memref<10240x144xf32, #tpu.memory_space<hbm>>
      tpu.wait_indirect_dma semaphore(%arg14 : memref<!tpu.dma_semaphore, #tpu.memory_space<semaphore_mem>>) src(%dma_wait3A_129 : memref<10240x144xf32, #tpu.memory_space<hbm>>) dst(%arg11 : memref<96x144xf32, #tpu.memory_space<vmem>>)
      %dma_wait3A_130 = arith.constant 1 : i32
      %dma_wait3A_131 = arith.constant 0 : i32
      %dma_wait3A_132 = tpu.memref_slice %arg6[%dma_wait3A_130, %dma_wait3A_131] : memref<2x96xi32, #tpu.memory_space<vmem>> -> memref<1x96xi32, #tpu.memory_space<vmem>>
      %dma_wait3A_133 = tpu.memref_squeeze %dma_wait3A_132 : memref<1x96xi32, #tpu.memory_space<vmem>> -> memref<96xi32, #tpu.memory_space<vmem>>
      %dma_wait3A_134 = arith.constant 0 : i32
      %dma_wait3A_135 = arith.constant 0 : i32
      %dma_wait3A_136 = tpu.memref_slice %arg3[%dma_wait3A_134, %dma_wait3A_135] : memref<10240x16xf32, #tpu.memory_space<hbm>> -> memref<10240x16xf32, #tpu.memory_space<hbm>>
      tpu.wait_indirect_dma semaphore(%arg14 : memref<!tpu.dma_semaphore, #tpu.memory_space<semaphore_mem>>) src(%dma_wait3A_136 : memref<10240x16xf32, #tpu.memory_space<hbm>>) dst(%arg9 : memref<96x16xf32, #tpu.memory_space<vmem>>)
      %scan3A_137 = arith.constant 0 : i32
      %scan3A_138 = arith.constant 0 : i32
      %scan3A_139 = arith.constant 48 : i32
      %scan3A_140 = arith.addi %scan3A_138, %scan3A_139 : i32
      %scan3A_141 = arith.constant 1 : i32
      %scan3A_142 = scf.for %scan3A_152 = %scan3A_138 to %scan3A_140 step %scan3A_141 iter_args(%scan3A_153 = %scan3A_137) -> (i32)  : i32 {
        %mul3A_154 = arith.constant 2 : i32
        %mul3A_155 = arith.muli %scan3A_152, %mul3A_154 : i32
        %add3A_156 = arith.constant 0 : i32
        %add3A_157 = arith.addi %mul3A_155, %add3A_156 : i32
        %get3A = arith.index_cast %add3A_157 : i32 to index
        %get3A_158 = arith.constant 128 : index
        %get3A_159 = tpu.vector_load %arg11[%get3A, %get3A_158] {strides = array<i32>} : memref<96x144xf32, #tpu.memory_space<vmem>>, vector<1x16xf32>,
        %get3A_160 = vector.shape_cast %get3A_159 : vector<1x16xf32> to vector<16xf32>
        %get3A_161 = arith.index_cast %add3A_157 : i32 to index
        %get3A_162 = arith.constant 0 : index
        %get3A_163 = tpu.vector_load %arg9[%get3A_161, %get3A_162] {strides = array<i32>} : memref<96x16xf32, #tpu.memory_space<vmem>>, vector<1x16xf32>,
        %get3A_164 = vector.shape_cast %get3A_163 : vector<1x16xf32> to vector<16xf32>
        %add3A_165 = arith.addf %get3A_160, %get3A_164 : vector<16xf32>
        %gt3A = arith.constant 0.000000e+00 : f32
        %gt3A_166 = vector.broadcast %gt3A : f32 to vector<16xf32>
        %gt3A_167 = arith.cmpf ogt, %add3A_165, %gt3A_166 : vector<16xf32>
        %mul3A_168 = arith.constant 2.000000e-01 : f32
        %mul3A_169 = vector.broadcast %mul3A_168 : f32 to vector<16xf32>
        %mul3A_170 = arith.mulf %mul3A_169, %add3A_165 : vector<16xf32>
        %select_n3A = arith.select %gt3A_167, %add3A_165, %mul3A_170 : vector<16xi1>, vector<16xf32>
        %exp3A = math.exp %select_n3A : vector<16xf32>
        %swap3A = arith.index_cast %add3A_157 : i32 to index
        %swap3A_171 = arith.constant 128 : index
        %swap3A_172 = tpu.vector_load %arg11[%swap3A, %swap3A_171] {strides = array<i32>} : memref<96x144xf32, #tpu.memory_space<vmem>>, vector<1x16xf32>,
        %swap3A_173 = vector.shape_cast %swap3A_172 : vector<1x16xf32> to vector<16xf32>
        %swap3A_174 = vector.shape_cast %exp3A : vector<16xf32> to vector<1x16xf32>
        tpu.vector_store %arg11[%swap3A, %swap3A_171], %swap3A_174 {strides = array<i32>} : memref<96x144xf32, #tpu.memory_space<vmem>>, vector<1x16xf32>,
        %broadcast_in_dim3A = vector.shape_cast %add3A_26 : vector<16xi32> to vector<16x1xi32>
        %gather3A = vector.shape_cast %broadcast_in_dim3A : vector<16x1xi32> to vector<16xi32>
        %gather3A_175 = tpu.dynamic_gather %exp3A[%gather3A] in [0] : vector<16xf32>, vector<16xi32> -> vector<16xf32>
        %get3A_176 = arith.index_cast %add3A_157 : i32 to index
        %get3A_177 = arith.constant 0 : index
        %get3A_178 = tpu.vector_load %arg11[%get3A_176, %get3A_177] {strides = array<i32>} : memref<96x144xf32, #tpu.memory_space<vmem>>, vector<1x16xf32>,
        %get3A_179 = vector.shape_cast %get3A_178 : vector<1x16xf32> to vector<16xf32>
        %mul3A_180 = arith.mulf %get3A_179, %gather3A_175 : vector<16xf32>
        %swap3A_181 = arith.index_cast %add3A_157 : i32 to index
        %swap3A_182 = arith.constant 0 : index
        %swap3A_183 = tpu.vector_load %arg11[%swap3A_181, %swap3A_182] {strides = array<i32>} : memref<96x144xf32, #tpu.memory_space<vmem>>, vector<1x16xf32>,
        %swap3A_184 = vector.shape_cast %swap3A_183 : vector<1x16xf32> to vector<16xf32>
        %swap3A_185 = vector.shape_cast %mul3A_180 : vector<16xf32> to vector<1x16xf32>
        tpu.vector_store %arg11[%swap3A_181, %swap3A_182], %swap3A_185 {strides = array<i32>} : memref<96x144xf32, #tpu.memory_space<vmem>>, vector<1x16xf32>,
        %get3A_186 = arith.index_cast %add3A_157 : i32 to index
        %get3A_187 = arith.constant 16 : index
        %get3A_188 = tpu.vector_load %arg11[%get3A_186, %get3A_187] {strides = array<i32>} : memref<96x144xf32, #tpu.memory_space<vmem>>, vector<1x16xf32>,
        %get3A_189 = vector.shape_cast %get3A_188 : vector<1x16xf32> to vector<16xf32>
        %mul3A_190 = arith.mulf %get3A_189, %gather3A_175 : vector<16xf32>
        %swap3A_191 = arith.index_cast %add3A_157 : i32 to index
        %swap3A_192 = arith.constant 16 : index
        %swap3A_193 = tpu.vector_load %arg11[%swap3A_191, %swap3A_192] {strides = array<i32>} : memref<96x144xf32, #tpu.memory_space<vmem>>, vector<1x16xf32>,
        %swap3A_194 = vector.shape_cast %swap3A_193 : vector<1x16xf32> to vector<16xf32>
        %swap3A_195 = vector.shape_cast %mul3A_190 : vector<16xf32> to vector<1x16xf32>
        tpu.vector_store %arg11[%swap3A_191, %swap3A_192], %swap3A_195 {strides = array<i32>} : memref<96x144xf32, #tpu.memory_space<vmem>>, vector<1x16xf32>,
        %broadcast_in_dim3A_196 = vector.shape_cast %add3A_32 : vector<16xi32> to vector<16x1xi32>
        %gather3A_197 = vector.shape_cast %broadcast_in_dim3A_196 : vector<16x1xi32> to vector<16xi32>
        %gather3A_198 = tpu.dynamic_gather %exp3A[%gather3A_197] in [0] : vector<16xf32>, vector<16xi32> -> vector<16xf32>
        %get3A_199 = arith.index_cast %add3A_157 : i32 to index
        %get3A_200 = arith.constant 32 : index
        %get3A_201 = tpu.vector_load %arg11[%get3A_199, %get3A_200] {strides = array<i32>} : memref<96x144xf32, #tpu.memory_space<vmem>>, vector<1x16xf32>,
        %get3A_202 = vector.shape_cast %get3A_201 : vector<1x16xf32> to vector<16xf32>
        %mul3A_203 = arith.mulf %get3A_202, %gather3A_198 : vector<16xf32>
        %swap3A_204 = arith.index_cast %add3A_157 : i32 to index
        %swap3A_205 = arith.constant 32 : index
        %swap3A_206 = tpu.vector_load %arg11[%swap3A_204, %swap3A_205] {strides = array<i32>} : memref<96x144xf32, #tpu.memory_space<vmem>>, vector<1x16xf32>,
        %swap3A_207 = vector.shape_cast %swap3A_206 : vector<1x16xf32> to vector<16xf32>
        %swap3A_208 = vector.shape_cast %mul3A_203 : vector<16xf32> to vector<1x16xf32>
        tpu.vector_store %arg11[%swap3A_204, %swap3A_205], %swap3A_208 {strides = array<i32>} : memref<96x144xf32, #tpu.memory_space<vmem>>, vector<1x16xf32>,
        %get3A_209 = arith.index_cast %add3A_157 : i32 to index
        %get3A_210 = arith.constant 48 : index
        %get3A_211 = tpu.vector_load %arg11[%get3A_209, %get3A_210] {strides = array<i32>} : memref<96x144xf32, #tpu.memory_space<vmem>>, vector<1x16xf32>,
        %get3A_212 = vector.shape_cast %get3A_211 : vector<1x16xf32> to vector<16xf32>
        %mul3A_213 = arith.mulf %get3A_212, %gather3A_198 : vector<16xf32>
        %swap3A_214 = arith.index_cast %add3A_157 : i32 to index
        %swap3A_215 = arith.constant 48 : index
        %swap3A_216 = tpu.vector_load %arg11[%swap3A_214, %swap3A_215] {strides = array<i32>} : memref<96x144xf32, #tpu.memory_space<vmem>>, vector<1x16xf32>,
        %swap3A_217 = vector.shape_cast %swap3A_216 : vector<1x16xf32> to vector<16xf32>
        %swap3A_218 = vector.shape_cast %mul3A_213 : vector<16xf32> to vector<1x16xf32>
        tpu.vector_store %arg11[%swap3A_214, %swap3A_215], %swap3A_218 {strides = array<i32>} : memref<96x144xf32, #tpu.memory_space<vmem>>, vector<1x16xf32>,
        %broadcast_in_dim3A_219 = vector.shape_cast %add3A_38 : vector<16xi32> to vector<16x1xi32>
        %gather3A_220 = vector.shape_cast %broadcast_in_dim3A_219 : vector<16x1xi32> to vector<16xi32>
        %gather3A_221 = tpu.dynamic_gather %exp3A[%gather3A_220] in [0] : vector<16xf32>, vector<16xi32> -> vector<16xf32>
        %get3A_222 = arith.index_cast %add3A_157 : i32 to index
        %get3A_223 = arith.constant 64 : index
        %get3A_224 = tpu.vector_load %arg11[%get3A_222, %get3A_223] {strides = array<i32>} : memref<96x144xf32, #tpu.memory_space<vmem>>, vector<1x16xf32>,
        %get3A_225 = vector.shape_cast %get3A_224 : vector<1x16xf32> to vector<16xf32>
        %mul3A_226 = arith.mulf %get3A_225, %gather3A_221 : vector<16xf32>
        %swap3A_227 = arith.index_cast %add3A_157 : i32 to index
        %swap3A_228 = arith.constant 64 : index
        %swap3A_229 = tpu.vector_load %arg11[%swap3A_227, %swap3A_228] {strides = array<i32>} : memref<96x144xf32, #tpu.memory_space<vmem>>, vector<1x16xf32>,
        %swap3A_230 = vector.shape_cast %swap3A_229 : vector<1x16xf32> to vector<16xf32>
        %swap3A_231 = vector.shape_cast %mul3A_226 : vector<16xf32> to vector<1x16xf32>
        tpu.vector_store %arg11[%swap3A_227, %swap3A_228], %swap3A_231 {strides = array<i32>} : memref<96x144xf32, #tpu.memory_space<vmem>>, vector<1x16xf32>,
        %get3A_232 = arith.index_cast %add3A_157 : i32 to index
        %get3A_233 = arith.constant 80 : index
        %get3A_234 = tpu.vector_load %arg11[%get3A_232, %get3A_233] {strides = array<i32>} : memref<96x144xf32, #tpu.memory_space<vmem>>, vector<1x16xf32>,
        %get3A_235 = vector.shape_cast %get3A_234 : vector<1x16xf32> to vector<16xf32>
        %mul3A_236 = arith.mulf %get3A_235, %gather3A_221 : vector<16xf32>
        %swap3A_237 = arith.index_cast %add3A_157 : i32 to index
        %swap3A_238 = arith.constant 80 : index
        %swap3A_239 = tpu.vector_load %arg11[%swap3A_237, %swap3A_238] {strides = array<i32>} : memref<96x144xf32, #tpu.memory_space<vmem>>, vector<1x16xf32>,
        %swap3A_240 = vector.shape_cast %swap3A_239 : vector<1x16xf32> to vector<16xf32>
        %swap3A_241 = vector.shape_cast %mul3A_236 : vector<16xf32> to vector<1x16xf32>
        tpu.vector_store %arg11[%swap3A_237, %swap3A_238], %swap3A_241 {strides = array<i32>} : memref<96x144xf32, #tpu.memory_space<vmem>>, vector<1x16xf32>,
        %broadcast_in_dim3A_242 = vector.shape_cast %add3A_44 : vector<16xi32> to vector<16x1xi32>
        %gather3A_243 = vector.shape_cast %broadcast_in_dim3A_242 : vector<16x1xi32> to vector<16xi32>
        %gather3A_244 = tpu.dynamic_gather %exp3A[%gather3A_243] in [0] : vector<16xf32>, vector<16xi32> -> vector<16xf32>
        %get3A_245 = arith.index_cast %add3A_157 : i32 to index
        %get3A_246 = arith.constant 96 : index
        %get3A_247 = tpu.vector_load %arg11[%get3A_245, %get3A_246] {strides = array<i32>} : memref<96x144xf32, #tpu.memory_space<vmem>>, vector<1x16xf32>,
        %get3A_248 = vector.shape_cast %get3A_247 : vector<1x16xf32> to vector<16xf32>
        %mul3A_249 = arith.mulf %get3A_248, %gather3A_244 : vector<16xf32>
        %swap3A_250 = arith.index_cast %add3A_157 : i32 to index
        %swap3A_251 = arith.constant 96 : index
        %swap3A_252 = tpu.vector_load %arg11[%swap3A_250, %swap3A_251] {strides = array<i32>} : memref<96x144xf32, #tpu.memory_space<vmem>>, vector<1x16xf32>,
        %swap3A_253 = vector.shape_cast %swap3A_252 : vector<1x16xf32> to vector<16xf32>
        %swap3A_254 = vector.shape_cast %mul3A_249 : vector<16xf32> to vector<1x16xf32>
        tpu.vector_store %arg11[%swap3A_250, %swap3A_251], %swap3A_254 {strides = array<i32>} : memref<96x144xf32, #tpu.memory_space<vmem>>, vector<1x16xf32>,
        %get3A_255 = arith.index_cast %add3A_157 : i32 to index
        %get3A_256 = arith.constant 112 : index
        %get3A_257 = tpu.vector_load %arg11[%get3A_255, %get3A_256] {strides = array<i32>} : memref<96x144xf32, #tpu.memory_space<vmem>>, vector<1x16xf32>,
        %get3A_258 = vector.shape_cast %get3A_257 : vector<1x16xf32> to vector<16xf32>
        %mul3A_259 = arith.mulf %get3A_258, %gather3A_244 : vector<16xf32>
        %swap3A_260 = arith.index_cast %add3A_157 : i32 to index
        %swap3A_261 = arith.constant 112 : index
        %swap3A_262 = tpu.vector_load %arg11[%swap3A_260, %swap3A_261] {strides = array<i32>} : memref<96x144xf32, #tpu.memory_space<vmem>>, vector<1x16xf32>,
        %swap3A_263 = vector.shape_cast %swap3A_262 : vector<1x16xf32> to vector<16xf32>
        %swap3A_264 = vector.shape_cast %mul3A_259 : vector<16xf32> to vector<1x16xf32>
        tpu.vector_store %arg11[%swap3A_260, %swap3A_261], %swap3A_264 {strides = array<i32>} : memref<96x144xf32, #tpu.memory_space<vmem>>, vector<1x16xf32>,
        %mul3A_265 = arith.constant 2 : i32
        %mul3A_266 = arith.muli %scan3A_152, %mul3A_265 : i32
        %add3A_267 = arith.constant 1 : i32
        %add3A_268 = arith.addi %mul3A_266, %add3A_267 : i32
        %get3A_269 = arith.index_cast %add3A_268 : i32 to index
        %get3A_270 = arith.constant 128 : index
        %get3A_271 = tpu.vector_load %arg11[%get3A_269, %get3A_270] {strides = array<i32>} : memref<96x144xf32, #tpu.memory_space<vmem>>, vector<1x16xf32>,
        %get3A_272 = vector.shape_cast %get3A_271 : vector<1x16xf32> to vector<16xf32>
        %get3A_273 = arith.index_cast %add3A_268 : i32 to index
        %get3A_274 = arith.constant 0 : index
        %get3A_275 = tpu.vector_load %arg9[%get3A_273, %get3A_274] {strides = array<i32>} : memref<96x16xf32, #tpu.memory_space<vmem>>, vector<1x16xf32>,
        %get3A_276 = vector.shape_cast %get3A_275 : vector<1x16xf32> to vector<16xf32>
        %add3A_277 = arith.addf %get3A_272, %get3A_276 : vector<16xf32>
        %gt3A_278 = arith.constant 0.000000e+00 : f32
        %gt3A_279 = vector.broadcast %gt3A_278 : f32 to vector<16xf32>
        %gt3A_280 = arith.cmpf ogt, %add3A_277, %gt3A_279 : vector<16xf32>
        %mul3A_281 = arith.constant 2.000000e-01 : f32
        %mul3A_282 = vector.broadcast %mul3A_281 : f32 to vector<16xf32>
        %mul3A_283 = arith.mulf %mul3A_282, %add3A_277 : vector<16xf32>
        %select_n3A_284 = arith.select %gt3A_280, %add3A_277, %mul3A_283 : vector<16xi1>, vector<16xf32>
        %exp3A_285 = math.exp %select_n3A_284 : vector<16xf32>
        %swap3A_286 = arith.index_cast %add3A_268 : i32 to index
        %swap3A_287 = arith.constant 128 : index
        %swap3A_288 = tpu.vector_load %arg11[%swap3A_286, %swap3A_287] {strides = array<i32>} : memref<96x144xf32, #tpu.memory_space<vmem>>, vector<1x16xf32>,
        %swap3A_289 = vector.shape_cast %swap3A_288 : vector<1x16xf32> to vector<16xf32>
        %swap3A_290 = vector.shape_cast %exp3A_285 : vector<16xf32> to vector<1x16xf32>
        tpu.vector_store %arg11[%swap3A_286, %swap3A_287], %swap3A_290 {strides = array<i32>} : memref<96x144xf32, #tpu.memory_space<vmem>>, vector<1x16xf32>,
        %broadcast_in_dim3A_291 = vector.shape_cast %add3A_26 : vector<16xi32> to vector<16x1xi32>
        %gather3A_292 = vector.shape_cast %broadcast_in_dim3A_291 : vector<16x1xi32> to vector<16xi32>
        %gather3A_293 = tpu.dynamic_gather %exp3A_285[%gather3A_292] in [0] : vector<16xf32>, vector<16xi32> -> vector<16xf32>
        %get3A_294 = arith.index_cast %add3A_268 : i32 to index
        %get3A_295 = arith.constant 0 : index
        %get3A_296 = tpu.vector_load %arg11[%get3A_294, %get3A_295] {strides = array<i32>} : memref<96x144xf32, #tpu.memory_space<vmem>>, vector<1x16xf32>,
        %get3A_297 = vector.shape_cast %get3A_296 : vector<1x16xf32> to vector<16xf32>
        %mul3A_298 = arith.mulf %get3A_297, %gather3A_293 : vector<16xf32>
        %swap3A_299 = arith.index_cast %add3A_268 : i32 to index
        %swap3A_300 = arith.constant 0 : index
        %swap3A_301 = tpu.vector_load %arg11[%swap3A_299, %swap3A_300] {strides = array<i32>} : memref<96x144xf32, #tpu.memory_space<vmem>>, vector<1x16xf32>,
        %swap3A_302 = vector.shape_cast %swap3A_301 : vector<1x16xf32> to vector<16xf32>
        %swap3A_303 = vector.shape_cast %mul3A_298 : vector<16xf32> to vector<1x16xf32>
        tpu.vector_store %arg11[%swap3A_299, %swap3A_300], %swap3A_303 {strides = array<i32>} : memref<96x144xf32, #tpu.memory_space<vmem>>, vector<1x16xf32>,
        %get3A_304 = arith.index_cast %add3A_268 : i32 to index
        %get3A_305 = arith.constant 16 : index
        %get3A_306 = tpu.vector_load %arg11[%get3A_304, %get3A_305] {strides = array<i32>} : memref<96x144xf32, #tpu.memory_space<vmem>>, vector<1x16xf32>,
        %get3A_307 = vector.shape_cast %get3A_306 : vector<1x16xf32> to vector<16xf32>
        %mul3A_308 = arith.mulf %get3A_307, %gather3A_293 : vector<16xf32>
        %swap3A_309 = arith.index_cast %add3A_268 : i32 to index
        %swap3A_310 = arith.constant 16 : index
        %swap3A_311 = tpu.vector_load %arg11[%swap3A_309, %swap3A_310] {strides = array<i32>} : memref<96x144xf32, #tpu.memory_space<vmem>>, vector<1x16xf32>,
        %swap3A_312 = vector.shape_cast %swap3A_311 : vector<1x16xf32> to vector<16xf32>
        %swap3A_313 = vector.shape_cast %mul3A_308 : vector<16xf32> to vector<1x16xf32>
        tpu.vector_store %arg11[%swap3A_309, %swap3A_310], %swap3A_313 {strides = array<i32>} : memref<96x144xf32, #tpu.memory_space<vmem>>, vector<1x16xf32>,
        %broadcast_in_dim3A_314 = vector.shape_cast %add3A_32 : vector<16xi32> to vector<16x1xi32>
        %gather3A_315 = vector.shape_cast %broadcast_in_dim3A_314 : vector<16x1xi32> to vector<16xi32>
        %gather3A_316 = tpu.dynamic_gather %exp3A_285[%gather3A_315] in [0] : vector<16xf32>, vector<16xi32> -> vector<16xf32>
        %get3A_317 = arith.index_cast %add3A_268 : i32 to index
        %get3A_318 = arith.constant 32 : index
        %get3A_319 = tpu.vector_load %arg11[%get3A_317, %get3A_318] {strides = array<i32>} : memref<96x144xf32, #tpu.memory_space<vmem>>, vector<1x16xf32>,
        %get3A_320 = vector.shape_cast %get3A_319 : vector<1x16xf32> to vector<16xf32>
        %mul3A_321 = arith.mulf %get3A_320, %gather3A_316 : vector<16xf32>
        %swap3A_322 = arith.index_cast %add3A_268 : i32 to index
        %swap3A_323 = arith.constant 32 : index
        %swap3A_324 = tpu.vector_load %arg11[%swap3A_322, %swap3A_323] {strides = array<i32>} : memref<96x144xf32, #tpu.memory_space<vmem>>, vector<1x16xf32>,
        %swap3A_325 = vector.shape_cast %swap3A_324 : vector<1x16xf32> to vector<16xf32>
        %swap3A_326 = vector.shape_cast %mul3A_321 : vector<16xf32> to vector<1x16xf32>
        tpu.vector_store %arg11[%swap3A_322, %swap3A_323], %swap3A_326 {strides = array<i32>} : memref<96x144xf32, #tpu.memory_space<vmem>>, vector<1x16xf32>,
        %get3A_327 = arith.index_cast %add3A_268 : i32 to index
        %get3A_328 = arith.constant 48 : index
        %get3A_329 = tpu.vector_load %arg11[%get3A_327, %get3A_328] {strides = array<i32>} : memref<96x144xf32, #tpu.memory_space<vmem>>, vector<1x16xf32>,
        %get3A_330 = vector.shape_cast %get3A_329 : vector<1x16xf32> to vector<16xf32>
        %mul3A_331 = arith.mulf %get3A_330, %gather3A_316 : vector<16xf32>
        %swap3A_332 = arith.index_cast %add3A_268 : i32 to index
        %swap3A_333 = arith.constant 48 : index
        %swap3A_334 = tpu.vector_load %arg11[%swap3A_332, %swap3A_333] {strides = array<i32>} : memref<96x144xf32, #tpu.memory_space<vmem>>, vector<1x16xf32>,
        %swap3A_335 = vector.shape_cast %swap3A_334 : vector<1x16xf32> to vector<16xf32>
        %swap3A_336 = vector.shape_cast %mul3A_331 : vector<16xf32> to vector<1x16xf32>
        tpu.vector_store %arg11[%swap3A_332, %swap3A_333], %swap3A_336 {strides = array<i32>} : memref<96x144xf32, #tpu.memory_space<vmem>>, vector<1x16xf32>,
        %broadcast_in_dim3A_337 = vector.shape_cast %add3A_38 : vector<16xi32> to vector<16x1xi32>
        %gather3A_338 = vector.shape_cast %broadcast_in_dim3A_337 : vector<16x1xi32> to vector<16xi32>
        %gather3A_339 = tpu.dynamic_gather %exp3A_285[%gather3A_338] in [0] : vector<16xf32>, vector<16xi32> -> vector<16xf32>
        %get3A_340 = arith.index_cast %add3A_268 : i32 to index
        %get3A_341 = arith.constant 64 : index
        %get3A_342 = tpu.vector_load %arg11[%get3A_340, %get3A_341] {strides = array<i32>} : memref<96x144xf32, #tpu.memory_space<vmem>>, vector<1x16xf32>,
        %get3A_343 = vector.shape_cast %get3A_342 : vector<1x16xf32> to vector<16xf32>
        %mul3A_344 = arith.mulf %get3A_343, %gather3A_339 : vector<16xf32>
        %swap3A_345 = arith.index_cast %add3A_268 : i32 to index
        %swap3A_346 = arith.constant 64 : index
        %swap3A_347 = tpu.vector_load %arg11[%swap3A_345, %swap3A_346] {strides = array<i32>} : memref<96x144xf32, #tpu.memory_space<vmem>>, vector<1x16xf32>,
        %swap3A_348 = vector.shape_cast %swap3A_347 : vector<1x16xf32> to vector<16xf32>
        %swap3A_349 = vector.shape_cast %mul3A_344 : vector<16xf32> to vector<1x16xf32>
        tpu.vector_store %arg11[%swap3A_345, %swap3A_346], %swap3A_349 {strides = array<i32>} : memref<96x144xf32, #tpu.memory_space<vmem>>, vector<1x16xf32>,
        %get3A_350 = arith.index_cast %add3A_268 : i32 to index
        %get3A_351 = arith.constant 80 : index
        %get3A_352 = tpu.vector_load %arg11[%get3A_350, %get3A_351] {strides = array<i32>} : memref<96x144xf32, #tpu.memory_space<vmem>>, vector<1x16xf32>,
        %get3A_353 = vector.shape_cast %get3A_352 : vector<1x16xf32> to vector<16xf32>
        %mul3A_354 = arith.mulf %get3A_353, %gather3A_339 : vector<16xf32>
        %swap3A_355 = arith.index_cast %add3A_268 : i32 to index
        %swap3A_356 = arith.constant 80 : index
        %swap3A_357 = tpu.vector_load %arg11[%swap3A_355, %swap3A_356] {strides = array<i32>} : memref<96x144xf32, #tpu.memory_space<vmem>>, vector<1x16xf32>,
        %swap3A_358 = vector.shape_cast %swap3A_357 : vector<1x16xf32> to vector<16xf32>
        %swap3A_359 = vector.shape_cast %mul3A_354 : vector<16xf32> to vector<1x16xf32>
        tpu.vector_store %arg11[%swap3A_355, %swap3A_356], %swap3A_359 {strides = array<i32>} : memref<96x144xf32, #tpu.memory_space<vmem>>, vector<1x16xf32>,
        %broadcast_in_dim3A_360 = vector.shape_cast %add3A_44 : vector<16xi32> to vector<16x1xi32>
        %gather3A_361 = vector.shape_cast %broadcast_in_dim3A_360 : vector<16x1xi32> to vector<16xi32>
        %gather3A_362 = tpu.dynamic_gather %exp3A_285[%gather3A_361] in [0] : vector<16xf32>, vector<16xi32> -> vector<16xf32>
        %get3A_363 = arith.index_cast %add3A_268 : i32 to index
        %get3A_364 = arith.constant 96 : index
        %get3A_365 = tpu.vector_load %arg11[%get3A_363, %get3A_364] {strides = array<i32>} : memref<96x144xf32, #tpu.memory_space<vmem>>, vector<1x16xf32>,
        %get3A_366 = vector.shape_cast %get3A_365 : vector<1x16xf32> to vector<16xf32>
        %mul3A_367 = arith.mulf %get3A_366, %gather3A_362 : vector<16xf32>
        %swap3A_368 = arith.index_cast %add3A_268 : i32 to index
        %swap3A_369 = arith.constant 96 : index
        %swap3A_370 = tpu.vector_load %arg11[%swap3A_368, %swap3A_369] {strides = array<i32>} : memref<96x144xf32, #tpu.memory_space<vmem>>, vector<1x16xf32>,
        %swap3A_371 = vector.shape_cast %swap3A_370 : vector<1x16xf32> to vector<16xf32>
        %swap3A_372 = vector.shape_cast %mul3A_367 : vector<16xf32> to vector<1x16xf32>
        tpu.vector_store %arg11[%swap3A_368, %swap3A_369], %swap3A_372 {strides = array<i32>} : memref<96x144xf32, #tpu.memory_space<vmem>>, vector<1x16xf32>,
        %get3A_373 = arith.index_cast %add3A_268 : i32 to index
        %get3A_374 = arith.constant 112 : index
        %get3A_375 = tpu.vector_load %arg11[%get3A_373, %get3A_374] {strides = array<i32>} : memref<96x144xf32, #tpu.memory_space<vmem>>, vector<1x16xf32>,
        %get3A_376 = vector.shape_cast %get3A_375 : vector<1x16xf32> to vector<16xf32>
        %mul3A_377 = arith.mulf %get3A_376, %gather3A_362 : vector<16xf32>
        %swap3A_378 = arith.index_cast %add3A_268 : i32 to index
        %swap3A_379 = arith.constant 112 : index
        %swap3A_380 = tpu.vector_load %arg11[%swap3A_378, %swap3A_379] {strides = array<i32>} : memref<96x144xf32, #tpu.memory_space<vmem>>, vector<1x16xf32>,
        %swap3A_381 = vector.shape_cast %swap3A_380 : vector<1x16xf32> to vector<16xf32>
        %swap3A_382 = vector.shape_cast %mul3A_377 : vector<16xf32> to vector<1x16xf32>
        tpu.vector_store %arg11[%swap3A_378, %swap3A_379], %swap3A_382 {strides = array<i32>} : memref<96x144xf32, #tpu.memory_space<vmem>>, vector<1x16xf32>,
        %scan3A_383 = arith.constant 0 : i32
        scf.yield %scan3A_383 : i32
      }
      %scan3A_143 = arith.constant 48 : i32
      %dma_start3A_144 = arith.constant 1 : i32
      %dma_start3A_145 = arith.constant 0 : i32
      %dma_start3A_146 = tpu.memref_slice %arg7[%dma_start3A_144, %dma_start3A_145] : memref<2x96xi32, #tpu.memory_space<vmem>> -> memref<1x96xi32, #tpu.memory_space<vmem>>
      %dma_start3A_147 = tpu.memref_squeeze %dma_start3A_146 : memref<1x96xi32, #tpu.memory_space<vmem>> -> memref<96xi32, #tpu.memory_space<vmem>>
      %dma_start3A_148 = arith.constant 0 : i32
      %dma_start3A_149 = arith.constant 0 : i32
      %dma_start3A_150 = tpu.memref_slice %arg12[%dma_start3A_148, %dma_start3A_149] : memref<10240x144xf32, #tpu.memory_space<vmem_shared>> -> memref<10240x144xf32, #tpu.memory_space<vmem_shared>>
      tpu.enqueue_indirect_dma source(%arg11 : memref<96x144xf32, #tpu.memory_space<vmem>>) target(%dma_start3A_150 : memref<10240x144xf32, #tpu.memory_space<vmem_shared>>) offsets(%dma_start3A_147 : memref<96xi32, #tpu.memory_space<vmem>>) semaphore(%arg16 : memref<!tpu.dma_semaphore, #tpu.memory_space<semaphore_mem>>) {add = true}
      %scan3A_151 = arith.constant 0 : i32
      scf.yield %scan3A_151 : i32
    }
    %scan3A_64 = arith.constant 54 : i32
    %dma_wait3A = arith.constant 1 : i32
    %dma_wait3A_65 = arith.constant 0 : i32
    %dma_wait3A_66 = tpu.memref_slice %arg6[%dma_wait3A, %dma_wait3A_65] : memref<2x96xi32, #tpu.memory_space<vmem>> -> memref<1x96xi32, #tpu.memory_space<vmem>>
    %dma_wait3A_67 = tpu.memref_squeeze %dma_wait3A_66 : memref<1x96xi32, #tpu.memory_space<vmem>> -> memref<96xi32, #tpu.memory_space<vmem>>
    %dma_wait3A_68 = arith.constant 0 : i32
    %dma_wait3A_69 = arith.constant 0 : i32
    %dma_wait3A_70 = tpu.memref_slice %arg12[%dma_wait3A_68, %dma_wait3A_69] : memref<10240x144xf32, #tpu.memory_space<vmem_shared>> -> memref<10240x144xf32, #tpu.memory_space<vmem_shared>>
    tpu.wait_indirect_dma semaphore(%arg15 : memref<!tpu.dma_semaphore, #tpu.memory_space<semaphore_mem>>) src(%arg10 : memref<96x144xf32, #tpu.memory_space<vmem>>) dst(%dma_wait3A_70 : memref<10240x144xf32, #tpu.memory_space<vmem_shared>>)
    %dma_wait3A_71 = arith.constant 1 : i32
    %dma_wait3A_72 = arith.constant 0 : i32
    %dma_wait3A_73 = tpu.memref_slice %arg6[%dma_wait3A_71, %dma_wait3A_72] : memref<2x96xi32, #tpu.memory_space<vmem>> -> memref<1x96xi32, #tpu.memory_space<vmem>>
    %dma_wait3A_74 = tpu.memref_squeeze %dma_wait3A_73 : memref<1x96xi32, #tpu.memory_space<vmem>> -> memref<96xi32, #tpu.memory_space<vmem>>
    %dma_wait3A_75 = arith.constant 0 : i32
    %dma_wait3A_76 = arith.constant 0 : i32
    %dma_wait3A_77 = tpu.memref_slice %arg12[%dma_wait3A_75, %dma_wait3A_76] : memref<10240x144xf32, #tpu.memory_space<vmem_shared>> -> memref<10240x144xf32, #tpu.memory_space<vmem_shared>>
    tpu.wait_indirect_dma semaphore(%arg16 : memref<!tpu.dma_semaphore, #tpu.memory_space<semaphore_mem>>) src(%arg11 : memref<96x144xf32, #tpu.memory_space<vmem>>) dst(%dma_wait3A_77 : memref<10240x144xf32, #tpu.memory_space<vmem_shared>>)
    %barrier3A_78 = arith.constant 0 : index
    tpu.barrier barrier_id(%barrier3A_78)
    "tpu.region"() ({
      %run_scoped3A_79 = tpu.sem_alloc : memref<!tpu.dma_semaphore, #tpu.memory_space<semaphore_mem>>
      %dma_start3A_80 = arith.constant 0 : i32
      %dma_start3A_81 = tpu.memref_slice %arg5[%arg0, %mul3A_5, %dma_start3A_80] : memref<2x10240x144xf32, #tpu.memory_space<hbm>> -> memref<1x640x144xf32, #tpu.memory_space<hbm>>
      %dma_start3A_82 = tpu.memref_squeeze %dma_start3A_81 : memref<1x640x144xf32, #tpu.memory_space<hbm>> -> memref<640x144xf32, #tpu.memory_space<hbm>>
      %dma_start3A_83 = arith.constant 0 : i32
      %dma_start3A_84 = tpu.memref_slice %arg12[%mul3A_5, %dma_start3A_83] : memref<10240x144xf32, #tpu.memory_space<vmem_shared>> -> memref<640x144xf32, #tpu.memory_space<vmem_shared>>
      tpu.enqueue_dma source(%dma_start3A_84 : memref<640x144xf32, #tpu.memory_space<vmem_shared>>) target(%dma_start3A_82 : memref<640x144xf32, #tpu.memory_space<hbm>>) target_semaphore(%run_scoped3A_79 : memref<!tpu.dma_semaphore, #tpu.memory_space<semaphore_mem>>)
      %dma_wait3A_85 = arith.constant 0 : i32
      %dma_wait3A_86 = tpu.memref_slice %arg5[%arg0, %mul3A_5, %dma_wait3A_85] : memref<2x10240x144xf32, #tpu.memory_space<hbm>> -> memref<1x640x144xf32, #tpu.memory_space<hbm>>
      %dma_wait3A_87 = tpu.memref_squeeze %dma_wait3A_86 : memref<1x640x144xf32, #tpu.memory_space<hbm>> -> memref<640x144xf32, #tpu.memory_space<hbm>>
      %dma_wait3A_88 = arith.constant 0 : i32
      %dma_wait3A_89 = tpu.memref_slice %arg12[%mul3A_5, %dma_wait3A_88] : memref<10240x144xf32, #tpu.memory_space<vmem_shared>> -> memref<640x144xf32, #tpu.memory_space<vmem_shared>>
      tpu.wait_dma2 semaphore(%run_scoped3A_79 : memref<!tpu.dma_semaphore, #tpu.memory_space<semaphore_mem>>) src(%dma_wait3A_89 : memref<640x144xf32, #tpu.memory_space<vmem_shared>>) dst(%dma_wait3A_87 : memref<640x144xf32, #tpu.memory_space<hbm>>)
      tpu.yield
    }) : () -> ()
    return
  }
}

#map = affine_map<(d0, d1) -> (0, 0)>
#map1 = affine_map<(d0, d1) -> (0, 0, 0, 0)>
#map2 = affine_map<(d0, d1) -> (0, 0, 0)>
module attributes {stable_mosaic.version = 14 : i64} {
  func.func @_sc_edge_body(%arg0: i32, %arg1: i32, %arg2: memref<10240x80xf32, #tpu.memory_space<hbm>>, %arg3: memref<10240x16xf32, #tpu.memory_space<hbm>>, %arg4: memref<32x108x2x96xi32, #tpu.memory_space<hbm>>, %arg5: memref<2x10240x80xf32, #tpu.memory_space<hbm>>, %arg6: memref<2x96xi32, #tpu.memory_space<vmem>>, %arg7: memref<2x96xi32, #tpu.memory_space<vmem>>, %arg8: memref<96x16xf32, #tpu.memory_space<vmem>>, %arg9: memref<96x16xf32, #tpu.memory_space<vmem>>, %arg10: memref<96x80xf32, #tpu.memory_space<vmem>>, %arg11: memref<96x80xf32, #tpu.memory_space<vmem>>, %arg12: memref<10240x80xf32, #tpu.memory_space<vmem_shared>>, %arg13: memref<!tpu.dma_semaphore, #tpu.memory_space<semaphore_mem>>, %arg14: memref<!tpu.dma_semaphore, #tpu.memory_space<semaphore_mem>>, %arg15: memref<!tpu.dma_semaphore, #tpu.memory_space<semaphore_mem>>, %arg16: memref<!tpu.dma_semaphore, #tpu.memory_space<semaphore_mem>>) attributes {dimension_semantics = [#tpu.dimension_semantics<core_parallel>, #tpu.dimension_semantics<subcore_parallel>], iteration_bounds = array<i64: 2, 16>, scalar_prefetch = 0 : i64, scratch_operands = 11 : i64, tpu.core_type = #tpu.core_type<sc_vector_subcore>, window_params = [{transform_indices = #map}, {transform_indices = #map}, {transform_indices = #map1}, {transform_indices = #map2}]} {
    %mul3A = arith.constant 2 : i32
    %mul3A_0 = arith.muli %arg1, %mul3A : i32
    %add3A = arith.addi %mul3A_0, %arg0 : i32
    %iota3A = tpu.iota {dimensions = array<i32: 0>} : vector<16xi32>
    %mul3A_1 = arith.constant 0 : i32
    %mul3A_2 = vector.broadcast %mul3A_1 : i32 to vector<16xi32>
    %mul3A_3 = arith.muli %iota3A, %mul3A_2 : vector<16xi32>
    %convert_element_type3A = arith.sitofp %mul3A_3 : vector<16xi32> to vector<16xf32>
    %mul3A_4 = arith.constant 640 : i32
    %mul3A_5 = arith.muli %arg1, %mul3A_4 : i32
    %scan3A = arith.constant 0 : i32
    %scan3A_6 = arith.constant 0 : i32
    %scan3A_7 = arith.constant 96 : i32
    %scan3A_8 = arith.addi %scan3A_6, %scan3A_7 : i32
    %scan3A_9 = arith.constant 1 : i32
    %scan3A_10 = scf.for %scan3A_61 = %scan3A_6 to %scan3A_8 step %scan3A_9 iter_args(%scan3A_62 = %scan3A) -> (i32)  : i32 {
      %swap3A = arith.index_cast %scan3A_61 : i32 to index
      %swap3A_63 = arith.constant 0 : index
      %swap3A_64 = tpu.vector_load %arg10[%swap3A, %swap3A_63] {strides = array<i32>} : memref<96x80xf32, #tpu.memory_space<vmem>>, vector<1x16xf32>,
      %swap3A_65 = vector.shape_cast %swap3A_64 : vector<1x16xf32> to vector<16xf32>
      %swap3A_66 = vector.shape_cast %convert_element_type3A : vector<16xf32> to vector<1x16xf32>
      tpu.vector_store %arg10[%swap3A, %swap3A_63], %swap3A_66 {strides = array<i32>} : memref<96x80xf32, #tpu.memory_space<vmem>>, vector<1x16xf32>,
      %swap3A_67 = arith.index_cast %scan3A_61 : i32 to index
      %swap3A_68 = arith.constant 16 : index
      %swap3A_69 = tpu.vector_load %arg10[%swap3A_67, %swap3A_68] {strides = array<i32>} : memref<96x80xf32, #tpu.memory_space<vmem>>, vector<1x16xf32>,
      %swap3A_70 = vector.shape_cast %swap3A_69 : vector<1x16xf32> to vector<16xf32>
      %swap3A_71 = vector.shape_cast %convert_element_type3A : vector<16xf32> to vector<1x16xf32>
      tpu.vector_store %arg10[%swap3A_67, %swap3A_68], %swap3A_71 {strides = array<i32>} : memref<96x80xf32, #tpu.memory_space<vmem>>, vector<1x16xf32>,
      %swap3A_72 = arith.index_cast %scan3A_61 : i32 to index
      %swap3A_73 = arith.constant 32 : index
      %swap3A_74 = tpu.vector_load %arg10[%swap3A_72, %swap3A_73] {strides = array<i32>} : memref<96x80xf32, #tpu.memory_space<vmem>>, vector<1x16xf32>,
      %swap3A_75 = vector.shape_cast %swap3A_74 : vector<1x16xf32> to vector<16xf32>
      %swap3A_76 = vector.shape_cast %convert_element_type3A : vector<16xf32> to vector<1x16xf32>
      tpu.vector_store %arg10[%swap3A_72, %swap3A_73], %swap3A_76 {strides = array<i32>} : memref<96x80xf32, #tpu.memory_space<vmem>>, vector<1x16xf32>,
      %swap3A_77 = arith.index_cast %scan3A_61 : i32 to index
      %swap3A_78 = arith.constant 48 : index
      %swap3A_79 = tpu.vector_load %arg10[%swap3A_77, %swap3A_78] {strides = array<i32>} : memref<96x80xf32, #tpu.memory_space<vmem>>, vector<1x16xf32>,
      %swap3A_80 = vector.shape_cast %swap3A_79 : vector<1x16xf32> to vector<16xf32>
      %swap3A_81 = vector.shape_cast %convert_element_type3A : vector<16xf32> to vector<1x16xf32>
      tpu.vector_store %arg10[%swap3A_77, %swap3A_78], %swap3A_81 {strides = array<i32>} : memref<96x80xf32, #tpu.memory_space<vmem>>, vector<1x16xf32>,
      %swap3A_82 = arith.index_cast %scan3A_61 : i32 to index
      %swap3A_83 = arith.constant 64 : index
      %swap3A_84 = tpu.vector_load %arg10[%swap3A_82, %swap3A_83] {strides = array<i32>} : memref<96x80xf32, #tpu.memory_space<vmem>>, vector<1x16xf32>,
      %swap3A_85 = vector.shape_cast %swap3A_84 : vector<1x16xf32> to vector<16xf32>
      %swap3A_86 = vector.shape_cast %convert_element_type3A : vector<16xf32> to vector<1x16xf32>
      tpu.vector_store %arg10[%swap3A_82, %swap3A_83], %swap3A_86 {strides = array<i32>} : memref<96x80xf32, #tpu.memory_space<vmem>>, vector<1x16xf32>,
      %scan3A_87 = arith.constant 0 : i32
      scf.yield %scan3A_87 : i32
    }
    %scan3A_11 = arith.constant 96 : i32
    %scan3A_12 = arith.constant 0 : i32
    %scan3A_13 = arith.constant 0 : i32
    %scan3A_14 = arith.constant 6 : i32
    %scan3A_15 = arith.addi %scan3A_13, %scan3A_14 : i32
    %scan3A_16 = arith.constant 1 : i32
    %scan3A_17 = scf.for %scan3A_61 = %scan3A_13 to %scan3A_15 step %scan3A_16 iter_args(%scan3A_62 = %scan3A_12) -> (i32)  : i32 {
      %mul3A_63 = arith.constant 96 : i32
      %mul3A_64 = arith.muli %scan3A_61, %mul3A_63 : i32
      %add3A_65 = arith.addi %mul3A_5, %mul3A_64 : i32
      "tpu.region"() ({
        %run_scoped3A_67 = tpu.sem_alloc : memref<!tpu.dma_semaphore, #tpu.memory_space<semaphore_mem>>
        %dma_start3A_68 = arith.constant 0 : i32
        %dma_start3A_69 = tpu.memref_slice %arg12[%add3A_65, %dma_start3A_68] : memref<10240x80xf32, #tpu.memory_space<vmem_shared>> -> memref<96x80xf32, #tpu.memory_space<vmem_shared>>
        %dma_start3A_70 = arith.constant 0 : i32
        %dma_start3A_71 = tpu.memref_slice %arg12[%add3A_65, %dma_start3A_70] : memref<10240x80xf32, #tpu.memory_space<vmem_shared>> -> memref<96x80xf32, #tpu.memory_space<vmem_shared>>
        tpu.enqueue_dma source(%arg10 : memref<96x80xf32, #tpu.memory_space<vmem>>) target(%dma_start3A_71 : memref<96x80xf32, #tpu.memory_space<vmem_shared>>) target_semaphore(%run_scoped3A_67 : memref<!tpu.dma_semaphore, #tpu.memory_space<semaphore_mem>>)
        %dma_wait3A_72 = arith.constant 0 : i32
        %dma_wait3A_73 = tpu.memref_slice %arg12[%add3A_65, %dma_wait3A_72] : memref<10240x80xf32, #tpu.memory_space<vmem_shared>> -> memref<96x80xf32, #tpu.memory_space<vmem_shared>>
        %dma_wait3A_74 = arith.constant 0 : i32
        %dma_wait3A_75 = tpu.memref_slice %arg12[%add3A_65, %dma_wait3A_74] : memref<10240x80xf32, #tpu.memory_space<vmem_shared>> -> memref<96x80xf32, #tpu.memory_space<vmem_shared>>
        tpu.wait_dma2 semaphore(%run_scoped3A_67 : memref<!tpu.dma_semaphore, #tpu.memory_space<semaphore_mem>>) src(%arg10 : memref<96x80xf32, #tpu.memory_space<vmem>>) dst(%dma_wait3A_75 : memref<96x80xf32, #tpu.memory_space<vmem_shared>>)
        tpu.yield
      }) : () -> ()
      %scan3A_66 = arith.constant 0 : i32
      scf.yield %scan3A_66 : i32
    }
    %scan3A_18 = arith.constant 6 : i32
    %add3A_19 = arith.constant 576 : i32
    %add3A_20 = arith.addi %mul3A_5, %add3A_19 : i32
    "tpu.region"() ({
      %run_scoped3A_61 = tpu.sem_alloc : memref<!tpu.dma_semaphore, #tpu.memory_space<semaphore_mem>>
      %dma_start3A_62 = arith.constant 0 : i32
      %dma_start3A_63 = arith.constant 0 : i32
      %dma_start3A_64 = tpu.memref_slice %arg10[%dma_start3A_62, %dma_start3A_63] : memref<96x80xf32, #tpu.memory_space<vmem>> -> memref<64x80xf32, #tpu.memory_space<vmem>>
      %dma_start3A_65 = arith.constant 0 : i32
      %dma_start3A_66 = tpu.memref_slice %arg12[%add3A_20, %dma_start3A_65] : memref<10240x80xf32, #tpu.memory_space<vmem_shared>> -> memref<64x80xf32, #tpu.memory_space<vmem_shared>>
      %dma_start3A_67 = arith.constant 0 : i32
      %dma_start3A_68 = tpu.memref_slice %arg12[%add3A_20, %dma_start3A_67] : memref<10240x80xf32, #tpu.memory_space<vmem_shared>> -> memref<64x80xf32, #tpu.memory_space<vmem_shared>>
      %dma_start3A_69 = arith.constant 0 : i32
      %dma_start3A_70 = arith.constant 0 : i32
      %dma_start3A_71 = tpu.memref_slice %arg10[%dma_start3A_69, %dma_start3A_70] : memref<96x80xf32, #tpu.memory_space<vmem>> -> memref<64x80xf32, #tpu.memory_space<vmem>>
      tpu.enqueue_dma source(%dma_start3A_71 : memref<64x80xf32, #tpu.memory_space<vmem>>) target(%dma_start3A_68 : memref<64x80xf32, #tpu.memory_space<vmem_shared>>) target_semaphore(%run_scoped3A_61 : memref<!tpu.dma_semaphore, #tpu.memory_space<semaphore_mem>>)
      %dma_wait3A_72 = arith.constant 0 : i32
      %dma_wait3A_73 = arith.constant 0 : i32
      %dma_wait3A_74 = tpu.memref_slice %arg10[%dma_wait3A_72, %dma_wait3A_73] : memref<96x80xf32, #tpu.memory_space<vmem>> -> memref<64x80xf32, #tpu.memory_space<vmem>>
      %dma_wait3A_75 = arith.constant 0 : i32
      %dma_wait3A_76 = tpu.memref_slice %arg12[%add3A_20, %dma_wait3A_75] : memref<10240x80xf32, #tpu.memory_space<vmem_shared>> -> memref<64x80xf32, #tpu.memory_space<vmem_shared>>
      %dma_wait3A_77 = arith.constant 0 : i32
      %dma_wait3A_78 = tpu.memref_slice %arg12[%add3A_20, %dma_wait3A_77] : memref<10240x80xf32, #tpu.memory_space<vmem_shared>> -> memref<64x80xf32, #tpu.memory_space<vmem_shared>>
      %dma_wait3A_79 = arith.constant 0 : i32
      %dma_wait3A_80 = arith.constant 0 : i32
      %dma_wait3A_81 = tpu.memref_slice %arg10[%dma_wait3A_79, %dma_wait3A_80] : memref<96x80xf32, #tpu.memory_space<vmem>> -> memref<64x80xf32, #tpu.memory_space<vmem>>
      tpu.wait_dma2 semaphore(%run_scoped3A_61 : memref<!tpu.dma_semaphore, #tpu.memory_space<semaphore_mem>>) src(%dma_wait3A_81 : memref<64x80xf32, #tpu.memory_space<vmem>>) dst(%dma_wait3A_78 : memref<64x80xf32, #tpu.memory_space<vmem_shared>>)
      tpu.yield
    }) : () -> ()
    %barrier3A = arith.constant 0 : index
    tpu.barrier barrier_id(%barrier3A)
    %mul3A_21 = arith.constant 0 : i32
    %mul3A_22 = vector.broadcast %mul3A_21 : i32 to vector<16xi32>
    %mul3A_23 = arith.muli %iota3A, %mul3A_22 : vector<16xi32>
    %add3A_24 = arith.constant 0 : i32
    %add3A_25 = vector.broadcast %add3A_24 : i32 to vector<16xi32>
    %add3A_26 = arith.addi %mul3A_23, %add3A_25 : vector<16xi32>
    %run_scoped3A = arith.constant 0 : i32
    "tpu.region"() ({
      %run_scoped3A_61 = tpu.sem_alloc : memref<!tpu.dma_semaphore, #tpu.memory_space<semaphore_mem>>
      %dma_start3A_62 = arith.constant 0 : i32
      %dma_start3A_63 = arith.constant 0 : i32
      %dma_start3A_64 = tpu.memref_slice %arg4[%add3A, %run_scoped3A, %dma_start3A_62, %dma_start3A_63] : memref<32x108x2x96xi32, #tpu.memory_space<hbm>> -> memref<1x1x2x96xi32, #tpu.memory_space<hbm>>
      %dma_start3A_65 = tpu.memref_squeeze %dma_start3A_64 : memref<1x1x2x96xi32, #tpu.memory_space<hbm>> -> memref<2x96xi32, #tpu.memory_space<hbm>>
      %dma_start3A_66 = arith.constant 0 : i32
      %dma_start3A_67 = arith.constant 0 : i32
      %dma_start3A_68 = tpu.memref_slice %arg4[%add3A, %run_scoped3A, %dma_start3A_66, %dma_start3A_67] : memref<32x108x2x96xi32, #tpu.memory_space<hbm>> -> memref<1x1x2x96xi32, #tpu.memory_space<hbm>>
      %dma_start3A_69 = tpu.memref_squeeze %dma_start3A_68 : memref<1x1x2x96xi32, #tpu.memory_space<hbm>> -> memref<2x96xi32, #tpu.memory_space<hbm>>
      tpu.enqueue_dma source(%dma_start3A_69 : memref<2x96xi32, #tpu.memory_space<hbm>>) target(%arg6 : memref<2x96xi32, #tpu.memory_space<vmem>>) target_semaphore(%run_scoped3A_61 : memref<!tpu.dma_semaphore, #tpu.memory_space<semaphore_mem>>)
      %dma_wait3A_70 = arith.constant 0 : i32
      %dma_wait3A_71 = arith.constant 0 : i32
      %dma_wait3A_72 = tpu.memref_slice %arg4[%add3A, %run_scoped3A, %dma_wait3A_70, %dma_wait3A_71] : memref<32x108x2x96xi32, #tpu.memory_space<hbm>> -> memref<1x1x2x96xi32, #tpu.memory_space<hbm>>
      %dma_wait3A_73 = tpu.memref_squeeze %dma_wait3A_72 : memref<1x1x2x96xi32, #tpu.memory_space<hbm>> -> memref<2x96xi32, #tpu.memory_space<hbm>>
      %dma_wait3A_74 = arith.constant 0 : i32
      %dma_wait3A_75 = arith.constant 0 : i32
      %dma_wait3A_76 = tpu.memref_slice %arg4[%add3A, %run_scoped3A, %dma_wait3A_74, %dma_wait3A_75] : memref<32x108x2x96xi32, #tpu.memory_space<hbm>> -> memref<1x1x2x96xi32, #tpu.memory_space<hbm>>
      %dma_wait3A_77 = tpu.memref_squeeze %dma_wait3A_76 : memref<1x1x2x96xi32, #tpu.memory_space<hbm>> -> memref<2x96xi32, #tpu.memory_space<hbm>>
      tpu.wait_dma2 semaphore(%run_scoped3A_61 : memref<!tpu.dma_semaphore, #tpu.memory_space<semaphore_mem>>) src(%dma_wait3A_77 : memref<2x96xi32, #tpu.memory_space<hbm>>) dst(%arg6 : memref<2x96xi32, #tpu.memory_space<vmem>>)
      tpu.yield
    }) : () -> ()
    %dma_start3A = arith.constant 0 : i32
    %dma_start3A_27 = arith.constant 0 : i32
    %dma_start3A_28 = tpu.memref_slice %arg6[%dma_start3A, %dma_start3A_27] : memref<2x96xi32, #tpu.memory_space<vmem>> -> memref<1x96xi32, #tpu.memory_space<vmem>>
    %dma_start3A_29 = tpu.memref_squeeze %dma_start3A_28 : memref<1x96xi32, #tpu.memory_space<vmem>> -> memref<96xi32, #tpu.memory_space<vmem>>
    %dma_start3A_30 = arith.constant 0 : i32
    %dma_start3A_31 = arith.constant 0 : i32
    %dma_start3A_32 = tpu.memref_slice %arg2[%dma_start3A_30, %dma_start3A_31] : memref<10240x80xf32, #tpu.memory_space<hbm>> -> memref<10240x80xf32, #tpu.memory_space<hbm>>
    tpu.enqueue_indirect_dma source(%dma_start3A_32 : memref<10240x80xf32, #tpu.memory_space<hbm>>) target(%arg10 : memref<96x80xf32, #tpu.memory_space<vmem>>) offsets(%dma_start3A_29 : memref<96xi32, #tpu.memory_space<vmem>>) semaphore(%arg13 : memref<!tpu.dma_semaphore, #tpu.memory_space<semaphore_mem>>)
    %dma_start3A_33 = arith.constant 1 : i32
    %dma_start3A_34 = arith.constant 0 : i32
    %dma_start3A_35 = tpu.memref_slice %arg6[%dma_start3A_33, %dma_start3A_34] : memref<2x96xi32, #tpu.memory_space<vmem>> -> memref<1x96xi32, #tpu.memory_space<vmem>>
    %dma_start3A_36 = tpu.memref_squeeze %dma_start3A_35 : memref<1x96xi32, #tpu.memory_space<vmem>> -> memref<96xi32, #tpu.memory_space<vmem>>
    %dma_start3A_37 = arith.constant 0 : i32
    %dma_start3A_38 = arith.constant 0 : i32
    %dma_start3A_39 = tpu.memref_slice %arg3[%dma_start3A_37, %dma_start3A_38] : memref<10240x16xf32, #tpu.memory_space<hbm>> -> memref<10240x16xf32, #tpu.memory_space<hbm>>
    tpu.enqueue_indirect_dma source(%dma_start3A_39 : memref<10240x16xf32, #tpu.memory_space<hbm>>) target(%arg8 : memref<96x16xf32, #tpu.memory_space<vmem>>) offsets(%dma_start3A_36 : memref<96xi32, #tpu.memory_space<vmem>>) semaphore(%arg13 : memref<!tpu.dma_semaphore, #tpu.memory_space<semaphore_mem>>)
    %scan3A_40 = arith.constant 0 : i32
    %scan3A_41 = arith.constant 0 : i32
    %scan3A_42 = arith.constant 54 : i32
    %scan3A_43 = arith.addi %scan3A_41, %scan3A_42 : i32
    %scan3A_44 = arith.constant 1 : i32
    %scan3A_45 = scf.for %scan3A_61 = %scan3A_41 to %scan3A_43 step %scan3A_44 iter_args(%scan3A_62 = %scan3A_40) -> (i32)  : i32 {
      %mul3A_63 = arith.constant 2 : i32
      %mul3A_64 = arith.muli %mul3A_63, %scan3A_61 : i32
      %lt3A = arith.constant 107 : i32
      %lt3A_65 = arith.cmpi slt, %mul3A_64, %lt3A : i32
      %convert_element_type3A_66 = arith.extui %lt3A_65 : i1 to i32
      %cond3A = arith.constant 0 : i32
      %cond3A_67 = arith.cmpi ne, %convert_element_type3A_66, %cond3A : i32
      scf.if %cond3A_67 {
        %gt3A = arith.constant 0 : i32
        %gt3A_134 = arith.cmpi sgt, %mul3A_64, %gt3A : i32
        %convert_element_type3A_135 = arith.extui %gt3A_134 : i1 to i32
        %cond3A_136 = arith.constant 0 : i32
        %cond3A_137 = arith.cmpi ne, %convert_element_type3A_135, %cond3A_136 : i32
        scf.if %cond3A_137 {
          %dma_wait3A_154 = arith.constant 1 : i32
          %dma_wait3A_155 = arith.constant 0 : i32
          %dma_wait3A_156 = tpu.memref_slice %arg6[%dma_wait3A_154, %dma_wait3A_155] : memref<2x96xi32, #tpu.memory_space<vmem>> -> memref<1x96xi32, #tpu.memory_space<vmem>>
          %dma_wait3A_157 = tpu.memref_squeeze %dma_wait3A_156 : memref<1x96xi32, #tpu.memory_space<vmem>> -> memref<96xi32, #tpu.memory_space<vmem>>
          %dma_wait3A_158 = arith.constant 0 : i32
          %dma_wait3A_159 = arith.constant 0 : i32
          %dma_wait3A_160 = tpu.memref_slice %arg12[%dma_wait3A_158, %dma_wait3A_159] : memref<10240x80xf32, #tpu.memory_space<vmem_shared>> -> memref<10240x80xf32, #tpu.memory_space<vmem_shared>>
          tpu.wait_indirect_dma semaphore(%arg16 : memref<!tpu.dma_semaphore, #tpu.memory_space<semaphore_mem>>) src(%arg11 : memref<96x80xf32, #tpu.memory_space<vmem>>) dst(%dma_wait3A_160 : memref<10240x80xf32, #tpu.memory_space<vmem_shared>>)
        } else {
        }
        %add3A_138 = arith.constant 1 : i32
        %add3A_139 = arith.addi %mul3A_64, %add3A_138 : i32
        "tpu.region"() ({
          %run_scoped3A_154 = tpu.sem_alloc : memref<!tpu.dma_semaphore, #tpu.memory_space<semaphore_mem>>
          %dma_start3A_155 = arith.constant 0 : i32
          %dma_start3A_156 = arith.constant 0 : i32
          %dma_start3A_157 = tpu.memref_slice %arg4[%add3A, %add3A_139, %dma_start3A_155, %dma_start3A_156] : memref<32x108x2x96xi32, #tpu.memory_space<hbm>> -> memref<1x1x2x96xi32, #tpu.memory_space<hbm>>
          %dma_start3A_158 = tpu.memref_squeeze %dma_start3A_157 : memref<1x1x2x96xi32, #tpu.memory_space<hbm>> -> memref<2x96xi32, #tpu.memory_space<hbm>>
          %dma_start3A_159 = arith.constant 0 : i32
          %dma_start3A_160 = arith.constant 0 : i32
          %dma_start3A_161 = tpu.memref_slice %arg4[%add3A, %add3A_139, %dma_start3A_159, %dma_start3A_160] : memref<32x108x2x96xi32, #tpu.memory_space<hbm>> -> memref<1x1x2x96xi32, #tpu.memory_space<hbm>>
          %dma_start3A_162 = tpu.memref_squeeze %dma_start3A_161 : memref<1x1x2x96xi32, #tpu.memory_space<hbm>> -> memref<2x96xi32, #tpu.memory_space<hbm>>
          tpu.enqueue_dma source(%dma_start3A_162 : memref<2x96xi32, #tpu.memory_space<hbm>>) target(%arg7 : memref<2x96xi32, #tpu.memory_space<vmem>>) target_semaphore(%run_scoped3A_154 : memref<!tpu.dma_semaphore, #tpu.memory_space<semaphore_mem>>)
          %dma_wait3A_163 = arith.constant 0 : i32
          %dma_wait3A_164 = arith.constant 0 : i32
          %dma_wait3A_165 = tpu.memref_slice %arg4[%add3A, %add3A_139, %dma_wait3A_163, %dma_wait3A_164] : memref<32x108x2x96xi32, #tpu.memory_space<hbm>> -> memref<1x1x2x96xi32, #tpu.memory_space<hbm>>
          %dma_wait3A_166 = tpu.memref_squeeze %dma_wait3A_165 : memref<1x1x2x96xi32, #tpu.memory_space<hbm>> -> memref<2x96xi32, #tpu.memory_space<hbm>>
          %dma_wait3A_167 = arith.constant 0 : i32
          %dma_wait3A_168 = arith.constant 0 : i32
          %dma_wait3A_169 = tpu.memref_slice %arg4[%add3A, %add3A_139, %dma_wait3A_167, %dma_wait3A_168] : memref<32x108x2x96xi32, #tpu.memory_space<hbm>> -> memref<1x1x2x96xi32, #tpu.memory_space<hbm>>
          %dma_wait3A_170 = tpu.memref_squeeze %dma_wait3A_169 : memref<1x1x2x96xi32, #tpu.memory_space<hbm>> -> memref<2x96xi32, #tpu.memory_space<hbm>>
          tpu.wait_dma2 semaphore(%run_scoped3A_154 : memref<!tpu.dma_semaphore, #tpu.memory_space<semaphore_mem>>) src(%dma_wait3A_170 : memref<2x96xi32, #tpu.memory_space<hbm>>) dst(%arg7 : memref<2x96xi32, #tpu.memory_space<vmem>>)
          tpu.yield
        }) : () -> ()
        %dma_start3A_140 = arith.constant 0 : i32
        %dma_start3A_141 = arith.constant 0 : i32
        %dma_start3A_142 = tpu.memref_slice %arg7[%dma_start3A_140, %dma_start3A_141] : memref<2x96xi32, #tpu.memory_space<vmem>> -> memref<1x96xi32, #tpu.memory_space<vmem>>
        %dma_start3A_143 = tpu.memref_squeeze %dma_start3A_142 : memref<1x96xi32, #tpu.memory_space<vmem>> -> memref<96xi32, #tpu.memory_space<vmem>>
        %dma_start3A_144 = arith.constant 0 : i32
        %dma_start3A_145 = arith.constant 0 : i32
        %dma_start3A_146 = tpu.memref_slice %arg2[%dma_start3A_144, %dma_start3A_145] : memref<10240x80xf32, #tpu.memory_space<hbm>> -> memref<10240x80xf32, #tpu.memory_space<hbm>>
        tpu.enqueue_indirect_dma source(%dma_start3A_146 : memref<10240x80xf32, #tpu.memory_space<hbm>>) target(%arg11 : memref<96x80xf32, #tpu.memory_space<vmem>>) offsets(%dma_start3A_143 : memref<96xi32, #tpu.memory_space<vmem>>) semaphore(%arg14 : memref<!tpu.dma_semaphore, #tpu.memory_space<semaphore_mem>>)
        %dma_start3A_147 = arith.constant 1 : i32
        %dma_start3A_148 = arith.constant 0 : i32
        %dma_start3A_149 = tpu.memref_slice %arg7[%dma_start3A_147, %dma_start3A_148] : memref<2x96xi32, #tpu.memory_space<vmem>> -> memref<1x96xi32, #tpu.memory_space<vmem>>
        %dma_start3A_150 = tpu.memref_squeeze %dma_start3A_149 : memref<1x96xi32, #tpu.memory_space<vmem>> -> memref<96xi32, #tpu.memory_space<vmem>>
        %dma_start3A_151 = arith.constant 0 : i32
        %dma_start3A_152 = arith.constant 0 : i32
        %dma_start3A_153 = tpu.memref_slice %arg3[%dma_start3A_151, %dma_start3A_152] : memref<10240x16xf32, #tpu.memory_space<hbm>> -> memref<10240x16xf32, #tpu.memory_space<hbm>>
        tpu.enqueue_indirect_dma source(%dma_start3A_153 : memref<10240x16xf32, #tpu.memory_space<hbm>>) target(%arg9 : memref<96x16xf32, #tpu.memory_space<vmem>>) offsets(%dma_start3A_150 : memref<96xi32, #tpu.memory_space<vmem>>) semaphore(%arg14 : memref<!tpu.dma_semaphore, #tpu.memory_space<semaphore_mem>>)
      } else {
      }
      %dma_wait3A_68 = arith.constant 0 : i32
      %dma_wait3A_69 = arith.constant 0 : i32
      %dma_wait3A_70 = tpu.memref_slice %arg6[%dma_wait3A_68, %dma_wait3A_69] : memref<2x96xi32, #tpu.memory_space<vmem>> -> memref<1x96xi32, #tpu.memory_space<vmem>>
      %dma_wait3A_71 = tpu.memref_squeeze %dma_wait3A_70 : memref<1x96xi32, #tpu.memory_space<vmem>> -> memref<96xi32, #tpu.memory_space<vmem>>
      %dma_wait3A_72 = arith.constant 0 : i32
      %dma_wait3A_73 = arith.constant 0 : i32
      %dma_wait3A_74 = tpu.memref_slice %arg2[%dma_wait3A_72, %dma_wait3A_73] : memref<10240x80xf32, #tpu.memory_space<hbm>> -> memref<10240x80xf32, #tpu.memory_space<hbm>>
      tpu.wait_indirect_dma semaphore(%arg13 : memref<!tpu.dma_semaphore, #tpu.memory_space<semaphore_mem>>) src(%dma_wait3A_74 : memref<10240x80xf32, #tpu.memory_space<hbm>>) dst(%arg10 : memref<96x80xf32, #tpu.memory_space<vmem>>)
      %dma_wait3A_75 = arith.constant 1 : i32
      %dma_wait3A_76 = arith.constant 0 : i32
      %dma_wait3A_77 = tpu.memref_slice %arg6[%dma_wait3A_75, %dma_wait3A_76] : memref<2x96xi32, #tpu.memory_space<vmem>> -> memref<1x96xi32, #tpu.memory_space<vmem>>
      %dma_wait3A_78 = tpu.memref_squeeze %dma_wait3A_77 : memref<1x96xi32, #tpu.memory_space<vmem>> -> memref<96xi32, #tpu.memory_space<vmem>>
      %dma_wait3A_79 = arith.constant 0 : i32
      %dma_wait3A_80 = arith.constant 0 : i32
      %dma_wait3A_81 = tpu.memref_slice %arg3[%dma_wait3A_79, %dma_wait3A_80] : memref<10240x16xf32, #tpu.memory_space<hbm>> -> memref<10240x16xf32, #tpu.memory_space<hbm>>
      tpu.wait_indirect_dma semaphore(%arg13 : memref<!tpu.dma_semaphore, #tpu.memory_space<semaphore_mem>>) src(%dma_wait3A_81 : memref<10240x16xf32, #tpu.memory_space<hbm>>) dst(%arg8 : memref<96x16xf32, #tpu.memory_space<vmem>>)
      %scan3A_82 = arith.constant 0 : i32
      %scan3A_83 = arith.constant 0 : i32
      %scan3A_84 = arith.constant 48 : i32
      %scan3A_85 = arith.addi %scan3A_83, %scan3A_84 : i32
      %scan3A_86 = arith.constant 1 : i32
      %scan3A_87 = scf.for %scan3A_134 = %scan3A_83 to %scan3A_85 step %scan3A_86 iter_args(%scan3A_135 = %scan3A_82) -> (i32)  : i32 {
        %mul3A_136 = arith.constant 2 : i32
        %mul3A_137 = arith.muli %scan3A_134, %mul3A_136 : i32
        %add3A_138 = arith.constant 0 : i32
        %add3A_139 = arith.addi %mul3A_137, %add3A_138 : i32
        %get3A = arith.index_cast %add3A_139 : i32 to index
        %get3A_140 = arith.constant 64 : index
        %get3A_141 = tpu.vector_load %arg10[%get3A, %get3A_140] {strides = array<i32>} : memref<96x80xf32, #tpu.memory_space<vmem>>, vector<1x16xf32>,
        %get3A_142 = vector.shape_cast %get3A_141 : vector<1x16xf32> to vector<16xf32>
        %get3A_143 = arith.index_cast %add3A_139 : i32 to index
        %get3A_144 = arith.constant 0 : index
        %get3A_145 = tpu.vector_load %arg8[%get3A_143, %get3A_144] {strides = array<i32>} : memref<96x16xf32, #tpu.memory_space<vmem>>, vector<1x16xf32>,
        %get3A_146 = vector.shape_cast %get3A_145 : vector<1x16xf32> to vector<16xf32>
        %add3A_147 = arith.addf %get3A_142, %get3A_146 : vector<16xf32>
        %gt3A = arith.constant 0.000000e+00 : f32
        %gt3A_148 = vector.broadcast %gt3A : f32 to vector<16xf32>
        %gt3A_149 = arith.cmpf ogt, %add3A_147, %gt3A_148 : vector<16xf32>
        %mul3A_150 = arith.constant 2.000000e-01 : f32
        %mul3A_151 = vector.broadcast %mul3A_150 : f32 to vector<16xf32>
        %mul3A_152 = arith.mulf %mul3A_151, %add3A_147 : vector<16xf32>
        %select_n3A = arith.select %gt3A_149, %add3A_147, %mul3A_152 : vector<16xi1>, vector<16xf32>
        %exp3A = math.exp %select_n3A : vector<16xf32>
        %swap3A = arith.index_cast %add3A_139 : i32 to index
        %swap3A_153 = arith.constant 64 : index
        %swap3A_154 = tpu.vector_load %arg10[%swap3A, %swap3A_153] {strides = array<i32>} : memref<96x80xf32, #tpu.memory_space<vmem>>, vector<1x16xf32>,
        %swap3A_155 = vector.shape_cast %swap3A_154 : vector<1x16xf32> to vector<16xf32>
        %swap3A_156 = vector.shape_cast %exp3A : vector<16xf32> to vector<1x16xf32>
        tpu.vector_store %arg10[%swap3A, %swap3A_153], %swap3A_156 {strides = array<i32>} : memref<96x80xf32, #tpu.memory_space<vmem>>, vector<1x16xf32>,
        %broadcast_in_dim3A = vector.shape_cast %add3A_26 : vector<16xi32> to vector<16x1xi32>
        %gather3A = vector.shape_cast %broadcast_in_dim3A : vector<16x1xi32> to vector<16xi32>
        %gather3A_157 = tpu.dynamic_gather %exp3A[%gather3A] in [0] : vector<16xf32>, vector<16xi32> -> vector<16xf32>
        %get3A_158 = arith.index_cast %add3A_139 : i32 to index
        %get3A_159 = arith.constant 0 : index
        %get3A_160 = tpu.vector_load %arg10[%get3A_158, %get3A_159] {strides = array<i32>} : memref<96x80xf32, #tpu.memory_space<vmem>>, vector<1x16xf32>,
        %get3A_161 = vector.shape_cast %get3A_160 : vector<1x16xf32> to vector<16xf32>
        %mul3A_162 = arith.mulf %get3A_161, %gather3A_157 : vector<16xf32>
        %swap3A_163 = arith.index_cast %add3A_139 : i32 to index
        %swap3A_164 = arith.constant 0 : index
        %swap3A_165 = tpu.vector_load %arg10[%swap3A_163, %swap3A_164] {strides = array<i32>} : memref<96x80xf32, #tpu.memory_space<vmem>>, vector<1x16xf32>,
        %swap3A_166 = vector.shape_cast %swap3A_165 : vector<1x16xf32> to vector<16xf32>
        %swap3A_167 = vector.shape_cast %mul3A_162 : vector<16xf32> to vector<1x16xf32>
        tpu.vector_store %arg10[%swap3A_163, %swap3A_164], %swap3A_167 {strides = array<i32>} : memref<96x80xf32, #tpu.memory_space<vmem>>, vector<1x16xf32>,
        %get3A_168 = arith.index_cast %add3A_139 : i32 to index
        %get3A_169 = arith.constant 16 : index
        %get3A_170 = tpu.vector_load %arg10[%get3A_168, %get3A_169] {strides = array<i32>} : memref<96x80xf32, #tpu.memory_space<vmem>>, vector<1x16xf32>,
        %get3A_171 = vector.shape_cast %get3A_170 : vector<1x16xf32> to vector<16xf32>
        %mul3A_172 = arith.mulf %get3A_171, %gather3A_157 : vector<16xf32>
        %swap3A_173 = arith.index_cast %add3A_139 : i32 to index
        %swap3A_174 = arith.constant 16 : index
        %swap3A_175 = tpu.vector_load %arg10[%swap3A_173, %swap3A_174] {strides = array<i32>} : memref<96x80xf32, #tpu.memory_space<vmem>>, vector<1x16xf32>,
        %swap3A_176 = vector.shape_cast %swap3A_175 : vector<1x16xf32> to vector<16xf32>
        %swap3A_177 = vector.shape_cast %mul3A_172 : vector<16xf32> to vector<1x16xf32>
        tpu.vector_store %arg10[%swap3A_173, %swap3A_174], %swap3A_177 {strides = array<i32>} : memref<96x80xf32, #tpu.memory_space<vmem>>, vector<1x16xf32>,
        %get3A_178 = arith.index_cast %add3A_139 : i32 to index
        %get3A_179 = arith.constant 32 : index
        %get3A_180 = tpu.vector_load %arg10[%get3A_178, %get3A_179] {strides = array<i32>} : memref<96x80xf32, #tpu.memory_space<vmem>>, vector<1x16xf32>,
        %get3A_181 = vector.shape_cast %get3A_180 : vector<1x16xf32> to vector<16xf32>
        %mul3A_182 = arith.mulf %get3A_181, %gather3A_157 : vector<16xf32>
        %swap3A_183 = arith.index_cast %add3A_139 : i32 to index
        %swap3A_184 = arith.constant 32 : index
        %swap3A_185 = tpu.vector_load %arg10[%swap3A_183, %swap3A_184] {strides = array<i32>} : memref<96x80xf32, #tpu.memory_space<vmem>>, vector<1x16xf32>,
        %swap3A_186 = vector.shape_cast %swap3A_185 : vector<1x16xf32> to vector<16xf32>
        %swap3A_187 = vector.shape_cast %mul3A_182 : vector<16xf32> to vector<1x16xf32>
        tpu.vector_store %arg10[%swap3A_183, %swap3A_184], %swap3A_187 {strides = array<i32>} : memref<96x80xf32, #tpu.memory_space<vmem>>, vector<1x16xf32>,
        %get3A_188 = arith.index_cast %add3A_139 : i32 to index
        %get3A_189 = arith.constant 48 : index
        %get3A_190 = tpu.vector_load %arg10[%get3A_188, %get3A_189] {strides = array<i32>} : memref<96x80xf32, #tpu.memory_space<vmem>>, vector<1x16xf32>,
        %get3A_191 = vector.shape_cast %get3A_190 : vector<1x16xf32> to vector<16xf32>
        %mul3A_192 = arith.mulf %get3A_191, %gather3A_157 : vector<16xf32>
        %swap3A_193 = arith.index_cast %add3A_139 : i32 to index
        %swap3A_194 = arith.constant 48 : index
        %swap3A_195 = tpu.vector_load %arg10[%swap3A_193, %swap3A_194] {strides = array<i32>} : memref<96x80xf32, #tpu.memory_space<vmem>>, vector<1x16xf32>,
        %swap3A_196 = vector.shape_cast %swap3A_195 : vector<1x16xf32> to vector<16xf32>
        %swap3A_197 = vector.shape_cast %mul3A_192 : vector<16xf32> to vector<1x16xf32>
        tpu.vector_store %arg10[%swap3A_193, %swap3A_194], %swap3A_197 {strides = array<i32>} : memref<96x80xf32, #tpu.memory_space<vmem>>, vector<1x16xf32>,
        %mul3A_198 = arith.constant 2 : i32
        %mul3A_199 = arith.muli %scan3A_134, %mul3A_198 : i32
        %add3A_200 = arith.constant 1 : i32
        %add3A_201 = arith.addi %mul3A_199, %add3A_200 : i32
        %get3A_202 = arith.index_cast %add3A_201 : i32 to index
        %get3A_203 = arith.constant 64 : index
        %get3A_204 = tpu.vector_load %arg10[%get3A_202, %get3A_203] {strides = array<i32>} : memref<96x80xf32, #tpu.memory_space<vmem>>, vector<1x16xf32>,
        %get3A_205 = vector.shape_cast %get3A_204 : vector<1x16xf32> to vector<16xf32>
        %get3A_206 = arith.index_cast %add3A_201 : i32 to index
        %get3A_207 = arith.constant 0 : index
        %get3A_208 = tpu.vector_load %arg8[%get3A_206, %get3A_207] {strides = array<i32>} : memref<96x16xf32, #tpu.memory_space<vmem>>, vector<1x16xf32>,
        %get3A_209 = vector.shape_cast %get3A_208 : vector<1x16xf32> to vector<16xf32>
        %add3A_210 = arith.addf %get3A_205, %get3A_209 : vector<16xf32>
        %gt3A_211 = arith.constant 0.000000e+00 : f32
        %gt3A_212 = vector.broadcast %gt3A_211 : f32 to vector<16xf32>
        %gt3A_213 = arith.cmpf ogt, %add3A_210, %gt3A_212 : vector<16xf32>
        %mul3A_214 = arith.constant 2.000000e-01 : f32
        %mul3A_215 = vector.broadcast %mul3A_214 : f32 to vector<16xf32>
        %mul3A_216 = arith.mulf %mul3A_215, %add3A_210 : vector<16xf32>
        %select_n3A_217 = arith.select %gt3A_213, %add3A_210, %mul3A_216 : vector<16xi1>, vector<16xf32>
        %exp3A_218 = math.exp %select_n3A_217 : vector<16xf32>
        %swap3A_219 = arith.index_cast %add3A_201 : i32 to index
        %swap3A_220 = arith.constant 64 : index
        %swap3A_221 = tpu.vector_load %arg10[%swap3A_219, %swap3A_220] {strides = array<i32>} : memref<96x80xf32, #tpu.memory_space<vmem>>, vector<1x16xf32>,
        %swap3A_222 = vector.shape_cast %swap3A_221 : vector<1x16xf32> to vector<16xf32>
        %swap3A_223 = vector.shape_cast %exp3A_218 : vector<16xf32> to vector<1x16xf32>
        tpu.vector_store %arg10[%swap3A_219, %swap3A_220], %swap3A_223 {strides = array<i32>} : memref<96x80xf32, #tpu.memory_space<vmem>>, vector<1x16xf32>,
        %broadcast_in_dim3A_224 = vector.shape_cast %add3A_26 : vector<16xi32> to vector<16x1xi32>
        %gather3A_225 = vector.shape_cast %broadcast_in_dim3A_224 : vector<16x1xi32> to vector<16xi32>
        %gather3A_226 = tpu.dynamic_gather %exp3A_218[%gather3A_225] in [0] : vector<16xf32>, vector<16xi32> -> vector<16xf32>
        %get3A_227 = arith.index_cast %add3A_201 : i32 to index
        %get3A_228 = arith.constant 0 : index
        %get3A_229 = tpu.vector_load %arg10[%get3A_227, %get3A_228] {strides = array<i32>} : memref<96x80xf32, #tpu.memory_space<vmem>>, vector<1x16xf32>,
        %get3A_230 = vector.shape_cast %get3A_229 : vector<1x16xf32> to vector<16xf32>
        %mul3A_231 = arith.mulf %get3A_230, %gather3A_226 : vector<16xf32>
        %swap3A_232 = arith.index_cast %add3A_201 : i32 to index
        %swap3A_233 = arith.constant 0 : index
        %swap3A_234 = tpu.vector_load %arg10[%swap3A_232, %swap3A_233] {strides = array<i32>} : memref<96x80xf32, #tpu.memory_space<vmem>>, vector<1x16xf32>,
        %swap3A_235 = vector.shape_cast %swap3A_234 : vector<1x16xf32> to vector<16xf32>
        %swap3A_236 = vector.shape_cast %mul3A_231 : vector<16xf32> to vector<1x16xf32>
        tpu.vector_store %arg10[%swap3A_232, %swap3A_233], %swap3A_236 {strides = array<i32>} : memref<96x80xf32, #tpu.memory_space<vmem>>, vector<1x16xf32>,
        %get3A_237 = arith.index_cast %add3A_201 : i32 to index
        %get3A_238 = arith.constant 16 : index
        %get3A_239 = tpu.vector_load %arg10[%get3A_237, %get3A_238] {strides = array<i32>} : memref<96x80xf32, #tpu.memory_space<vmem>>, vector<1x16xf32>,
        %get3A_240 = vector.shape_cast %get3A_239 : vector<1x16xf32> to vector<16xf32>
        %mul3A_241 = arith.mulf %get3A_240, %gather3A_226 : vector<16xf32>
        %swap3A_242 = arith.index_cast %add3A_201 : i32 to index
        %swap3A_243 = arith.constant 16 : index
        %swap3A_244 = tpu.vector_load %arg10[%swap3A_242, %swap3A_243] {strides = array<i32>} : memref<96x80xf32, #tpu.memory_space<vmem>>, vector<1x16xf32>,
        %swap3A_245 = vector.shape_cast %swap3A_244 : vector<1x16xf32> to vector<16xf32>
        %swap3A_246 = vector.shape_cast %mul3A_241 : vector<16xf32> to vector<1x16xf32>
        tpu.vector_store %arg10[%swap3A_242, %swap3A_243], %swap3A_246 {strides = array<i32>} : memref<96x80xf32, #tpu.memory_space<vmem>>, vector<1x16xf32>,
        %get3A_247 = arith.index_cast %add3A_201 : i32 to index
        %get3A_248 = arith.constant 32 : index
        %get3A_249 = tpu.vector_load %arg10[%get3A_247, %get3A_248] {strides = array<i32>} : memref<96x80xf32, #tpu.memory_space<vmem>>, vector<1x16xf32>,
        %get3A_250 = vector.shape_cast %get3A_249 : vector<1x16xf32> to vector<16xf32>
        %mul3A_251 = arith.mulf %get3A_250, %gather3A_226 : vector<16xf32>
        %swap3A_252 = arith.index_cast %add3A_201 : i32 to index
        %swap3A_253 = arith.constant 32 : index
        %swap3A_254 = tpu.vector_load %arg10[%swap3A_252, %swap3A_253] {strides = array<i32>} : memref<96x80xf32, #tpu.memory_space<vmem>>, vector<1x16xf32>,
        %swap3A_255 = vector.shape_cast %swap3A_254 : vector<1x16xf32> to vector<16xf32>
        %swap3A_256 = vector.shape_cast %mul3A_251 : vector<16xf32> to vector<1x16xf32>
        tpu.vector_store %arg10[%swap3A_252, %swap3A_253], %swap3A_256 {strides = array<i32>} : memref<96x80xf32, #tpu.memory_space<vmem>>, vector<1x16xf32>,
        %get3A_257 = arith.index_cast %add3A_201 : i32 to index
        %get3A_258 = arith.constant 48 : index
        %get3A_259 = tpu.vector_load %arg10[%get3A_257, %get3A_258] {strides = array<i32>} : memref<96x80xf32, #tpu.memory_space<vmem>>, vector<1x16xf32>,
        %get3A_260 = vector.shape_cast %get3A_259 : vector<1x16xf32> to vector<16xf32>
        %mul3A_261 = arith.mulf %get3A_260, %gather3A_226 : vector<16xf32>
        %swap3A_262 = arith.index_cast %add3A_201 : i32 to index
        %swap3A_263 = arith.constant 48 : index
        %swap3A_264 = tpu.vector_load %arg10[%swap3A_262, %swap3A_263] {strides = array<i32>} : memref<96x80xf32, #tpu.memory_space<vmem>>, vector<1x16xf32>,
        %swap3A_265 = vector.shape_cast %swap3A_264 : vector<1x16xf32> to vector<16xf32>
        %swap3A_266 = vector.shape_cast %mul3A_261 : vector<16xf32> to vector<1x16xf32>
        tpu.vector_store %arg10[%swap3A_262, %swap3A_263], %swap3A_266 {strides = array<i32>} : memref<96x80xf32, #tpu.memory_space<vmem>>, vector<1x16xf32>,
        %scan3A_267 = arith.constant 0 : i32
        scf.yield %scan3A_267 : i32
      }
      %scan3A_88 = arith.constant 48 : i32
      %dma_start3A_89 = arith.constant 1 : i32
      %dma_start3A_90 = arith.constant 0 : i32
      %dma_start3A_91 = tpu.memref_slice %arg6[%dma_start3A_89, %dma_start3A_90] : memref<2x96xi32, #tpu.memory_space<vmem>> -> memref<1x96xi32, #tpu.memory_space<vmem>>
      %dma_start3A_92 = tpu.memref_squeeze %dma_start3A_91 : memref<1x96xi32, #tpu.memory_space<vmem>> -> memref<96xi32, #tpu.memory_space<vmem>>
      %dma_start3A_93 = arith.constant 0 : i32
      %dma_start3A_94 = arith.constant 0 : i32
      %dma_start3A_95 = tpu.memref_slice %arg12[%dma_start3A_93, %dma_start3A_94] : memref<10240x80xf32, #tpu.memory_space<vmem_shared>> -> memref<10240x80xf32, #tpu.memory_space<vmem_shared>>
      tpu.enqueue_indirect_dma source(%arg10 : memref<96x80xf32, #tpu.memory_space<vmem>>) target(%dma_start3A_95 : memref<10240x80xf32, #tpu.memory_space<vmem_shared>>) offsets(%dma_start3A_92 : memref<96xi32, #tpu.memory_space<vmem>>) semaphore(%arg15 : memref<!tpu.dma_semaphore, #tpu.memory_space<semaphore_mem>>) {add = true}
      %mul3A_96 = arith.constant 2 : i32
      %mul3A_97 = arith.muli %mul3A_96, %scan3A_61 : i32
      %add3A_98 = arith.constant 1 : i32
      %add3A_99 = arith.addi %mul3A_97, %add3A_98 : i32
      %lt3A_100 = arith.constant 107 : i32
      %lt3A_101 = arith.cmpi slt, %add3A_99, %lt3A_100 : i32
      %convert_element_type3A_102 = arith.extui %lt3A_101 : i1 to i32
      %cond3A_103 = arith.constant 0 : i32
      %cond3A_104 = arith.cmpi ne, %convert_element_type3A_102, %cond3A_103 : i32
      scf.if %cond3A_104 {
        %gt3A = arith.constant 0 : i32
        %gt3A_134 = arith.cmpi sgt, %add3A_99, %gt3A : i32
        %convert_element_type3A_135 = arith.extui %gt3A_134 : i1 to i32
        %cond3A_136 = arith.constant 0 : i32
        %cond3A_137 = arith.cmpi ne, %convert_element_type3A_135, %cond3A_136 : i32
        scf.if %cond3A_137 {
          %dma_wait3A_154 = arith.constant 1 : i32
          %dma_wait3A_155 = arith.constant 0 : i32
          %dma_wait3A_156 = tpu.memref_slice %arg6[%dma_wait3A_154, %dma_wait3A_155] : memref<2x96xi32, #tpu.memory_space<vmem>> -> memref<1x96xi32, #tpu.memory_space<vmem>>
          %dma_wait3A_157 = tpu.memref_squeeze %dma_wait3A_156 : memref<1x96xi32, #tpu.memory_space<vmem>> -> memref<96xi32, #tpu.memory_space<vmem>>
          %dma_wait3A_158 = arith.constant 0 : i32
          %dma_wait3A_159 = arith.constant 0 : i32
          %dma_wait3A_160 = tpu.memref_slice %arg12[%dma_wait3A_158, %dma_wait3A_159] : memref<10240x80xf32, #tpu.memory_space<vmem_shared>> -> memref<10240x80xf32, #tpu.memory_space<vmem_shared>>
          tpu.wait_indirect_dma semaphore(%arg15 : memref<!tpu.dma_semaphore, #tpu.memory_space<semaphore_mem>>) src(%arg10 : memref<96x80xf32, #tpu.memory_space<vmem>>) dst(%dma_wait3A_160 : memref<10240x80xf32, #tpu.memory_space<vmem_shared>>)
        } else {
        }
        %add3A_138 = arith.constant 1 : i32
        %add3A_139 = arith.addi %add3A_99, %add3A_138 : i32
        "tpu.region"() ({
          %run_scoped3A_154 = tpu.sem_alloc : memref<!tpu.dma_semaphore, #tpu.memory_space<semaphore_mem>>
          %dma_start3A_155 = arith.constant 0 : i32
          %dma_start3A_156 = arith.constant 0 : i32
          %dma_start3A_157 = tpu.memref_slice %arg4[%add3A, %add3A_139, %dma_start3A_155, %dma_start3A_156] : memref<32x108x2x96xi32, #tpu.memory_space<hbm>> -> memref<1x1x2x96xi32, #tpu.memory_space<hbm>>
          %dma_start3A_158 = tpu.memref_squeeze %dma_start3A_157 : memref<1x1x2x96xi32, #tpu.memory_space<hbm>> -> memref<2x96xi32, #tpu.memory_space<hbm>>
          %dma_start3A_159 = arith.constant 0 : i32
          %dma_start3A_160 = arith.constant 0 : i32
          %dma_start3A_161 = tpu.memref_slice %arg4[%add3A, %add3A_139, %dma_start3A_159, %dma_start3A_160] : memref<32x108x2x96xi32, #tpu.memory_space<hbm>> -> memref<1x1x2x96xi32, #tpu.memory_space<hbm>>
          %dma_start3A_162 = tpu.memref_squeeze %dma_start3A_161 : memref<1x1x2x96xi32, #tpu.memory_space<hbm>> -> memref<2x96xi32, #tpu.memory_space<hbm>>
          tpu.enqueue_dma source(%dma_start3A_162 : memref<2x96xi32, #tpu.memory_space<hbm>>) target(%arg6 : memref<2x96xi32, #tpu.memory_space<vmem>>) target_semaphore(%run_scoped3A_154 : memref<!tpu.dma_semaphore, #tpu.memory_space<semaphore_mem>>)
          %dma_wait3A_163 = arith.constant 0 : i32
          %dma_wait3A_164 = arith.constant 0 : i32
          %dma_wait3A_165 = tpu.memref_slice %arg4[%add3A, %add3A_139, %dma_wait3A_163, %dma_wait3A_164] : memref<32x108x2x96xi32, #tpu.memory_space<hbm>> -> memref<1x1x2x96xi32, #tpu.memory_space<hbm>>
          %dma_wait3A_166 = tpu.memref_squeeze %dma_wait3A_165 : memref<1x1x2x96xi32, #tpu.memory_space<hbm>> -> memref<2x96xi32, #tpu.memory_space<hbm>>
          %dma_wait3A_167 = arith.constant 0 : i32
          %dma_wait3A_168 = arith.constant 0 : i32
          %dma_wait3A_169 = tpu.memref_slice %arg4[%add3A, %add3A_139, %dma_wait3A_167, %dma_wait3A_168] : memref<32x108x2x96xi32, #tpu.memory_space<hbm>> -> memref<1x1x2x96xi32, #tpu.memory_space<hbm>>
          %dma_wait3A_170 = tpu.memref_squeeze %dma_wait3A_169 : memref<1x1x2x96xi32, #tpu.memory_space<hbm>> -> memref<2x96xi32, #tpu.memory_space<hbm>>
          tpu.wait_dma2 semaphore(%run_scoped3A_154 : memref<!tpu.dma_semaphore, #tpu.memory_space<semaphore_mem>>) src(%dma_wait3A_170 : memref<2x96xi32, #tpu.memory_space<hbm>>) dst(%arg6 : memref<2x96xi32, #tpu.memory_space<vmem>>)
          tpu.yield
        }) : () -> ()
        %dma_start3A_140 = arith.constant 0 : i32
        %dma_start3A_141 = arith.constant 0 : i32
        %dma_start3A_142 = tpu.memref_slice %arg6[%dma_start3A_140, %dma_start3A_141] : memref<2x96xi32, #tpu.memory_space<vmem>> -> memref<1x96xi32, #tpu.memory_space<vmem>>
        %dma_start3A_143 = tpu.memref_squeeze %dma_start3A_142 : memref<1x96xi32, #tpu.memory_space<vmem>> -> memref<96xi32, #tpu.memory_space<vmem>>
        %dma_start3A_144 = arith.constant 0 : i32
        %dma_start3A_145 = arith.constant 0 : i32
        %dma_start3A_146 = tpu.memref_slice %arg2[%dma_start3A_144, %dma_start3A_145] : memref<10240x80xf32, #tpu.memory_space<hbm>> -> memref<10240x80xf32, #tpu.memory_space<hbm>>
        tpu.enqueue_indirect_dma source(%dma_start3A_146 : memref<10240x80xf32, #tpu.memory_space<hbm>>) target(%arg10 : memref<96x80xf32, #tpu.memory_space<vmem>>) offsets(%dma_start3A_143 : memref<96xi32, #tpu.memory_space<vmem>>) semaphore(%arg13 : memref<!tpu.dma_semaphore, #tpu.memory_space<semaphore_mem>>)
        %dma_start3A_147 = arith.constant 1 : i32
        %dma_start3A_148 = arith.constant 0 : i32
        %dma_start3A_149 = tpu.memref_slice %arg6[%dma_start3A_147, %dma_start3A_148] : memref<2x96xi32, #tpu.memory_space<vmem>> -> memref<1x96xi32, #tpu.memory_space<vmem>>
        %dma_start3A_150 = tpu.memref_squeeze %dma_start3A_149 : memref<1x96xi32, #tpu.memory_space<vmem>> -> memref<96xi32, #tpu.memory_space<vmem>>
        %dma_start3A_151 = arith.constant 0 : i32
        %dma_start3A_152 = arith.constant 0 : i32
        %dma_start3A_153 = tpu.memref_slice %arg3[%dma_start3A_151, %dma_start3A_152] : memref<10240x16xf32, #tpu.memory_space<hbm>> -> memref<10240x16xf32, #tpu.memory_space<hbm>>
        tpu.enqueue_indirect_dma source(%dma_start3A_153 : memref<10240x16xf32, #tpu.memory_space<hbm>>) target(%arg8 : memref<96x16xf32, #tpu.memory_space<vmem>>) offsets(%dma_start3A_150 : memref<96xi32, #tpu.memory_space<vmem>>) semaphore(%arg13 : memref<!tpu.dma_semaphore, #tpu.memory_space<semaphore_mem>>)
      } else {
      }
      %dma_wait3A_105 = arith.constant 0 : i32
      %dma_wait3A_106 = arith.constant 0 : i32
      %dma_wait3A_107 = tpu.memref_slice %arg6[%dma_wait3A_105, %dma_wait3A_106] : memref<2x96xi32, #tpu.memory_space<vmem>> -> memref<1x96xi32, #tpu.memory_space<vmem>>
      %dma_wait3A_108 = tpu.memref_squeeze %dma_wait3A_107 : memref<1x96xi32, #tpu.memory_space<vmem>> -> memref<96xi32, #tpu.memory_space<vmem>>
      %dma_wait3A_109 = arith.constant 0 : i32
      %dma_wait3A_110 = arith.constant 0 : i32
      %dma_wait3A_111 = tpu.memref_slice %arg2[%dma_wait3A_109, %dma_wait3A_110] : memref<10240x80xf32, #tpu.memory_space<hbm>> -> memref<10240x80xf32, #tpu.memory_space<hbm>>
      tpu.wait_indirect_dma semaphore(%arg14 : memref<!tpu.dma_semaphore, #tpu.memory_space<semaphore_mem>>) src(%dma_wait3A_111 : memref<10240x80xf32, #tpu.memory_space<hbm>>) dst(%arg11 : memref<96x80xf32, #tpu.memory_space<vmem>>)
      %dma_wait3A_112 = arith.constant 1 : i32
      %dma_wait3A_113 = arith.constant 0 : i32
      %dma_wait3A_114 = tpu.memref_slice %arg6[%dma_wait3A_112, %dma_wait3A_113] : memref<2x96xi32, #tpu.memory_space<vmem>> -> memref<1x96xi32, #tpu.memory_space<vmem>>
      %dma_wait3A_115 = tpu.memref_squeeze %dma_wait3A_114 : memref<1x96xi32, #tpu.memory_space<vmem>> -> memref<96xi32, #tpu.memory_space<vmem>>
      %dma_wait3A_116 = arith.constant 0 : i32
      %dma_wait3A_117 = arith.constant 0 : i32
      %dma_wait3A_118 = tpu.memref_slice %arg3[%dma_wait3A_116, %dma_wait3A_117] : memref<10240x16xf32, #tpu.memory_space<hbm>> -> memref<10240x16xf32, #tpu.memory_space<hbm>>
      tpu.wait_indirect_dma semaphore(%arg14 : memref<!tpu.dma_semaphore, #tpu.memory_space<semaphore_mem>>) src(%dma_wait3A_118 : memref<10240x16xf32, #tpu.memory_space<hbm>>) dst(%arg9 : memref<96x16xf32, #tpu.memory_space<vmem>>)
      %scan3A_119 = arith.constant 0 : i32
      %scan3A_120 = arith.constant 0 : i32
      %scan3A_121 = arith.constant 48 : i32
      %scan3A_122 = arith.addi %scan3A_120, %scan3A_121 : i32
      %scan3A_123 = arith.constant 1 : i32
      %scan3A_124 = scf.for %scan3A_134 = %scan3A_120 to %scan3A_122 step %scan3A_123 iter_args(%scan3A_135 = %scan3A_119) -> (i32)  : i32 {
        %mul3A_136 = arith.constant 2 : i32
        %mul3A_137 = arith.muli %scan3A_134, %mul3A_136 : i32
        %add3A_138 = arith.constant 0 : i32
        %add3A_139 = arith.addi %mul3A_137, %add3A_138 : i32
        %get3A = arith.index_cast %add3A_139 : i32 to index
        %get3A_140 = arith.constant 64 : index
        %get3A_141 = tpu.vector_load %arg11[%get3A, %get3A_140] {strides = array<i32>} : memref<96x80xf32, #tpu.memory_space<vmem>>, vector<1x16xf32>,
        %get3A_142 = vector.shape_cast %get3A_141 : vector<1x16xf32> to vector<16xf32>
        %get3A_143 = arith.index_cast %add3A_139 : i32 to index
        %get3A_144 = arith.constant 0 : index
        %get3A_145 = tpu.vector_load %arg9[%get3A_143, %get3A_144] {strides = array<i32>} : memref<96x16xf32, #tpu.memory_space<vmem>>, vector<1x16xf32>,
        %get3A_146 = vector.shape_cast %get3A_145 : vector<1x16xf32> to vector<16xf32>
        %add3A_147 = arith.addf %get3A_142, %get3A_146 : vector<16xf32>
        %gt3A = arith.constant 0.000000e+00 : f32
        %gt3A_148 = vector.broadcast %gt3A : f32 to vector<16xf32>
        %gt3A_149 = arith.cmpf ogt, %add3A_147, %gt3A_148 : vector<16xf32>
        %mul3A_150 = arith.constant 2.000000e-01 : f32
        %mul3A_151 = vector.broadcast %mul3A_150 : f32 to vector<16xf32>
        %mul3A_152 = arith.mulf %mul3A_151, %add3A_147 : vector<16xf32>
        %select_n3A = arith.select %gt3A_149, %add3A_147, %mul3A_152 : vector<16xi1>, vector<16xf32>
        %exp3A = math.exp %select_n3A : vector<16xf32>
        %swap3A = arith.index_cast %add3A_139 : i32 to index
        %swap3A_153 = arith.constant 64 : index
        %swap3A_154 = tpu.vector_load %arg11[%swap3A, %swap3A_153] {strides = array<i32>} : memref<96x80xf32, #tpu.memory_space<vmem>>, vector<1x16xf32>,
        %swap3A_155 = vector.shape_cast %swap3A_154 : vector<1x16xf32> to vector<16xf32>
        %swap3A_156 = vector.shape_cast %exp3A : vector<16xf32> to vector<1x16xf32>
        tpu.vector_store %arg11[%swap3A, %swap3A_153], %swap3A_156 {strides = array<i32>} : memref<96x80xf32, #tpu.memory_space<vmem>>, vector<1x16xf32>,
        %broadcast_in_dim3A = vector.shape_cast %add3A_26 : vector<16xi32> to vector<16x1xi32>
        %gather3A = vector.shape_cast %broadcast_in_dim3A : vector<16x1xi32> to vector<16xi32>
        %gather3A_157 = tpu.dynamic_gather %exp3A[%gather3A] in [0] : vector<16xf32>, vector<16xi32> -> vector<16xf32>
        %get3A_158 = arith.index_cast %add3A_139 : i32 to index
        %get3A_159 = arith.constant 0 : index
        %get3A_160 = tpu.vector_load %arg11[%get3A_158, %get3A_159] {strides = array<i32>} : memref<96x80xf32, #tpu.memory_space<vmem>>, vector<1x16xf32>,
        %get3A_161 = vector.shape_cast %get3A_160 : vector<1x16xf32> to vector<16xf32>
        %mul3A_162 = arith.mulf %get3A_161, %gather3A_157 : vector<16xf32>
        %swap3A_163 = arith.index_cast %add3A_139 : i32 to index
        %swap3A_164 = arith.constant 0 : index
        %swap3A_165 = tpu.vector_load %arg11[%swap3A_163, %swap3A_164] {strides = array<i32>} : memref<96x80xf32, #tpu.memory_space<vmem>>, vector<1x16xf32>,
        %swap3A_166 = vector.shape_cast %swap3A_165 : vector<1x16xf32> to vector<16xf32>
        %swap3A_167 = vector.shape_cast %mul3A_162 : vector<16xf32> to vector<1x16xf32>
        tpu.vector_store %arg11[%swap3A_163, %swap3A_164], %swap3A_167 {strides = array<i32>} : memref<96x80xf32, #tpu.memory_space<vmem>>, vector<1x16xf32>,
        %get3A_168 = arith.index_cast %add3A_139 : i32 to index
        %get3A_169 = arith.constant 16 : index
        %get3A_170 = tpu.vector_load %arg11[%get3A_168, %get3A_169] {strides = array<i32>} : memref<96x80xf32, #tpu.memory_space<vmem>>, vector<1x16xf32>,
        %get3A_171 = vector.shape_cast %get3A_170 : vector<1x16xf32> to vector<16xf32>
        %mul3A_172 = arith.mulf %get3A_171, %gather3A_157 : vector<16xf32>
        %swap3A_173 = arith.index_cast %add3A_139 : i32 to index
        %swap3A_174 = arith.constant 16 : index
        %swap3A_175 = tpu.vector_load %arg11[%swap3A_173, %swap3A_174] {strides = array<i32>} : memref<96x80xf32, #tpu.memory_space<vmem>>, vector<1x16xf32>,
        %swap3A_176 = vector.shape_cast %swap3A_175 : vector<1x16xf32> to vector<16xf32>
        %swap3A_177 = vector.shape_cast %mul3A_172 : vector<16xf32> to vector<1x16xf32>
        tpu.vector_store %arg11[%swap3A_173, %swap3A_174], %swap3A_177 {strides = array<i32>} : memref<96x80xf32, #tpu.memory_space<vmem>>, vector<1x16xf32>,
        %get3A_178 = arith.index_cast %add3A_139 : i32 to index
        %get3A_179 = arith.constant 32 : index
        %get3A_180 = tpu.vector_load %arg11[%get3A_178, %get3A_179] {strides = array<i32>} : memref<96x80xf32, #tpu.memory_space<vmem>>, vector<1x16xf32>,
        %get3A_181 = vector.shape_cast %get3A_180 : vector<1x16xf32> to vector<16xf32>
        %mul3A_182 = arith.mulf %get3A_181, %gather3A_157 : vector<16xf32>
        %swap3A_183 = arith.index_cast %add3A_139 : i32 to index
        %swap3A_184 = arith.constant 32 : index
        %swap3A_185 = tpu.vector_load %arg11[%swap3A_183, %swap3A_184] {strides = array<i32>} : memref<96x80xf32, #tpu.memory_space<vmem>>, vector<1x16xf32>,
        %swap3A_186 = vector.shape_cast %swap3A_185 : vector<1x16xf32> to vector<16xf32>
        %swap3A_187 = vector.shape_cast %mul3A_182 : vector<16xf32> to vector<1x16xf32>
        tpu.vector_store %arg11[%swap3A_183, %swap3A_184], %swap3A_187 {strides = array<i32>} : memref<96x80xf32, #tpu.memory_space<vmem>>, vector<1x16xf32>,
        %get3A_188 = arith.index_cast %add3A_139 : i32 to index
        %get3A_189 = arith.constant 48 : index
        %get3A_190 = tpu.vector_load %arg11[%get3A_188, %get3A_189] {strides = array<i32>} : memref<96x80xf32, #tpu.memory_space<vmem>>, vector<1x16xf32>,
        %get3A_191 = vector.shape_cast %get3A_190 : vector<1x16xf32> to vector<16xf32>
        %mul3A_192 = arith.mulf %get3A_191, %gather3A_157 : vector<16xf32>
        %swap3A_193 = arith.index_cast %add3A_139 : i32 to index
        %swap3A_194 = arith.constant 48 : index
        %swap3A_195 = tpu.vector_load %arg11[%swap3A_193, %swap3A_194] {strides = array<i32>} : memref<96x80xf32, #tpu.memory_space<vmem>>, vector<1x16xf32>,
        %swap3A_196 = vector.shape_cast %swap3A_195 : vector<1x16xf32> to vector<16xf32>
        %swap3A_197 = vector.shape_cast %mul3A_192 : vector<16xf32> to vector<1x16xf32>
        tpu.vector_store %arg11[%swap3A_193, %swap3A_194], %swap3A_197 {strides = array<i32>} : memref<96x80xf32, #tpu.memory_space<vmem>>, vector<1x16xf32>,
        %mul3A_198 = arith.constant 2 : i32
        %mul3A_199 = arith.muli %scan3A_134, %mul3A_198 : i32
        %add3A_200 = arith.constant 1 : i32
        %add3A_201 = arith.addi %mul3A_199, %add3A_200 : i32
        %get3A_202 = arith.index_cast %add3A_201 : i32 to index
        %get3A_203 = arith.constant 64 : index
        %get3A_204 = tpu.vector_load %arg11[%get3A_202, %get3A_203] {strides = array<i32>} : memref<96x80xf32, #tpu.memory_space<vmem>>, vector<1x16xf32>,
        %get3A_205 = vector.shape_cast %get3A_204 : vector<1x16xf32> to vector<16xf32>
        %get3A_206 = arith.index_cast %add3A_201 : i32 to index
        %get3A_207 = arith.constant 0 : index
        %get3A_208 = tpu.vector_load %arg9[%get3A_206, %get3A_207] {strides = array<i32>} : memref<96x16xf32, #tpu.memory_space<vmem>>, vector<1x16xf32>,
        %get3A_209 = vector.shape_cast %get3A_208 : vector<1x16xf32> to vector<16xf32>
        %add3A_210 = arith.addf %get3A_205, %get3A_209 : vector<16xf32>
        %gt3A_211 = arith.constant 0.000000e+00 : f32
        %gt3A_212 = vector.broadcast %gt3A_211 : f32 to vector<16xf32>
        %gt3A_213 = arith.cmpf ogt, %add3A_210, %gt3A_212 : vector<16xf32>
        %mul3A_214 = arith.constant 2.000000e-01 : f32
        %mul3A_215 = vector.broadcast %mul3A_214 : f32 to vector<16xf32>
        %mul3A_216 = arith.mulf %mul3A_215, %add3A_210 : vector<16xf32>
        %select_n3A_217 = arith.select %gt3A_213, %add3A_210, %mul3A_216 : vector<16xi1>, vector<16xf32>
        %exp3A_218 = math.exp %select_n3A_217 : vector<16xf32>
        %swap3A_219 = arith.index_cast %add3A_201 : i32 to index
        %swap3A_220 = arith.constant 64 : index
        %swap3A_221 = tpu.vector_load %arg11[%swap3A_219, %swap3A_220] {strides = array<i32>} : memref<96x80xf32, #tpu.memory_space<vmem>>, vector<1x16xf32>,
        %swap3A_222 = vector.shape_cast %swap3A_221 : vector<1x16xf32> to vector<16xf32>
        %swap3A_223 = vector.shape_cast %exp3A_218 : vector<16xf32> to vector<1x16xf32>
        tpu.vector_store %arg11[%swap3A_219, %swap3A_220], %swap3A_223 {strides = array<i32>} : memref<96x80xf32, #tpu.memory_space<vmem>>, vector<1x16xf32>,
        %broadcast_in_dim3A_224 = vector.shape_cast %add3A_26 : vector<16xi32> to vector<16x1xi32>
        %gather3A_225 = vector.shape_cast %broadcast_in_dim3A_224 : vector<16x1xi32> to vector<16xi32>
        %gather3A_226 = tpu.dynamic_gather %exp3A_218[%gather3A_225] in [0] : vector<16xf32>, vector<16xi32> -> vector<16xf32>
        %get3A_227 = arith.index_cast %add3A_201 : i32 to index
        %get3A_228 = arith.constant 0 : index
        %get3A_229 = tpu.vector_load %arg11[%get3A_227, %get3A_228] {strides = array<i32>} : memref<96x80xf32, #tpu.memory_space<vmem>>, vector<1x16xf32>,
        %get3A_230 = vector.shape_cast %get3A_229 : vector<1x16xf32> to vector<16xf32>
        %mul3A_231 = arith.mulf %get3A_230, %gather3A_226 : vector<16xf32>
        %swap3A_232 = arith.index_cast %add3A_201 : i32 to index
        %swap3A_233 = arith.constant 0 : index
        %swap3A_234 = tpu.vector_load %arg11[%swap3A_232, %swap3A_233] {strides = array<i32>} : memref<96x80xf32, #tpu.memory_space<vmem>>, vector<1x16xf32>,
        %swap3A_235 = vector.shape_cast %swap3A_234 : vector<1x16xf32> to vector<16xf32>
        %swap3A_236 = vector.shape_cast %mul3A_231 : vector<16xf32> to vector<1x16xf32>
        tpu.vector_store %arg11[%swap3A_232, %swap3A_233], %swap3A_236 {strides = array<i32>} : memref<96x80xf32, #tpu.memory_space<vmem>>, vector<1x16xf32>,
        %get3A_237 = arith.index_cast %add3A_201 : i32 to index
        %get3A_238 = arith.constant 16 : index
        %get3A_239 = tpu.vector_load %arg11[%get3A_237, %get3A_238] {strides = array<i32>} : memref<96x80xf32, #tpu.memory_space<vmem>>, vector<1x16xf32>,
        %get3A_240 = vector.shape_cast %get3A_239 : vector<1x16xf32> to vector<16xf32>
        %mul3A_241 = arith.mulf %get3A_240, %gather3A_226 : vector<16xf32>
        %swap3A_242 = arith.index_cast %add3A_201 : i32 to index
        %swap3A_243 = arith.constant 16 : index
        %swap3A_244 = tpu.vector_load %arg11[%swap3A_242, %swap3A_243] {strides = array<i32>} : memref<96x80xf32, #tpu.memory_space<vmem>>, vector<1x16xf32>,
        %swap3A_245 = vector.shape_cast %swap3A_244 : vector<1x16xf32> to vector<16xf32>
        %swap3A_246 = vector.shape_cast %mul3A_241 : vector<16xf32> to vector<1x16xf32>
        tpu.vector_store %arg11[%swap3A_242, %swap3A_243], %swap3A_246 {strides = array<i32>} : memref<96x80xf32, #tpu.memory_space<vmem>>, vector<1x16xf32>,
        %get3A_247 = arith.index_cast %add3A_201 : i32 to index
        %get3A_248 = arith.constant 32 : index
        %get3A_249 = tpu.vector_load %arg11[%get3A_247, %get3A_248] {strides = array<i32>} : memref<96x80xf32, #tpu.memory_space<vmem>>, vector<1x16xf32>,
        %get3A_250 = vector.shape_cast %get3A_249 : vector<1x16xf32> to vector<16xf32>
        %mul3A_251 = arith.mulf %get3A_250, %gather3A_226 : vector<16xf32>
        %swap3A_252 = arith.index_cast %add3A_201 : i32 to index
        %swap3A_253 = arith.constant 32 : index
        %swap3A_254 = tpu.vector_load %arg11[%swap3A_252, %swap3A_253] {strides = array<i32>} : memref<96x80xf32, #tpu.memory_space<vmem>>, vector<1x16xf32>,
        %swap3A_255 = vector.shape_cast %swap3A_254 : vector<1x16xf32> to vector<16xf32>
        %swap3A_256 = vector.shape_cast %mul3A_251 : vector<16xf32> to vector<1x16xf32>
        tpu.vector_store %arg11[%swap3A_252, %swap3A_253], %swap3A_256 {strides = array<i32>} : memref<96x80xf32, #tpu.memory_space<vmem>>, vector<1x16xf32>,
        %get3A_257 = arith.index_cast %add3A_201 : i32 to index
        %get3A_258 = arith.constant 48 : index
        %get3A_259 = tpu.vector_load %arg11[%get3A_257, %get3A_258] {strides = array<i32>} : memref<96x80xf32, #tpu.memory_space<vmem>>, vector<1x16xf32>,
        %get3A_260 = vector.shape_cast %get3A_259 : vector<1x16xf32> to vector<16xf32>
        %mul3A_261 = arith.mulf %get3A_260, %gather3A_226 : vector<16xf32>
        %swap3A_262 = arith.index_cast %add3A_201 : i32 to index
        %swap3A_263 = arith.constant 48 : index
        %swap3A_264 = tpu.vector_load %arg11[%swap3A_262, %swap3A_263] {strides = array<i32>} : memref<96x80xf32, #tpu.memory_space<vmem>>, vector<1x16xf32>,
        %swap3A_265 = vector.shape_cast %swap3A_264 : vector<1x16xf32> to vector<16xf32>
        %swap3A_266 = vector.shape_cast %mul3A_261 : vector<16xf32> to vector<1x16xf32>
        tpu.vector_store %arg11[%swap3A_262, %swap3A_263], %swap3A_266 {strides = array<i32>} : memref<96x80xf32, #tpu.memory_space<vmem>>, vector<1x16xf32>,
        %scan3A_267 = arith.constant 0 : i32
        scf.yield %scan3A_267 : i32
      }
      %scan3A_125 = arith.constant 48 : i32
      %dma_start3A_126 = arith.constant 1 : i32
      %dma_start3A_127 = arith.constant 0 : i32
      %dma_start3A_128 = tpu.memref_slice %arg7[%dma_start3A_126, %dma_start3A_127] : memref<2x96xi32, #tpu.memory_space<vmem>> -> memref<1x96xi32, #tpu.memory_space<vmem>>
      %dma_start3A_129 = tpu.memref_squeeze %dma_start3A_128 : memref<1x96xi32, #tpu.memory_space<vmem>> -> memref<96xi32, #tpu.memory_space<vmem>>
      %dma_start3A_130 = arith.constant 0 : i32
      %dma_start3A_131 = arith.constant 0 : i32
      %dma_start3A_132 = tpu.memref_slice %arg12[%dma_start3A_130, %dma_start3A_131] : memref<10240x80xf32, #tpu.memory_space<vmem_shared>> -> memref<10240x80xf32, #tpu.memory_space<vmem_shared>>
      tpu.enqueue_indirect_dma source(%arg11 : memref<96x80xf32, #tpu.memory_space<vmem>>) target(%dma_start3A_132 : memref<10240x80xf32, #tpu.memory_space<vmem_shared>>) offsets(%dma_start3A_129 : memref<96xi32, #tpu.memory_space<vmem>>) semaphore(%arg16 : memref<!tpu.dma_semaphore, #tpu.memory_space<semaphore_mem>>) {add = true}
      %scan3A_133 = arith.constant 0 : i32
      scf.yield %scan3A_133 : i32
    }
    %scan3A_46 = arith.constant 54 : i32
    %dma_wait3A = arith.constant 1 : i32
    %dma_wait3A_47 = arith.constant 0 : i32
    %dma_wait3A_48 = tpu.memref_slice %arg6[%dma_wait3A, %dma_wait3A_47] : memref<2x96xi32, #tpu.memory_space<vmem>> -> memref<1x96xi32, #tpu.memory_space<vmem>>
    %dma_wait3A_49 = tpu.memref_squeeze %dma_wait3A_48 : memref<1x96xi32, #tpu.memory_space<vmem>> -> memref<96xi32, #tpu.memory_space<vmem>>
    %dma_wait3A_50 = arith.constant 0 : i32
    %dma_wait3A_51 = arith.constant 0 : i32
    %dma_wait3A_52 = tpu.memref_slice %arg12[%dma_wait3A_50, %dma_wait3A_51] : memref<10240x80xf32, #tpu.memory_space<vmem_shared>> -> memref<10240x80xf32, #tpu.memory_space<vmem_shared>>
    tpu.wait_indirect_dma semaphore(%arg15 : memref<!tpu.dma_semaphore, #tpu.memory_space<semaphore_mem>>) src(%arg10 : memref<96x80xf32, #tpu.memory_space<vmem>>) dst(%dma_wait3A_52 : memref<10240x80xf32, #tpu.memory_space<vmem_shared>>)
    %dma_wait3A_53 = arith.constant 1 : i32
    %dma_wait3A_54 = arith.constant 0 : i32
    %dma_wait3A_55 = tpu.memref_slice %arg6[%dma_wait3A_53, %dma_wait3A_54] : memref<2x96xi32, #tpu.memory_space<vmem>> -> memref<1x96xi32, #tpu.memory_space<vmem>>
    %dma_wait3A_56 = tpu.memref_squeeze %dma_wait3A_55 : memref<1x96xi32, #tpu.memory_space<vmem>> -> memref<96xi32, #tpu.memory_space<vmem>>
    %dma_wait3A_57 = arith.constant 0 : i32
    %dma_wait3A_58 = arith.constant 0 : i32
    %dma_wait3A_59 = tpu.memref_slice %arg12[%dma_wait3A_57, %dma_wait3A_58] : memref<10240x80xf32, #tpu.memory_space<vmem_shared>> -> memref<10240x80xf32, #tpu.memory_space<vmem_shared>>
    tpu.wait_indirect_dma semaphore(%arg16 : memref<!tpu.dma_semaphore, #tpu.memory_space<semaphore_mem>>) src(%arg11 : memref<96x80xf32, #tpu.memory_space<vmem>>) dst(%dma_wait3A_59 : memref<10240x80xf32, #tpu.memory_space<vmem_shared>>)
    %barrier3A_60 = arith.constant 0 : index
    tpu.barrier barrier_id(%barrier3A_60)
    "tpu.region"() ({
      %run_scoped3A_61 = tpu.sem_alloc : memref<!tpu.dma_semaphore, #tpu.memory_space<semaphore_mem>>
      %dma_start3A_62 = arith.constant 0 : i32
      %dma_start3A_63 = tpu.memref_slice %arg5[%arg0, %mul3A_5, %dma_start3A_62] : memref<2x10240x80xf32, #tpu.memory_space<hbm>> -> memref<1x640x80xf32, #tpu.memory_space<hbm>>
      %dma_start3A_64 = tpu.memref_squeeze %dma_start3A_63 : memref<1x640x80xf32, #tpu.memory_space<hbm>> -> memref<640x80xf32, #tpu.memory_space<hbm>>
      %dma_start3A_65 = arith.constant 0 : i32
      %dma_start3A_66 = tpu.memref_slice %arg12[%mul3A_5, %dma_start3A_65] : memref<10240x80xf32, #tpu.memory_space<vmem_shared>> -> memref<640x80xf32, #tpu.memory_space<vmem_shared>>
      tpu.enqueue_dma source(%dma_start3A_66 : memref<640x80xf32, #tpu.memory_space<vmem_shared>>) target(%dma_start3A_64 : memref<640x80xf32, #tpu.memory_space<hbm>>) target_semaphore(%run_scoped3A_61 : memref<!tpu.dma_semaphore, #tpu.memory_space<semaphore_mem>>)
      %dma_wait3A_67 = arith.constant 0 : i32
      %dma_wait3A_68 = tpu.memref_slice %arg5[%arg0, %mul3A_5, %dma_wait3A_67] : memref<2x10240x80xf32, #tpu.memory_space<hbm>> -> memref<1x640x80xf32, #tpu.memory_space<hbm>>
      %dma_wait3A_69 = tpu.memref_squeeze %dma_wait3A_68 : memref<1x640x80xf32, #tpu.memory_space<hbm>> -> memref<640x80xf32, #tpu.memory_space<hbm>>
      %dma_wait3A_70 = arith.constant 0 : i32
      %dma_wait3A_71 = tpu.memref_slice %arg12[%mul3A_5, %dma_wait3A_70] : memref<10240x80xf32, #tpu.memory_space<vmem_shared>> -> memref<640x80xf32, #tpu.memory_space<vmem_shared>>
      tpu.wait_dma2 semaphore(%run_scoped3A_61 : memref<!tpu.dma_semaphore, #tpu.memory_space<semaphore_mem>>) src(%dma_wait3A_71 : memref<640x80xf32, #tpu.memory_space<vmem_shared>>) dst(%dma_wait3A_69 : memref<640x80xf32, #tpu.memory_space<hbm>>)
      tpu.yield
    }) : () -> ()
    return
  }
}

module attributes {stable_mosaic.version = 14 : i64} {
  func.func @_tc1_body(%arg0: i32, %arg1: memref<512x128xf32, #tpu.memory_space<vmem>>, %arg2: memref<128x128xf32, #tpu.memory_space<vmem>>, %arg3: memref<128x16xf32, #tpu.memory_space<vmem>>, %arg4: memref<128x16xf32, #tpu.memory_space<vmem>>, %arg5: memref<512x144xf32, #tpu.memory_space<vmem>>, %arg6: memref<512x16xf32, #tpu.memory_space<vmem>>) attributes {dimension_semantics = [#tpu.dimension_semantics<arbitrary>], iteration_bounds = array<i64: 20>, scalar_prefetch = 0 : i64, scratch_operands = 0 : i64, tpu.core_type = #tpu.core_type<tc>, window_params = [{transform_indices = @transform_0, window_bounds = array<i64: 512, 128>}, {pipeline_mode = #tpu.pipeline_mode<synchronous>, transform_indices = @transform_1, window_bounds = array<i64: 128, 128>}, {pipeline_mode = #tpu.pipeline_mode<synchronous>, transform_indices = @transform_2, window_bounds = array<i64: 128, 16>}, {pipeline_mode = #tpu.pipeline_mode<synchronous>, transform_indices = @transform_3, window_bounds = array<i64: 128, 16>}, {transform_indices = @transform_4, window_bounds = array<i64: 512, 144>}, {transform_indices = @transform_5, window_bounds = array<i64: 512, 16>}]} {
    %get3A = arith.constant 0 : index
    %get3A_0 = arith.constant 0 : index
    %get3A_1 = vector.load %arg1[%get3A, %get3A_0] : memref<512x128xf32, #tpu.memory_space<vmem>>, vector<512x128xf32>
    %get3A_2 = arith.constant 0 : index
    %get3A_3 = arith.constant 0 : index
    %get3A_4 = vector.load %arg2[%get3A_2, %get3A_3] : memref<128x128xf32, #tpu.memory_space<vmem>>, vector<128x128xf32>
    %dot_general3A = arith.constant dense<0.000000e+00> : vector<512x128xf32>
    %dot_general3A_5 = tpu.matmul %get3A_1, %get3A_4, %dot_general3A {dimension_numbers = #tpu.dot_dimension_numbers<[1], [0], [0], [1], [0, 0, 1, 1], [], []>, transpose_lhs_hint = false} : vector<512x128xf32>, vector<128x128xf32>, vector<512x128xf32> -> vector<512x128xf32>
    %get3A_6 = arith.constant 0 : index
    %get3A_7 = arith.constant 0 : index
    %get3A_8 = vector.load %arg3[%get3A_6, %get3A_7] : memref<128x16xf32, #tpu.memory_space<vmem>>, vector<128x16xf32>
    %dot_general3A_9 = arith.constant dense<0.000000e+00> : vector<512x16xf32>
    %dot_general3A_10 = tpu.matmul %dot_general3A_5, %get3A_8, %dot_general3A_9 {dimension_numbers = #tpu.dot_dimension_numbers<[1], [0], [0], [1], [0, 0, 1, 1], [], []>, transpose_lhs_hint = false} : vector<512x128xf32>, vector<128x16xf32>, vector<512x16xf32> -> vector<512x16xf32>
    %get3A_11 = arith.constant 0 : index
    %get3A_12 = arith.constant 0 : index
    %get3A_13 = vector.load %arg4[%get3A_11, %get3A_12] : memref<128x16xf32, #tpu.memory_space<vmem>>, vector<128x16xf32>
    %dot_general3A_14 = arith.constant dense<0.000000e+00> : vector<512x16xf32>
    %dot_general3A_15 = tpu.matmul %dot_general3A_5, %get3A_13, %dot_general3A_14 {dimension_numbers = #tpu.dot_dimension_numbers<[1], [0], [0], [1], [0, 0, 1, 1], [], []>, transpose_lhs_hint = false} : vector<512x128xf32>, vector<128x16xf32>, vector<512x16xf32> -> vector<512x16xf32>
    %concatenate3A = tpu.concatenate %dot_general3A_5, %dot_general3A_10 in 1 : vector<512x128xf32>, vector<512x16xf32> -> vector<512x144xf32>
    %swap3A = arith.constant 0 : index
    %swap3A_16 = arith.constant 0 : index
    %swap3A_17 = vector.load %arg5[%swap3A, %swap3A_16] : memref<512x144xf32, #tpu.memory_space<vmem>>, vector<512x144xf32>
    tpu.vector_store %arg5[%swap3A, %swap3A_16], %concatenate3A {strides = array<i32>} : memref<512x144xf32, #tpu.memory_space<vmem>>, vector<512x144xf32>,
    %swap3A_18 = arith.constant 0 : index
    %swap3A_19 = arith.constant 0 : index
    %swap3A_20 = vector.load %arg6[%swap3A_18, %swap3A_19] : memref<512x16xf32, #tpu.memory_space<vmem>>, vector<512x16xf32>
    tpu.vector_store %arg6[%swap3A_18, %swap3A_19], %dot_general3A_15 {strides = array<i32>} : memref<512x16xf32, #tpu.memory_space<vmem>>, vector<512x16xf32>,
    return
  }
  func.func @transform_0(%arg0: i32) -> (i32, i32) {
    %c0_i32 = arith.constant 0 : i32
    %c0_i32_0 = arith.constant 0 : i32
    return %arg0, %c0_i32 : i32, i32
  }
  func.func @transform_1(%arg0: i32) -> (i32, i32) {
    %c0_i32 = arith.constant 0 : i32
    %c0_i32_0 = arith.constant 0 : i32
    %c0_i32_1 = arith.constant 0 : i32
    return %c0_i32, %c0_i32_0 : i32, i32
  }
  func.func @transform_2(%arg0: i32) -> (i32, i32) {
    %c0_i32 = arith.constant 0 : i32
    %c0_i32_0 = arith.constant 0 : i32
    %c0_i32_1 = arith.constant 0 : i32
    return %c0_i32, %c0_i32_0 : i32, i32
  }
  func.func @transform_3(%arg0: i32) -> (i32, i32) {
    %c0_i32 = arith.constant 0 : i32
    %c0_i32_0 = arith.constant 0 : i32
    %c0_i32_1 = arith.constant 0 : i32
    return %c0_i32, %c0_i32_0 : i32, i32
  }
  func.func @transform_4(%arg0: i32) -> (i32, i32) {
    %c0_i32 = arith.constant 0 : i32
    %c0_i32_0 = arith.constant 0 : i32
    return %arg0, %c0_i32 : i32, i32
  }
  func.func @transform_5(%arg0: i32) -> (i32, i32) {
    %c0_i32 = arith.constant 0 : i32
    %c0_i32_0 = arith.constant 0 : i32
    return %arg0, %c0_i32 : i32, i32
  }
}

module attributes {stable_mosaic.version = 14 : i64} {
  func.func @_tc2_body(%arg0: i32, %arg1: memref<2x512x144xf32, #tpu.memory_space<vmem>>, %arg2: memref<4x128xf32, #tpu.memory_space<vmem>>, %arg3: memref<1x128xf32, #tpu.memory_space<vmem>>, %arg4: memref<128x64xf32, #tpu.memory_space<vmem>>, %arg5: memref<64x16xf32, #tpu.memory_space<vmem>>, %arg6: memref<64x16xf32, #tpu.memory_space<vmem>>, %arg7: memref<512x80xf32, #tpu.memory_space<vmem>>, %arg8: memref<512x16xf32, #tpu.memory_space<vmem>>) attributes {dimension_semantics = [#tpu.dimension_semantics<arbitrary>], iteration_bounds = array<i64: 20>, scalar_prefetch = 0 : i64, scratch_operands = 0 : i64, tpu.core_type = #tpu.core_type<tc>, window_params = [{transform_indices = @transform_0, window_bounds = array<i64: 2, 512, 144>}, {pipeline_mode = #tpu.pipeline_mode<synchronous>, transform_indices = @transform_1, window_bounds = array<i64: 4, 128>}, {pipeline_mode = #tpu.pipeline_mode<synchronous>, transform_indices = @transform_2, window_bounds = array<i64: 1, 128>}, {pipeline_mode = #tpu.pipeline_mode<synchronous>, transform_indices = @transform_3, window_bounds = array<i64: 128, 64>}, {pipeline_mode = #tpu.pipeline_mode<synchronous>, transform_indices = @transform_4, window_bounds = array<i64: 64, 16>}, {pipeline_mode = #tpu.pipeline_mode<synchronous>, transform_indices = @transform_5, window_bounds = array<i64: 64, 16>}, {transform_indices = @transform_6, window_bounds = array<i64: 512, 80>}, {transform_indices = @transform_7, window_bounds = array<i64: 512, 16>}]} {
    %get3A = arith.constant 0 : index
    %get3A_0 = arith.constant 0 : index
    %get3A_1 = arith.constant 0 : index
    %get3A_2 = vector.load %arg1[%get3A, %get3A_0, %get3A_1] : memref<2x512x144xf32, #tpu.memory_space<vmem>>, vector<1x512x144xf32>
    %get3A_3 = vector.shape_cast %get3A_2 : vector<1x512x144xf32> to vector<512x144xf32>
    %get3A_4 = arith.constant 1 : index
    %get3A_5 = arith.constant 0 : index
    %get3A_6 = arith.constant 0 : index
    %get3A_7 = vector.load %arg1[%get3A_4, %get3A_5, %get3A_6] : memref<2x512x144xf32, #tpu.memory_space<vmem>>, vector<1x512x144xf32>
    %get3A_8 = vector.shape_cast %get3A_7 : vector<1x512x144xf32> to vector<512x144xf32>
    %add3A = arith.addf %get3A_3, %get3A_8 : vector<512x144xf32>
    %slice3A = vector.extract_strided_slice %add3A {offsets = [0, 0], sizes = [512, 128], strides = [1, 1]} : vector<512x144xf32> to vector<512x128xf32>
    %slice3A_9 = vector.extract_strided_slice %add3A {offsets = [0, 128], sizes = [512, 4], strides = [1, 1]} : vector<512x144xf32> to vector<512x4xf32>
    %get3A_10 = arith.constant 0 : index
    %get3A_11 = arith.constant 0 : index
    %get3A_12 = vector.load %arg2[%get3A_10, %get3A_11] : memref<4x128xf32, #tpu.memory_space<vmem>>, vector<4x128xf32>
    %dot_general3A = arith.constant dense<0.000000e+00> : vector<512x128xf32>
    %dot_general3A_13 = tpu.matmul %slice3A_9, %get3A_12, %dot_general3A {dimension_numbers = #tpu.dot_dimension_numbers<[1], [0], [0], [1], [0, 0, 1, 1], [], []>, transpose_lhs_hint = false} : vector<512x4xf32>, vector<4x128xf32>, vector<512x128xf32> -> vector<512x128xf32>
    %add3A_14 = arith.constant 1.000000e-16 : f32
    %add3A_15 = vector.broadcast %add3A_14 : f32 to vector<512x128xf32>
    %add3A_16 = arith.addf %dot_general3A_13, %add3A_15 : vector<512x128xf32>
    %div3A = arith.divf %slice3A, %add3A_16 : vector<512x128xf32>
    %get3A_17 = arith.constant 0 : index
    %get3A_18 = arith.constant 0 : index
    %get3A_19 = vector.load %arg3[%get3A_17, %get3A_18] : memref<1x128xf32, #tpu.memory_space<vmem>>, vector<1x128xf32>
    %add3A_20 = vector.broadcast %get3A_19 : vector<1x128xf32> to vector<512x128xf32>
    %add3A_21 = arith.addf %div3A, %add3A_20 : vector<512x128xf32>
    %mul3A = arith.constant 5.000000e-01 : f32
    %mul3A_22 = vector.broadcast %mul3A : f32 to vector<512x128xf32>
    %mul3A_23 = arith.mulf %mul3A_22, %add3A_21 : vector<512x128xf32>
    %mul3A_24 = arith.constant 5.000000e-01 : f32
    %mul3A_25 = vector.broadcast %mul3A_24 : f32 to vector<512x128xf32>
    %mul3A_26 = arith.mulf %mul3A_25, %add3A_21 : vector<512x128xf32>
    %logistic3A = arith.negf %add3A_21 : vector<512x128xf32>
    %logistic3A_27 = math.exp %logistic3A : vector<512x128xf32>
    %logistic3A_28 = arith.constant 1.000000e+00 : f32
    %logistic3A_29 = vector.broadcast %logistic3A_28 : f32 to vector<512x128xf32>
    %logistic3A_30 = arith.addf %logistic3A_29, %logistic3A_27 : vector<512x128xf32>
    %logistic3A_31 = arith.divf %logistic3A_29, %logistic3A_30 : vector<512x128xf32>
    %mul3A_32 = arith.mulf %mul3A_26, %logistic3A_31 : vector<512x128xf32>
    %add3A_33 = arith.addf %mul3A_23, %mul3A_32 : vector<512x128xf32>
    %get3A_34 = arith.constant 0 : index
    %get3A_35 = arith.constant 0 : index
    %get3A_36 = vector.load %arg4[%get3A_34, %get3A_35] : memref<128x64xf32, #tpu.memory_space<vmem>>, vector<128x64xf32>
    %dot_general3A_37 = arith.constant dense<0.000000e+00> : vector<512x64xf32>
    %dot_general3A_38 = tpu.matmul %add3A_33, %get3A_36, %dot_general3A_37 {dimension_numbers = #tpu.dot_dimension_numbers<[1], [0], [0], [1], [0, 0, 1, 1], [], []>, transpose_lhs_hint = false} : vector<512x128xf32>, vector<128x64xf32>, vector<512x64xf32> -> vector<512x64xf32>
    %get3A_39 = arith.constant 0 : index
    %get3A_40 = arith.constant 0 : index
    %get3A_41 = vector.load %arg5[%get3A_39, %get3A_40] : memref<64x16xf32, #tpu.memory_space<vmem>>, vector<64x16xf32>
    %dot_general3A_42 = arith.constant dense<0.000000e+00> : vector<512x16xf32>
    %dot_general3A_43 = tpu.matmul %dot_general3A_38, %get3A_41, %dot_general3A_42 {dimension_numbers = #tpu.dot_dimension_numbers<[1], [0], [0], [1], [0, 0, 1, 1], [], []>, transpose_lhs_hint = false} : vector<512x64xf32>, vector<64x16xf32>, vector<512x16xf32> -> vector<512x16xf32>
    %get3A_44 = arith.constant 0 : index
    %get3A_45 = arith.constant 0 : index
    %get3A_46 = vector.load %arg6[%get3A_44, %get3A_45] : memref<64x16xf32, #tpu.memory_space<vmem>>, vector<64x16xf32>
    %dot_general3A_47 = arith.constant dense<0.000000e+00> : vector<512x16xf32>
    %dot_general3A_48 = tpu.matmul %dot_general3A_38, %get3A_46, %dot_general3A_47 {dimension_numbers = #tpu.dot_dimension_numbers<[1], [0], [0], [1], [0, 0, 1, 1], [], []>, transpose_lhs_hint = false} : vector<512x64xf32>, vector<64x16xf32>, vector<512x16xf32> -> vector<512x16xf32>
    %concatenate3A = tpu.concatenate %dot_general3A_38, %dot_general3A_43 in 1 : vector<512x64xf32>, vector<512x16xf32> -> vector<512x80xf32>
    %swap3A = arith.constant 0 : index
    %swap3A_49 = arith.constant 0 : index
    %swap3A_50 = vector.load %arg7[%swap3A, %swap3A_49] : memref<512x80xf32, #tpu.memory_space<vmem>>, vector<512x80xf32>
    tpu.vector_store %arg7[%swap3A, %swap3A_49], %concatenate3A {strides = array<i32>} : memref<512x80xf32, #tpu.memory_space<vmem>>, vector<512x80xf32>,
    %swap3A_51 = arith.constant 0 : index
    %swap3A_52 = arith.constant 0 : index
    %swap3A_53 = vector.load %arg8[%swap3A_51, %swap3A_52] : memref<512x16xf32, #tpu.memory_space<vmem>>, vector<512x16xf32>
    tpu.vector_store %arg8[%swap3A_51, %swap3A_52], %dot_general3A_48 {strides = array<i32>} : memref<512x16xf32, #tpu.memory_space<vmem>>, vector<512x16xf32>,
    return
  }
  func.func @transform_0(%arg0: i32) -> (i32, i32, i32) {
    %c0_i32 = arith.constant 0 : i32
    %c0_i32_0 = arith.constant 0 : i32
    %c0_i32_1 = arith.constant 0 : i32
    return %c0_i32, %arg0, %c0_i32_0 : i32, i32, i32
  }
  func.func @transform_1(%arg0: i32) -> (i32, i32) {
    %c0_i32 = arith.constant 0 : i32
    %c0_i32_0 = arith.constant 0 : i32
    %c0_i32_1 = arith.constant 0 : i32
    return %c0_i32, %c0_i32_0 : i32, i32
  }
  func.func @transform_2(%arg0: i32) -> (i32, i32) {
    %c0_i32 = arith.constant 0 : i32
    %c0_i32_0 = arith.constant 0 : i32
    %c0_i32_1 = arith.constant 0 : i32
    return %c0_i32, %c0_i32_0 : i32, i32
  }
  func.func @transform_3(%arg0: i32) -> (i32, i32) {
    %c0_i32 = arith.constant 0 : i32
    %c0_i32_0 = arith.constant 0 : i32
    %c0_i32_1 = arith.constant 0 : i32
    return %c0_i32, %c0_i32_0 : i32, i32
  }
  func.func @transform_4(%arg0: i32) -> (i32, i32) {
    %c0_i32 = arith.constant 0 : i32
    %c0_i32_0 = arith.constant 0 : i32
    %c0_i32_1 = arith.constant 0 : i32
    return %c0_i32, %c0_i32_0 : i32, i32
  }
  func.func @transform_5(%arg0: i32) -> (i32, i32) {
    %c0_i32 = arith.constant 0 : i32
    %c0_i32_0 = arith.constant 0 : i32
    %c0_i32_1 = arith.constant 0 : i32
    return %c0_i32, %c0_i32_0 : i32, i32
  }
  func.func @transform_6(%arg0: i32) -> (i32, i32) {
    %c0_i32 = arith.constant 0 : i32
    %c0_i32_0 = arith.constant 0 : i32
    return %arg0, %c0_i32 : i32, i32
  }
  func.func @transform_7(%arg0: i32) -> (i32, i32) {
    %c0_i32 = arith.constant 0 : i32
    %c0_i32_0 = arith.constant 0 : i32
    return %arg0, %c0_i32 : i32, i32
  }
}

module attributes {stable_mosaic.version = 14 : i64} {
  func.func @_tc3_body(%arg0: i32, %arg1: memref<2x512x80xf32, #tpu.memory_space<vmem>>, %arg2: memref<1x64xf32, #tpu.memory_space<vmem>>, %arg3: memref<512x64xf32, #tpu.memory_space<vmem>>) attributes {dimension_semantics = [#tpu.dimension_semantics<arbitrary>], iteration_bounds = array<i64: 20>, scalar_prefetch = 0 : i64, scratch_operands = 0 : i64, tpu.core_type = #tpu.core_type<tc>, window_params = [{transform_indices = @transform_0, window_bounds = array<i64: 2, 512, 80>}, {pipeline_mode = #tpu.pipeline_mode<synchronous>, transform_indices = @transform_1, window_bounds = array<i64: 1, 64>}, {transform_indices = @transform_2, window_bounds = array<i64: 512, 64>}]} {
    %get3A = arith.constant 0 : index
    %get3A_0 = arith.constant 0 : index
    %get3A_1 = arith.constant 0 : index
    %get3A_2 = vector.load %arg1[%get3A, %get3A_0, %get3A_1] : memref<2x512x80xf32, #tpu.memory_space<vmem>>, vector<1x512x80xf32>
    %get3A_3 = vector.shape_cast %get3A_2 : vector<1x512x80xf32> to vector<512x80xf32>
    %get3A_4 = arith.constant 1 : index
    %get3A_5 = arith.constant 0 : index
    %get3A_6 = arith.constant 0 : index
    %get3A_7 = vector.load %arg1[%get3A_4, %get3A_5, %get3A_6] : memref<2x512x80xf32, #tpu.memory_space<vmem>>, vector<1x512x80xf32>
    %get3A_8 = vector.shape_cast %get3A_7 : vector<1x512x80xf32> to vector<512x80xf32>
    %add3A = arith.addf %get3A_3, %get3A_8 : vector<512x80xf32>
    %slice3A = vector.extract_strided_slice %add3A {offsets = [0, 0], sizes = [512, 64], strides = [1, 1]} : vector<512x80xf32> to vector<512x64xf32>
    %slice3A_9 = vector.extract_strided_slice %add3A {offsets = [0, 64], sizes = [512, 1], strides = [1, 1]} : vector<512x80xf32> to vector<512x1xf32>
    %add3A_10 = arith.constant 1.000000e-16 : f32
    %add3A_11 = vector.broadcast %add3A_10 : f32 to vector<512x1xf32>
    %add3A_12 = arith.addf %slice3A_9, %add3A_11 : vector<512x1xf32>
    %div3A = vector.broadcast %add3A_12 : vector<512x1xf32> to vector<512x64xf32>
    %div3A_13 = arith.divf %slice3A, %div3A : vector<512x64xf32>
    %get3A_14 = arith.constant 0 : index
    %get3A_15 = arith.constant 0 : index
    %get3A_16 = vector.load %arg2[%get3A_14, %get3A_15] : memref<1x64xf32, #tpu.memory_space<vmem>>, vector<1x64xf32>
    %add3A_17 = vector.broadcast %get3A_16 : vector<1x64xf32> to vector<512x64xf32>
    %add3A_18 = arith.addf %div3A_13, %add3A_17 : vector<512x64xf32>
    %mul3A = arith.constant 1.000000e+00 : f32
    %mul3A_19 = vector.broadcast %mul3A : f32 to vector<512x64xf32>
    %mul3A_20 = arith.mulf %mul3A_19, %add3A_18 : vector<512x64xf32>
    %swap3A = arith.constant 0 : index
    %swap3A_21 = arith.constant 0 : index
    %swap3A_22 = vector.load %arg3[%swap3A, %swap3A_21] : memref<512x64xf32, #tpu.memory_space<vmem>>, vector<512x64xf32>
    tpu.vector_store %arg3[%swap3A, %swap3A_21], %mul3A_20 {strides = array<i32>} : memref<512x64xf32, #tpu.memory_space<vmem>>, vector<512x64xf32>,
    return
  }
  func.func @transform_0(%arg0: i32) -> (i32, i32, i32) {
    %c0_i32 = arith.constant 0 : i32
    %c0_i32_0 = arith.constant 0 : i32
    %c0_i32_1 = arith.constant 0 : i32
    return %c0_i32, %arg0, %c0_i32_0 : i32, i32, i32
  }
  func.func @transform_1(%arg0: i32) -> (i32, i32) {
    %c0_i32 = arith.constant 0 : i32
    %c0_i32_0 = arith.constant 0 : i32
    %c0_i32_1 = arith.constant 0 : i32
    return %c0_i32, %c0_i32_0 : i32, i32
  }
  func.func @transform_2(%arg0: i32) -> (i32, i32) {
    %c0_i32 = arith.constant 0 : i32
    %c0_i32_0 = arith.constant 0 : i32
    return %arg0, %c0_i32 : i32, i32
  }
}

</mosaic_0001>

<sc_bundles>
// kernel: kernel.10.cloned.1.call-start
scs
__scs_entry_jumppad:
0x0: {  	(pc) =	sbr.rel $0x88, $3  }
0x1: {  	(tag) =	ssettag $0x0;
	lr =	simm.s32 $0x1  }
0x2: {  	[smem:$0x3F97] =	sst lr;
	_ =	strace $0xD0000000  }
0x3: {  	_ = 	snop  }
0x4: {  	_ = 	snop  }
0x5: {  	_ = 	snop  }
0x6: {  	_ = 	snop  }
0x7: {  	_ = 	snop  }
__scs_overlays_trampoline_lowered:
0x8: {  	[smem:$0x3FA6] =	sst s0  }
0x9: {  	[smem:$0x3FA7] =	sst s1  }
0xa: {  	[smem:$0x3FA8] =	sst s2  }
0xb: {  	[smem:$0x3FA9] =	sst s3  }
0xc: {  	[smem:$0x3FAA] =	sst s4  }
0xd: {  	[smem:$0x3FAB] =	sst s5  }
0xe: {  	[smem:$0x3FAC] =	sst s6  }
0xf: {  	[smem:$0x3FAD] =	sst s7  }
0x10: {  	[smem:$0x3FAE] =	sst s8  }
0x11: {  	[smem:$0x3FAF] =	sst s9;
	s0 =	simm.s32 @!p0 $0x0  }
0x12: {  	s1 =	sld [smem:$0x3F95];
	s0 =	simm.s32 @p0 $0x1  }
0x13: {  	[smem:$0x3FB0] =	sst s0;
	s0 =	simm.s32 @!p1 $0x0  }
0x14: {  	s2 =	sld [smem:$0x3F94];
	s0 =	simm.s32 @p1 $0x1  }
0x15: {  	[smem:$0x3FB1] =	sst s0;
	s0 =	simm.s32 @!p2 $0x0  }
0x16: {  	s3 =	sld [smem:$0x3FDB];
	s0 =	simm.s32 @p2 $0x1  }
0x17: {  	s4 =	simm.s32 $0x1BF5;
	[smem:$0x3FB3] =	sst s0  }
0x18: {  	s0 =	sld [smem:$0x3F96];
	_ =	swait.ge [sflag:s4], $0x0  }
0x19: {  	s7 =	sld [smem:$0x3F97]  }
0x1a: {  	s8 =	sadd.s32 $0xFFFFE003, lr  }
0x1b: {  	s9 =	sadd.s32 $0xFFFFFEF7, lr;
	s5 =	simm.s32 $0xFFFFFFFF;
	p2 =	slt.u32 s8, $0xFFFFF086  }
0x1c: {  	p1 =	slt.u32 s9, $0xF7A;
	s5 =	simm.s32 @!p2 $0x0  }
0x1d: {  	s5 =	simm.s32 @p1 $0x1;
	p0 =	seq.s32 s7, s2  }
0x1e: {  	s7 =	smul.u32 @!p0 $0xF7A, s2;
	p2 =	seq.s32 @!p0 s5, $0x0  }
0x1f: {  	s9 =	smul.u32 $0xF7A, s1;
	s8 =	simm.s32 @!p0 $0x1BF5;
	p2 =	por !p2, p0  }
0x20: {  	[sflag:s8] =	ssyncset.s32 @!p0 $0xFFFFF086;
	s6 =	sadd.s32 @!p0 s3, s7;
	s7 =	simm.s32 @!p0 $0x108  }
0x21: {  	s3 =	sadd.s32 s3, s9;
	s6 =	sadd.s32 @!p0 $0x88, s6;
	s7 =	simm.s32 @p2 $0x1082  }
0x22: {  	[simem:s7], [sflag:s8] =	dma.local @!p0 [hbm:s6], $0xF7A  }
0x23: {  	s9 =	sor.u32 $0xD0000000, s2;
	s6 =	simm.s32 $0x108;
	_ =	swait.ge @!p0 [sflag:s8], $0x0  }
0x24: {  	s3 =	sadd.s32 $0x88, s3;
	s6 =	simm.s32 @!p1 $0x1082;
	[sflag:s4] =	ssyncset.s32 $0xFFFFF086  }
0x25: {  	[simem:s6], [sflag:s4] =	dma.local [hbm:s3], $0xF7A  }
0x26: {  	[smem:$0x3F97] =	sst s1;
	(tag) =	ssettag s2;
	_ =	strace s9  }
0x27: {  	s1 =	sld [smem:$0x3FA7]  }
0x28: {  	s2 =	sld [smem:$0x3FA8]  }
0x29: {  	s4 =	sld [smem:$0x3FAA]  }
0x2a: {  	p0 =	seq.s32 s5, $0x0;
	s5 =	sld [smem:$0x3FAB]  }
0x2b: {  	s6 =	sld [smem:$0x3FAC]  }
0x2c: {  	s7 =	sld [smem:$0x3FAD]  }
0x2d: {  	s3 =	simm.s32 $0x108;
	s8 =	sld [smem:$0x3FAE]  }
0x2e: {  	s3 =	simm.s32 @!p0 $0x1082;
	s9 =	sld [smem:$0x3FAF]  }
0x2f: {  	lr =	sadd.s32 s0, s3;
	s0 =	sld [smem:$0x3FA6]  }
0x30: {  	s3 =	sld [smem:$0x3FA9]  }
0x31: {  	[smem:$0x3FB2] =	sst s10  }
0x32: {  	s10 =	sld [smem:$0x3FB0];
	_ =	sdelay $0x3  }
0x33: {  	p0 =	seq.s32 s10, $0x1;
	s10 =	sld [smem:$0x3FB2];
	_ =	sdelay $0x3  }
0x34: {  	[smem:$0x3FB2] =	sst s10  }
0x35: {  	s10 =	sld [smem:$0x3FB1];
	_ =	sdelay $0x3  }
0x36: {  	p1 =	seq.s32 s10, $0x1;
	s10 =	sld [smem:$0x3FB2];
	_ =	sdelay $0x3  }
0x37: {  	[smem:$0x3FB2] =	sst s10  }
0x38: {  	s10 =	sld [smem:$0x3FB3]  }
0x39: {  	_ = 	snop;
	(pc) =	sbr.ind lr, $3  }
0x3a: {  	_ = 	snop  }
0x3b: {  	_ = 	snop  }
0x3c: {  	p2 =	seq.s32 s10, $0x1;
	s10 =	sld [smem:$0x3FB2]  }
0x3d: {  	_ =	shalt  }
0x3e: {  	_ =	shalt  }
0x3f: {  	_ =	shalt  }
0x40: {  	_ =	shalt  }
0x41: {  	_ =	shalt  }
0x42: {  	_ =	shalt  }
0x43: {  	_ =	shalt  }
0x44: {  	_ =	shalt  }
0x45: {  	_ =	shalt  }
0x46: {  	_ =	shalt  }
0x47: {  	_ =	shalt  }
0x48: {  	_ =	shalt  }
0x49: {  	_ =	shalt  }
0x4a: {  	_ =	shalt  }
0x4b: {  	_ =	shalt  }
0x4c: {  	_ =	shalt  }
0x4d: {  	_ =	shalt  }
0x4e: {  	_ =	shalt  }
0x4f: {  	_ =	shalt  }
0x50: {  	_ =	shalt  }
0x51: {  	_ =	shalt  }
0x52: {  	_ =	shalt  }
0x53: {  	_ =	shalt  }
0x54: {  	_ =	shalt  }
0x55: {  	_ =	shalt  }
0x56: {  	_ =	shalt  }
0x57: {  	_ =	shalt  }
0x58: {  	_ =	shalt  }
0x59: {  	_ =	shalt  }
0x5a: {  	_ =	shalt  }
0x5b: {  	_ =	shalt  }
0x5c: {  	_ =	shalt  }
0x5d: {  	_ =	shalt  }
0x5e: {  	_ =	shalt  }
0x5f: {  	_ =	shalt  }
0x60: {  	_ =	shalt  }
0x61: {  	_ =	shalt  }
0x62: {  	_ =	shalt  }
0x63: {  	_ =	shalt  }
0x64: {  	_ =	shalt  }
0x65: {  	_ =	shalt  }
0x66: {  	_ =	shalt  }
0x67: {  	_ =	shalt  }
0x68: {  	_ =	shalt  }
0x69: {  	_ =	shalt  }
0x6a: {  	_ =	shalt  }
0x6b: {  	_ =	shalt  }
0x6c: {  	_ =	shalt  }
0x6d: {  	_ =	shalt  }
0x6e: {  	_ =	shalt  }
0x6f: {  	_ =	shalt  }
0x70: {  	_ =	shalt  }
0x71: {  	_ =	shalt  }
0x72: {  	_ =	shalt  }
0x73: {  	_ =	shalt  }
0x74: {  	_ =	shalt  }
0x75: {  	_ =	shalt  }
0x76: {  	_ =	shalt  }
0x77: {  	_ =	shalt  }
0x78: {  	_ =	shalt  }
0x79: {  	_ =	shalt  }
0x7a: {  	_ =	shalt  }
0x7b: {  	_ =	shalt  }
0x7c: {  	_ =	shalt  }
0x7d: {  	_ =	shalt  }
0x7e: {  	_ =	shalt  }
0x7f: {  	_ =	shalt  }
0x80: {  	_ =	shalt  }
0x81: {  	_ =	shalt  }
0x82: {  	_ =	shalt  }
0x83: {  	_ =	shalt  }
0x84: {  	_ =	shalt  }
0x85: {  	_ =	shalt  }
0x86: {  	_ =	shalt  }
0x87: {  	_ =	shalt  }
.Lfunc_end0:
.L_simem_size_0:
called_computation.1_lowered:
.L_overlay_start_0:
0x88: {  	s2 =	sld [smem:$0x3FD9]  }
0x89: {  	s3 =	sld [smem:$0x3FFE];
	_ =	sdelay $0x1  }
0x8a: {  	s1 =	srdreg.scid  }
0x8b: {  	s0 =	sand.u32 $0x1, s1  }
0x8c: {  	s17 =	sshll.u32 s0, $0xA;
	s2 =	sadd.s32 s3, s2  }
0x8d: {  	s2 =	sadd.s32 s2, s17  }
0x8e: {  	[smem:$0x3FBE] =	sst s2  }
0x8f: {  	_ = 	snop  }
0x90: {  	s2 =	sld [smem:$0x3FD0];
	(tm) =	ssettm $0x1  }
0x91: {  	s18 =	sld [smem:$0x3FFB];
	_ =	sdelay $0x3  }
0x92: {  	_ =	strace s18  }
0x93: {  	s3 =	sld [smem:$0x3FFC];
	_ =	sdelay $0x3  }
0x94: {  	_ =	strace s3  }
0x95: {  	s3 =	sld [smem:$0x3FFD];
	_ =	sdelay $0x3  }
0x96: {  	_ =	strace s3  }
0x97: {  	_ =	strace $0x8FFFFFFF  }
0x98: {  	s19 =	sld [smem:$0x3FDB];
	_ =	sdelay $0x1  }
0x99: {  	s4 =	simm.s32 $_scs_section_size  }
0x9a: {  	s5 =	simm.s32 $_size__tile_overlayer_lowered;
	s6 =	simm.s32 $_tile_overlayer_lowered  }
0x9b: {  	s22 =	simm.s32 $0x1BFF;
	s21 =	sshll.u32 s6, $0x1;
	s3 =	sadd.s32 s4, s19  }
0x9c: {  	s7 =	simm.s32 $0x0;
	s20 =	sshll.u32 s5, $0x1;
	s5 =	sadd.s32 s21, s3  }
0x9d: {  	[timem:s7], [sflag:s22] =	dma.local [hbm:s5], s20  }
0x9e: {  	_ =	swait.ge [sflag:s22], s20  }
0x9f: {  	s4 =	ssub.s32 $0x0, s20;
	[sflag:s22] =	ssyncset.done $0x0  }
0xa0: {  	[sflag:s22] =	ssyncadd.s32 s4;
	_ =	sdelay $0x1  }
0xa1: {  	s23 =	simm.s32 $0x1B8B  }
0xa2: {  	_ =	swait.ge [sflag:s23], $0x1  }
0xa3: {  	[sflag:s23] =	ssyncset.done $0x0  }
0xa4: {  	s25 =	simm.s32 $0x1B8E;
	s24 =	sld [smem:$0x3FFE];
	[sflag:s23] =	ssyncadd.s32 $0xFFFFFFFF  }
0xa5: {  	s26 =	simm.s32 $execute0_lowered;
	[smem:$0x3FD2] =	sst s25  }
0xa6: {  	s5 =	sshll.u32 s26, $0x1;
	_ =	strace $0x80000049;
	[dreg:$0x1] =	wrdreg $0xFFFFFFFF  }
0xa7: {  	s28 =	simm.s32 $_size_execute0_lowered;
	s3 =	sadd.s32 s3, s5;
	[dreg:$0x0] =	wrdreg $0x0  }
0xa8: {  	s5 =	sshll.u32 s28, $0x1;
	[dreg:$0x2] =	wrdreg s3  }
0xa9: {  	[dreg:$0x3] =	wrdreg s5  }
0xaa: {  	[dreg:$0x4] =	wrdreg $0xC0  }
0xab: {  	_ =	task [dreg:s7], $0x5FFFF  }
0xac: {  	[dreg:$0x1] =	wrdreg $0xFFFFFFFF  }
0xad: {  	[dreg:$0x0] =	wrdreg $0x60  }
0xae: {  	[dreg:$0x2] =	wrdreg s24  }
0xaf: {  	[dreg:$0x3] =	wrdreg s2  }
0xb0: {  	[dreg:$0x4] =	wrdreg $0x49800  }
0xb1: {  	[dreg:$0x5] =	wrdreg $0x9  }
0xb2: {  	_ =	task.clear_ibuf [dreg:s7], $0x6FFFF;
	_ =	strace $0x90000049  }
0xb3: {  	s29 =	simm.s32 $0x9;
	_ =	strace $0x8000004B  }
0xb4: {  	_ =	swait.ge [sflag:s29], $0x1  }
0xb5: {  	[sflag:s29] =	ssyncadd.s32 $0xFFFFFFFF  }
0xb6: {  	_ =	strace $0x9000004B  }
0xb7: {  	_ =	sfence  }
0xb8: {  	s30 =	sld [smem:$0x0];
	_ =	sdelay $0x2  }
0xb9: {  	s31 =	sshll.u32 s1, $0xD;
	s1 =	sshrl.u32 s1, $0x2  }
0xba: {  	s3 =	sand.u32 $0x4000, s31;
	s1 =	sadd.s32 s1, s30  }
0xbb: {  	s0 =	sor.u32 s3, s0;
	s1 =	sshll.u32 s1, $0x11  }
0xbc: {  	s0 =	sor.u32 s1, s0  }
0xbd: {  	s0 =	sadd.s32 $0x8F2B, s0  }
0xbe: {  	[sflag:s0] =	ssyncadd.remote.s32 $0x1  }
0xbf: {  	_ =	sfence.sel $0xFFFF  }
0xc0: {  	[dreg:$0x0] =	wrdreg $0xFFFFFFFF;
	(pc) =	sbr.abs _section_cstart, $3  }
0xc1: {  	[dreg:$0x1] =	wrdreg $0xFFFFFFFF  }
0xc2: {  	_ =	task.clear_ibuf [dreg:s7], $0x2FFFF;
	_ =	strace $0x9FFFFFFF  }
0xc3: {  	(tm) =	ssettm $0x7FFFFFFF  }
tec
execute0_lowered:
.L_overlay_start_1:
0x0: {  	(tag) =	ssettag $0x1  }
0x1: {  	s1 =	rddreg [dreg:$0x0]  }
0x2: {  	s2 =	rddreg [dreg:$0x1]  }
0x3: {  	s3 =	rddreg [dreg:$0x2];
	s0 =	srdreg.scid  }
0x4: {  	s5 =	simm.s32 $0x0;
	s9 =	stileid.u32;
	s19 =	simm.s32 $0xD80  }
0x5: {  	s20 =	simm.s32 $0x5;
	s28 =	simm.s32 $0x780;
	s29 =	simm.s32 $0x1  }
0x6: {  	s30 =	simm.s32 $0x2;
	s0 =	sand.u32 $0x1, s0;
	s8 =	smul.u32 $0xC800, s9  }
0x7: {  	[smem:$0x7FF] =	sst s5;
	s6 =	sshll.u32 s9, $0x1;
	s9 =	smul.u32 $0x32000, s9  }
0x8: {  	s31 =	simm.s32 $0x3;
	s4 =	smul.u32 $0xC8000, s0;
	_ =	strace $0x8000004A  }
0x9: {  	s7 =	sor.u32 s0, s6;
	s6 =	sadd.s32 $0x2D000, s1;
	s0 =	ssub.s32 $0x2, s0  }
0xa: {  	s11 =	smul.u32 $0x5100, s7;
	s21 =	sshrl.u32 s9, $0x2;
	s22 =	sshrl.u32 s0, $0x1  }
0xb: {  	s25 =	sadd.s32 s8, s3;
	s4 =	sadd.s32 s8, s4;
	s7 =	sadd.s32 s21, s3  }
0xc: {  	s0 =	ssub.s32 s0, s22;
	s21 =	simm.s32 $0x60;
	s25 =	sshrl.u32 s25, $0x3  }
0xd: {  	s22 =	simm.s32 $0x0;
	s4 =	sshrl.u32 s4, $0x3;
	s10 =	sshrl.u32 s11, $0x3  }
0xe: {  	s23 =	sadd.s32 $0xB400, s7;
	s0 =	smax.u32 s0, $0x1;
	s26 =	sadd.s32 $0x1E00, s7  }
0xf: {  	s15 =	sadd.s32 $0x3C00, s7;
	s16 =	sadd.s32 $0x5A00, s7;
	s17 =	sadd.s32 $0x7800, s7  }
0x10: {  	s18 =	sadd.s32 $0x9600, s7;
	s4 =	sadd.s32 s4, s1;
	[dreg:$0x4] =	wrdreg s23  }
0x11: {  	s24 =	sadd.s32 s6, s10;
	s10 =	sor.u32 $0xC0, s11;
	[dreg:$0x7] =	wrdreg s0  }
0x12: {  	s11 =	sadd.s32 $0x180, s11;
	[dreg:$0x8] =	wrdreg s26;
	s23 =	simm.s32 $0xC0  }
0x13: {  	s26 =	simm.s32 $0x120;
	[dreg:$0x5] =	wrdreg s24;
	s4 =	sadd.s32 $0x41400, s4  }
0x14: {  	v0 =	vimm.f32 $0.0e+00;
	v1 =	vimm.s32 $0x0;
	s0 =	simm.s32 $0x4;
	s24 =	simm.s32 $0x2B80;
	[dreg:$0x6] =	wrdreg s4  }
.LBB2_1:
0x15: {  	s8 =	simm.s32 $0x140;
	s4 =	simm.s32 $0x0  }
.LBB2_2:
0x16: {  	p0 =	sne.s32 s8, $0x76C0;
	[tilespmem:s4+$0xDC0] =	vst v0;
	s9 =	smov.u32 s8;
	s8 =	sadd.s32 $0x140, s8  }
.Ltmp0:
0x17: {  	[tilespmem:s4+$0xDB0] =	vst v0;
	(pc) =	sbr.rel @p0 .LBB2_2-.Ltmp0, $4  }
0x18: {  	[tilespmem:s4+$0xDA0] =	vst v0  }
0x19: {  	[tilespmem:s4+$0xD80] =	vst v0  }
0x1a: {  	[tilespmem:s4+$0xD90] =	vst v0  }
0x1b: {  	s4 =	sshra.s32 s9, $0x2  }
0x1c: {  	[tilespmem:s4+$0xDC0] =	vst v0  }
0x1d: {  	[tilespmem:s4+$0xDB0] =	vst v0  }
0x1e: {  	[tilespmem:s4+$0xDA0] =	vst v0  }
0x1f: {  	[tilespmem:s4+$0xD80] =	vst v0  }
0x20: {  	[tilespmem:s4+$0xD90] =	vst v0  }
0x21: {  	[spmem:s7] =	stream.linear.scatter [tilespmem:s19], [sflag:$0x5], $0x1E00, $0x38;
	[tilespmem:$0x11180] =	vst v63  }
0x22: {  	_ =	swait.ge [sflag:s20], $0x1E00  }
0x23: {  	[sflag:s20] =	ssyncset.done $0x0  }
0x24: {  	s12 =	rddreg [dreg:$0x8];
	[sflag:s20] =	ssyncadd.s32 $0xFFFFE200  }
0x25: {  	[spmem:s12] =	stream.linear.scatter [tilespmem:s19], [sflag:$0x5], $0x1E00, $0x38;
	[tilespmem:$0x11180] =	vst v63  }
0x26: {  	_ =	swait.ge [sflag:s20], $0x1E00  }
0x27: {  	[sflag:s20] =	ssyncset.done $0x0  }
0x28: {  	[sflag:s20] =	ssyncadd.s32 $0xFFFFE200  }
0x29: {  	[spmem:s15] =	stream.linear.scatter [tilespmem:s19], [sflag:$0x5], $0x1E00, $0x38;
	[tilespmem:$0x11180] =	vst v63  }
0x2a: {  	_ =	swait.ge [sflag:s20], $0x1E00  }
0x2b: {  	[sflag:s20] =	ssyncset.done $0x0  }
0x2c: {  	[sflag:s20] =	ssyncadd.s32 $0xFFFFE200  }
0x2d: {  	[spmem:s16] =	stream.linear.scatter [tilespmem:s19], [sflag:$0x5], $0x1E00, $0x38;
	[tilespmem:$0x11180] =	vst v63  }
0x2e: {  	_ =	swait.ge [sflag:s20], $0x1E00  }
0x2f: {  	[sflag:s20] =	ssyncset.done $0x0  }
0x30: {  	[sflag:s20] =	ssyncadd.s32 $0xFFFFE200  }
0x31: {  	[spmem:s17] =	stream.linear.scatter [tilespmem:s19], [sflag:$0x5], $0x1E00, $0x38;
	[tilespmem:$0x11180] =	vst v63  }
0x32: {  	_ =	swait.ge [sflag:s20], $0x1E00  }
0x33: {  	[sflag:s20] =	ssyncset.done $0x0  }
0x34: {  	[sflag:s20] =	ssyncadd.s32 $0xFFFFE200  }
0x35: {  	[spmem:s18] =	stream.linear.scatter [tilespmem:s19], [sflag:$0x5], $0x1E00, $0x38;
	[tilespmem:$0x11180] =	vst v63  }
0x36: {  	_ =	swait.ge [sflag:s20], $0x1E00  }
0x37: {  	[sflag:s20] =	ssyncset.done $0x0  }
0x38: {  	s13 =	rddreg [dreg:$0x4];
	[sflag:s20] =	ssyncadd.s32 $0xFFFFE200  }
0x39: {  	[spmem:s13] =	stream.linear.scatter [tilespmem:s19], [sflag:$0x5], $0x1400, $0x38;
	[tilespmem:$0x11180] =	vst v63  }
0x3a: {  	_ =	swait.ge [sflag:s20], $0x1400  }
0x3b: {  	[sflag:s20] =	ssyncset.done $0x0  }
0x3c: {  	[sflag:s20] =	ssyncadd.s32 $0xFFFFEC00  }
0x3d: {  	[bflag:$0x0] =	sbarrier.arrive $0xFFFF  }
0x3e: {  	s4 =	simm.s32 $0x0;
	s8 =	rddreg [dreg:$0x5]  }
0x3f: {  	[tilespmem:s4], [sflag:$0x5] =	stream.linear.gather [hbm4b:s8+s4], $0xC0, $0x38;
	[tilespmem:$0x11180] =	vst v63  }
0x40: {  	_ =	swait.ge [sflag:s20], $0xC0  }
0x41: {  	[sflag:s20] =	ssyncset.done $0x0  }
0x42: {  	[sflag:s20] =	ssyncadd.s32 $0xFFFFFF40  }
0x43: {  	[tilespmem:s19], [sflag:$0x1] =	stream.indirect.gather [hbm4b:s1+s21], $0x50, s4, s21, $0xb8;
	[tilespmem:$0x11180] =	vst v63  }
0x44: {  	s14 =	simm.s32 $0x180  }
0x45: {  	[tilespmem:s14], [sflag:$0x1] =	stream.indirect.gather [hbm4b:s2+s21], $0x10, s21, s21, $0xb8;
	[tilespmem:$0x11180] =	vst v63  }
.LBB2_4:
0x46: {  	p0 =	seq.s32 s4, $0x0;
	s8 =	smul.u32 $0x180, s4  }
0x47: {  	s9 =	simm.s32 @!p0 $0x4  }
0x48: {  	_ =	swait.ge @!p0 [sflag:s9], $0x1E00;
	s12 =	sadd.s32 s8, s10  }
0x49: {  	[sflag:s9] =	ssyncset.done @!p0 $0x0;
	s12 =	sshrl.u32 s12, $0x3  }
0x4a: {  	[sflag:s9] =	ssyncadd.s32 @!p0 $0xFFFFE200;
	s13 =	sadd.s32 s6, s12  }
0x4b: {  	[tilespmem:s23], [sflag:$0x5] =	stream.linear.gather [hbm4b:s13+s5], $0xC0, $0x38;
	[tilespmem:$0x11180] =	vst v63  }
0x4c: {  	_ =	swait.ge [sflag:s20], $0xC0  }
0x4d: {  	[sflag:s20] =	ssyncset.done $0x0  }
0x4e: {  	[sflag:s20] =	ssyncadd.s32 $0xFFFFFF40  }
0x4f: {  	[tilespmem:s24], [sflag:$0x2] =	stream.indirect.gather [hbm4b:s1+s21], $0x50, s23, s21, $0xb8;
	[tilespmem:$0x11180] =	vst v63  }
0x50: {  	_ = 	snop  }
0x51: {  	[tilespmem:s28], [sflag:$0x2] =	stream.indirect.gather [hbm4b:s2+s21], $0x10, s26, s21, $0xb8;
	[tilespmem:$0x11180] =	vst v63  }
0x52: {  	_ =	swait.ge [sflag:s29], $0x1E00  }
0x53: {  	[sflag:s29] =	ssyncset.done $0x0  }
0x54: {  	[sflag:s29] =	ssyncadd.s32 $0xFFFFE200  }
0x55: {  	_ =	swait.ge [sflag:s29], $0x600  }
0x56: {  	[sflag:s29] =	ssyncset.done $0x0  }
0x57: {  	s9 =	simm.s32 $0xDD0;
	[sflag:s29] =	ssyncadd.s32 $0xFFFFFA00  }
0x58: {  	s14 =	simm.s32 $0x10;
	v2 =	vld [tilespmem:s9+$0xFFFFFFF0]  }
0x59: {  	v3 =	vld [tilespmem:s14+$0x170];
	_ =	sdelay $0x4  }
0x5a: {  	v2 =	vadd.f32 v3, v2;
	_ =	sdelay $0x1  }
0x5b: {  	v3 =	vmul.f32 $2.000000030e-01, v2  }
0x5c: {  	vm0 =	vgt.f32 v2, $0.0e+00  }
0x5d: {  	v2 =	vsel vm0, v2, v3  }
0x5e: {  	v2 =	vmul.f32 $1.442695020e+00, v2;
	_ =	sdelay $0x1  }
0x5f: {  	(erf) = vpow2.f32 v2;
	_ =	sdelay $0x6  }
0x60: {  	v2 =	vld [tilespmem:s9+$0xFFFFFFE0]  }
0x61: {  	v3 =	vld [tilespmem:s9+$0xFFFFFFB0]  }
0x62: {  	v4 =	vld [tilespmem:s9+$0xFFFFFFC0];
	v5 =	vpop (erf)  }
0x63: {  	v6 =	vld [tilespmem:s9+$0xFFFFFFD0];
	v7 =	vperm.xlane v5, v1;
	_ =	sdelay $0x1  }
0x64: {  	v2 =	vmul.f32 v2, v7  }
0x65: {  	[tilespmem:s9+$0xFFFFFFF0] =	vst v5;
	v3 =	vmul.f32 v3, v7  }
0x66: {  	v4 =	vmul.f32 v4, v7;
	[tilespmem:s9+$0xFFFFFFE0] =	vst v2  }
0x67: {  	v2 =	vmul.f32 v6, v7;
	[tilespmem:s9+$0xFFFFFFB0] =	vst v3  }
0x68: {  	[tilespmem:s9+$0xFFFFFFC0] =	vst v4  }
0x69: {  	[tilespmem:s9+$0xFFFFFFD0] =	vst v2;
	v2 =	vld [tilespmem:s9+$0x40]  }
0x6a: {  	v3 =	vld [tilespmem:s14+$0x180];
	_ =	sdelay $0x4  }
0x6b: {  	v2 =	vadd.f32 v3, v2;
	_ =	sdelay $0x1  }
0x6c: {  	v3 =	vmul.f32 $2.000000030e-01, v2  }
0x6d: {  	vm15 =	vgt.f32 v2, $0.0e+00  }
0x6e: {  	v2 =	vsel vm15, v2, v3  }
0x6f: {  	v2 =	vmul.f32 $1.442695020e+00, v2;
	_ =	sdelay $0x1  }
0x70: {  	(erf) = vpow2.f32 v2;
	_ =	sdelay $0x5  }
0x71: {  	v5 =	vld [tilespmem:s9+$0x0]  }
0x72: {  	v4 =	vld [tilespmem:s9+$0x10]  }
0x73: {  	v3 =	vld [tilespmem:s9+$0x20]  }
0x74: {  	v2 =	vld [tilespmem:s9+$0x30];
	v6 =	vpop (erf)  }
0x75: {  	s12 =	simm.s32 $0xDD0;
	s13 =	simm.s32 $0xC0;
	[tilespmem:s9+$0x40] =	vst v6;
	v6 =	vperm.xlane v6, v1  }
.LBB2_5:
0x76: {  	p0 =	sne.s32 s13, $0x17C0  }
0x77: {  	s9 =	sadd.s32 $0xA0, s9;
	s14 =	smov.u32 s13;
	s13 =	sadd.s32 $0x80, s13  }
0x78: {  	v5 =	vmul.f32 v5, v6;
	v4 =	vmul.f32 v4, v6  }
0x79: {  	v2 =	vmul.f32 v2, v6;
	v3 =	vmul.f32 v3, v6  }
0x7a: {  	[tilespmem:s12+$0x0] =	vst v5  }
0x7b: {  	[tilespmem:s12+$0x10] =	vst v4  }
0x7c: {  	[tilespmem:s12+$0x30] =	vst v2  }
0x7d: {  	s14 =	sshra.s32 s14, $0x2;
	v2 =	vld [tilespmem:s9+$0xFFFFFFF0];
	[tilespmem:s12+$0x20] =	vst v3;
	s12 =	smov.u32 s9  }
0x7e: {  	v3 =	vld [tilespmem:s14+$0x170];
	_ =	sdelay $0x4  }
0x7f: {  	v2 =	vadd.f32 v3, v2;
	_ =	sdelay $0x1  }
0x80: {  	v3 =	vmul.f32 $2.000000030e-01, v2  }
0x81: {  	vm0 =	vgt.f32 v2, $0.0e+00  }
0x82: {  	v2 =	vsel vm0, v2, v3  }
0x83: {  	v2 =	vmul.f32 $1.442695020e+00, v2;
	_ =	sdelay $0x1  }
0x84: {  	(erf) = vpow2.f32 v2;
	_ =	sdelay $0x4  }
0x85: {  	v2 =	vld [tilespmem:s9+$0xFFFFFFD0]  }
0x86: {  	v3 =	vld [tilespmem:s9+$0xFFFFFFE0]  }
0x87: {  	v4 =	vld [tilespmem:s9+$0xFFFFFFB0]  }
0x88: {  	v5 =	vld [tilespmem:s9+$0xFFFFFFC0]  }
0x89: {  	v6 =	vpop (erf)  }
0x8a: {  	[tilespmem:s9+$0xFFFFFFF0] =	vst v6;
	v6 =	vperm.xlane v6, v1;
	_ =	sdelay $0x1  }
0x8b: {  	v4 =	vmul.f32 v4, v6;
	v3 =	vmul.f32 v3, v6  }
0x8c: {  	v2 =	vmul.f32 v2, v6;
	v5 =	vmul.f32 v5, v6  }
0x8d: {  	[tilespmem:s9+$0xFFFFFFE0] =	vst v3  }
0x8e: {  	[tilespmem:s9+$0xFFFFFFB0] =	vst v4  }
0x8f: {  	[tilespmem:s9+$0xFFFFFFC0] =	vst v5  }
0x90: {  	[tilespmem:s9+$0xFFFFFFD0] =	vst v2;
	v2 =	vld [tilespmem:s9+$0x40]  }
0x91: {  	v3 =	vld [tilespmem:s14+$0x180];
	_ =	sdelay $0x4  }
0x92: {  	v2 =	vadd.f32 v3, v2;
	_ =	sdelay $0x1  }
0x93: {  	v3 =	vmul.f32 $2.000000030e-01, v2  }
0x94: {  	vm0 =	vgt.f32 v2, $0.0e+00  }
0x95: {  	v2 =	vsel vm0, v2, v3  }
0x96: {  	v2 =	vmul.f32 $1.442695020e+00, v2;
	_ =	sdelay $0x1  }
0x97: {  	(erf) = vpow2.f32 v2;
	_ =	sdelay $0x4  }
0x98: {  	v5 =	vld [tilespmem:s9+$0x0]  }
.Ltmp1:
0x99: {  	v2 =	vld [tilespmem:s9+$0x30];
	(pc) =	sbr.rel @p0 .LBB2_5-.Ltmp1, $4  }
0x9a: {  	v4 =	vld [tilespmem:s9+$0x10]  }
0x9b: {  	v3 =	vld [tilespmem:s9+$0x20]  }
0x9c: {  	v6 =	vpop (erf)  }
0x9d: {  	[tilespmem:s9+$0x40] =	vst v6;
	v6 =	vperm.xlane v6, v1  }
0x9e: {  	_ = 	snop  }
0x9f: {  	v5 =	vmul.f32 v5, v6  }
0xa0: {  	v4 =	vmul.f32 v4, v6  }
0xa1: {  	v2 =	vmul.f32 v2, v6;
	[tilespmem:s12+$0x0] =	vst v5  }
0xa2: {  	v3 =	vmul.f32 v3, v6;
	[tilespmem:s12+$0x10] =	vst v4  }
0xa3: {  	p0 =	sgt.u32 s4, $0x34;
	[tilespmem:s12+$0x30] =	vst v2  }
0xa4: {  	s9 =	simm.s32 @!p0 $0x3;
	[tilespmem:s12+$0x20] =	vst v3  }
0xa5: {  	[spmem:s3] =	stream.indirect.scatter.add.f32 [tilespmem:s19], [sflag:$0x3], $0x50, s21, s21, $0xb8;
	[tilespmem:$0x11180] =	vst v63  }
0xa6: {  	s8 =	sadd.s32 @!p0 s8, s11;
	_ =	swait.ge @!p0 [sflag:s9], $0x1E00  }
0xa7: {  	s8 =	sshrl.u32 @!p0 s8, $0x3;
	[sflag:s9] =	ssyncset.done @!p0 $0x0  }
0xa8: {  	s8 =	sadd.s32 @!p0 s6, s8;
	[sflag:s9] =	ssyncadd.s32 @!p0 $0xFFFFE200;
	s9 =	simm.s32 @!p0 $0x0  }
0xa9: {  	[tilespmem:s9], [sflag:$0x5] =	stream.linear.gather @!p0 [hbm4b:s8+s9], $0xC0, $0x38;
	[tilespmem:$0x11180] =	vst v63  }
0xaa: {  	s8 =	simm.s32 @!p0 $0x5  }
0xab: {  	_ =	swait.ge @!p0 [sflag:s8], $0xC0  }
0xac: {  	[sflag:s8] =	ssyncset.done @!p0 $0x0  }
0xad: {  	s12 =	simm.s32 @!p0 $0xD80;
	[sflag:s8] =	ssyncadd.s32 @!p0 $0xFFFFFF40;
	s8 =	simm.s32 @!p0 $0x60  }
0xae: {  	[tilespmem:s12], [sflag:$0x1] =	stream.indirect.gather @!p0 [hbm4b:s1+s8], $0x50, s9, s8, $0xb8;
	[tilespmem:$0x11180] =	vst v63  }
0xaf: {  	s9 =	simm.s32 @!p0 $0x180  }
0xb0: {  	[tilespmem:s9], [sflag:$0x1] =	stream.indirect.gather @!p0 [hbm4b:s2+s8], $0x10, s8, s8, $0xb8;
	[tilespmem:$0x11180] =	vst v63  }
0xb1: {  	_ =	swait.ge [sflag:s30], $0x1E00  }
0xb2: {  	[sflag:s30] =	ssyncset.done $0x0  }
0xb3: {  	[sflag:s30] =	ssyncadd.s32 $0xFFFFE200  }
0xb4: {  	_ =	swait.ge [sflag:s30], $0x600  }
0xb5: {  	[sflag:s30] =	ssyncset.done $0x0  }
0xb6: {  	s8 =	simm.s32 $0x2BD0;
	[sflag:s30] =	ssyncadd.s32 $0xFFFFFA00  }
0xb7: {  	s14 =	simm.s32 $0x10;
	v2 =	vld [tilespmem:s8+$0xFFFFFFF0]  }
0xb8: {  	v3 =	vld [tilespmem:s14+$0x770];
	_ =	sdelay $0x4  }
0xb9: {  	v2 =	vadd.f32 v3, v2;
	_ =	sdelay $0x1  }
0xba: {  	v3 =	vmul.f32 $2.000000030e-01, v2  }
0xbb: {  	vm0 =	vgt.f32 v2, $0.0e+00  }
0xbc: {  	v2 =	vsel vm0, v2, v3  }
0xbd: {  	v2 =	vmul.f32 $1.442695020e+00, v2;
	_ =	sdelay $0x1  }
0xbe: {  	(erf) = vpow2.f32 v2;
	_ =	sdelay $0x6  }
0xbf: {  	v2 =	vld [tilespmem:s8+$0xFFFFFFE0]  }
0xc0: {  	v3 =	vld [tilespmem:s8+$0xFFFFFFB0]  }
0xc1: {  	v4 =	vld [tilespmem:s8+$0xFFFFFFC0];
	v5 =	vpop (erf)  }
0xc2: {  	v6 =	vld [tilespmem:s8+$0xFFFFFFD0];
	v7 =	vperm.xlane v5, v1;
	_ =	sdelay $0x1  }
0xc3: {  	v2 =	vmul.f32 v2, v7  }
0xc4: {  	[tilespmem:s8+$0xFFFFFFF0] =	vst v5;
	v3 =	vmul.f32 v3, v7  }
0xc5: {  	v4 =	vmul.f32 v4, v7;
	[tilespmem:s8+$0xFFFFFFE0] =	vst v2  }
0xc6: {  	v2 =	vmul.f32 v6, v7;
	[tilespmem:s8+$0xFFFFFFB0] =	vst v3  }
0xc7: {  	[tilespmem:s8+$0xFFFFFFC0] =	vst v4  }
0xc8: {  	[tilespmem:s8+$0xFFFFFFD0] =	vst v2;
	v2 =	vld [tilespmem:s8+$0x40]  }
0xc9: {  	v3 =	vld [tilespmem:s14+$0x780];
	_ =	sdelay $0x4  }
0xca: {  	v2 =	vadd.f32 v3, v2;
	_ =	sdelay $0x1  }
0xcb: {  	v3 =	vmul.f32 $2.000000030e-01, v2  }
0xcc: {  	vm15 =	vgt.f32 v2, $0.0e+00  }
0xcd: {  	v2 =	vsel vm15, v2, v3  }
0xce: {  	v2 =	vmul.f32 $1.442695020e+00, v2;
	_ =	sdelay $0x1  }
0xcf: {  	(erf) = vpow2.f32 v2;
	_ =	sdelay $0x5  }
0xd0: {  	v5 =	vld [tilespmem:s8+$0x0]  }
0xd1: {  	v4 =	vld [tilespmem:s8+$0x10]  }
0xd2: {  	v3 =	vld [tilespmem:s8+$0x20]  }
0xd3: {  	v2 =	vld [tilespmem:s8+$0x30];
	v6 =	vpop (erf)  }
0xd4: {  	s12 =	simm.s32 $0xC0;
	s9 =	simm.s32 $0x2BD0;
	[tilespmem:s8+$0x40] =	vst v6;
	v6 =	vperm.xlane v6, v1  }
.LBB2_7:
0xd5: {  	p0 =	sne.s32 s12, $0x17C0  }
0xd6: {  	s8 =	sadd.s32 $0xA0, s8;
	s13 =	smov.u32 s12;
	s12 =	sadd.s32 $0x80, s12  }
0xd7: {  	v5 =	vmul.f32 v5, v6;
	v4 =	vmul.f32 v4, v6  }
0xd8: {  	v2 =	vmul.f32 v2, v6;
	v3 =	vmul.f32 v3, v6  }
0xd9: {  	[tilespmem:s9+$0x0] =	vst v5  }
0xda: {  	[tilespmem:s9+$0x10] =	vst v4  }
0xdb: {  	[tilespmem:s9+$0x30] =	vst v2  }
0xdc: {  	s13 =	sshra.s32 s13, $0x2;
	v2 =	vld [tilespmem:s8+$0xFFFFFFF0];
	[tilespmem:s9+$0x20] =	vst v3;
	s9 =	smov.u32 s8  }
0xdd: {  	v3 =	vld [tilespmem:s13+$0x770];
	_ =	sdelay $0x4  }
0xde: {  	v2 =	vadd.f32 v3, v2;
	_ =	sdelay $0x1  }
0xdf: {  	v3 =	vmul.f32 $2.000000030e-01, v2  }
0xe0: {  	vm0 =	vgt.f32 v2, $0.0e+00  }
0xe1: {  	v2 =	vsel vm0, v2, v3  }
0xe2: {  	v2 =	vmul.f32 $1.442695020e+00, v2;
	_ =	sdelay $0x1  }
0xe3: {  	(erf) = vpow2.f32 v2;
	_ =	sdelay $0x4  }
0xe4: {  	v2 =	vld [tilespmem:s8+$0xFFFFFFD0]  }
0xe5: {  	v3 =	vld [tilespmem:s8+$0xFFFFFFE0]  }
0xe6: {  	v4 =	vld [tilespmem:s8+$0xFFFFFFB0]  }
0xe7: {  	v5 =	vld [tilespmem:s8+$0xFFFFFFC0]  }
0xe8: {  	v6 =	vpop (erf)  }
0xe9: {  	[tilespmem:s8+$0xFFFFFFF0] =	vst v6;
	v6 =	vperm.xlane v6, v1;
	_ =	sdelay $0x1  }
0xea: {  	v4 =	vmul.f32 v4, v6;
	v3 =	vmul.f32 v3, v6  }
0xeb: {  	v2 =	vmul.f32 v2, v6;
	v5 =	vmul.f32 v5, v6  }
0xec: {  	[tilespmem:s8+$0xFFFFFFE0] =	vst v3  }
0xed: {  	[tilespmem:s8+$0xFFFFFFB0] =	vst v4  }
0xee: {  	[tilespmem:s8+$0xFFFFFFC0] =	vst v5  }
0xef: {  	[tilespmem:s8+$0xFFFFFFD0] =	vst v2;
	v2 =	vld [tilespmem:s8+$0x40]  }
0xf0: {  	v3 =	vld [tilespmem:s13+$0x780];
	_ =	sdelay $0x4  }
0xf1: {  	v2 =	vadd.f32 v3, v2;
	_ =	sdelay $0x1  }
0xf2: {  	v3 =	vmul.f32 $2.000000030e-01, v2  }
0xf3: {  	vm0 =	vgt.f32 v2, $0.0e+00  }
0xf4: {  	v2 =	vsel vm0, v2, v3  }
0xf5: {  	v2 =	vmul.f32 $1.442695020e+00, v2;
	_ =	sdelay $0x1  }
0xf6: {  	(erf) = vpow2.f32 v2;
	_ =	sdelay $0x4  }
0xf7: {  	v5 =	vld [tilespmem:s8+$0x0]  }
.Ltmp2:
0xf8: {  	v2 =	vld [tilespmem:s8+$0x30];
	(pc) =	sbr.rel @p0 .LBB2_7-.Ltmp2, $4  }
0xf9: {  	v4 =	vld [tilespmem:s8+$0x10]  }
0xfa: {  	v3 =	vld [tilespmem:s8+$0x20]  }
0xfb: {  	v6 =	vpop (erf)  }
0xfc: {  	[tilespmem:s8+$0x40] =	vst v6;
	v6 =	vperm.xlane v6, v1  }
0xfd: {  	_ = 	snop  }
0xfe: {  	s4 =	sadd.s32 $0x1, s4;
	v5 =	vmul.f32 v5, v6  }
0xff: {  	v4 =	vmul.f32 v4, v6;
	p0 =	sne.s32 s4, $0x36  }
.Ltmp3:
0x100: {  	v2 =	vmul.f32 v2, v6;
	[tilespmem:s9+$0x0] =	vst v5;
	(pc) =	sbr.rel @p0 .LBB2_4-.Ltmp3, $4  }
0x101: {  	v3 =	vmul.f32 v3, v6;
	[tilespmem:s9+$0x10] =	vst v4  }
0x102: {  	[tilespmem:s9+$0x30] =	vst v2  }
0x103: {  	[tilespmem:s9+$0x20] =	vst v3  }
0x104: {  	[spmem:s3] =	stream.indirect.scatter.add.f32 [tilespmem:s24], [sflag:$0x4], $0x50, s26, s21, $0xb8;
	[tilespmem:$0x11180] =	vst v63  }
0x105: {  	_ =	swait.ge [sflag:s31], $0x1E00  }
0x106: {  	[sflag:s31] =	ssyncset.done $0x0  }
0x107: {  	[sflag:s31] =	ssyncadd.s32 $0xFFFFE200  }
0x108: {  	_ =	swait.ge [sflag:s0], $0x1E00  }
0x109: {  	[sflag:s0] =	ssyncset.done $0x0  }
0x10a: {  	s4 =	stileid.u32;
	[sflag:s0] =	ssyncadd.s32 $0xFFFFE200  }
0x10b: {  	s4 =	sshll.u32 s4, $0x6;
	[bflag:$0x0] =	sbarrier.arrive $0xFFFF  }
0x10c: {  	s4 =	sor.u32 $0x1C05, s4;
	s8 =	rddreg [dreg:$0x6]  }
0x10d: {  	[hbm:s8], [sflag:s4] =	dma.local [spmem:s25], $0x1900  }
0x10e: {  	_ =	swait.ge [sflag:s20], $0x1900  }
0x10f: {  	s22 =	sadd.s32 $0x1, s22;
	s14 =	rddreg [dreg:$0x7]  }
0x110: {  	p0 =	sne.s32 s22, s14  }
.Ltmp4:
0x111: {  	_ = 	snop;
	(pc) =	sbr.rel @p0 .LBB2_1-.Ltmp4, $3  }
0x112: {  	_ =	sdelay $0x1  }
0x113: {  	[sflag:s20] =	ssyncset.done $0x0  }
0x114: {  	[sflag:s20] =	ssyncadd.s32 $0xFFFFE700  }
0x115: {  	_ =	sfence.sel $0x180000  }
0x116: {  	[bflag:$0x0] =	sbarrier.arrive $0xFFFF  }
0x117: {  	_ =	strace $0x9000004A  }
0x118: {  	s0 =	stileid.u32;
	[bflag:$0x2] =	sbarrier.arrive $0xFFFF  }
0x119: {  	p0 =	sne.s32 s0, $0x0;
	s0 =	rddreg [dreg:$0x3]  }
0x11a: {  	s0 =	sadd.s32 @!p0 $0x100000, s0  }
0x11b: {  	[sflag:s0] =	ssyncadd.tile.s32 @!p0 $0x1;
	_ =	shalt  }
.Lfunc_end2:
_tile_overlayer_lowered:
.L_overlay_start_2:
0x11c: {  	(tag) =	ssettag $0x2  }
0x11d: {  	s0 =	rddreg [dreg:$0x0];
	s2 =	stileid.u32  }
0x11e: {  	s1 =	rddreg [dreg:$0x1];
	p0 =	sne.s32 s2, $0x0  }
0x11f: {  	s3 =	rddreg [dreg:$0x2];
	[bflag:$0x3] =	sbarrier.arrive $0xFFFF;
	s2 =	simm.s32 @!p0 $0x1C05  }
0x120: {  	[timem:s3], [sflag:s2] =	dma.local @!p0 [hbm:s0], s1  }
0x121: {  	s0 =	simm.s32 @!p0 $0x5  }
0x122: {  	_ =	swait.ge @!p0 [sflag:s0], s1  }
0x123: {  	s1 =	ssub.s32 @!p0 $0x0, s1;
	[sflag:s0] =	ssyncset.done @!p0 $0x0  }
0x124: {  	[sflag:s0] =	ssyncadd.s32 @!p0 s1  }
0x125: {  	[bflag:$0x3] =	sbarrier.arrive $0xFFFF  }
0x126: {  	_ =	shalt  }

// kernel: kernel.7.cloned.1.call-start
scs
__scs_entry_jumppad:
0x0: {  	(pc) =	sbr.rel $0x88, $3  }
0x1: {  	(tag) =	ssettag $0x0;
	lr =	simm.s32 $0x1  }
0x2: {  	[smem:$0x3F97] =	sst lr;
	_ =	strace $0xD0000000  }
0x3: {  	_ = 	snop  }
0x4: {  	_ = 	snop  }
0x5: {  	_ = 	snop  }
0x6: {  	_ = 	snop  }
0x7: {  	_ = 	snop  }
__scs_overlays_trampoline_lowered:
0x8: {  	[smem:$0x3FA6] =	sst s0  }
0x9: {  	[smem:$0x3FA7] =	sst s1  }
0xa: {  	[smem:$0x3FA8] =	sst s2  }
0xb: {  	[smem:$0x3FA9] =	sst s3  }
0xc: {  	[smem:$0x3FAA] =	sst s4  }
0xd: {  	[smem:$0x3FAB] =	sst s5  }
0xe: {  	[smem:$0x3FAC] =	sst s6  }
0xf: {  	[smem:$0x3FAD] =	sst s7  }
0x10: {  	[smem:$0x3FAE] =	sst s8  }
0x11: {  	[smem:$0x3FAF] =	sst s9;
	s0 =	simm.s32 @!p0 $0x0  }
0x12: {  	s1 =	sld [smem:$0x3F95];
	s0 =	simm.s32 @p0 $0x1  }
0x13: {  	[smem:$0x3FB0] =	sst s0;
	s0 =	simm.s32 @!p1 $0x0  }
0x14: {  	s2 =	sld [smem:$0x3F94];
	s0 =	simm.s32 @p1 $0x1  }
0x15: {  	[smem:$0x3FB1] =	sst s0;
	s0 =	simm.s32 @!p2 $0x0  }
0x16: {  	s3 =	sld [smem:$0x3FDB];
	s0 =	simm.s32 @p2 $0x1  }
0x17: {  	s4 =	simm.s32 $0x1BF5;
	[smem:$0x3FB3] =	sst s0  }
0x18: {  	s0 =	sld [smem:$0x3F96];
	_ =	swait.ge [sflag:s4], $0x0  }
0x19: {  	s7 =	sld [smem:$0x3F97]  }
0x1a: {  	s8 =	sadd.s32 $0xFFFFE003, lr  }
0x1b: {  	s9 =	sadd.s32 $0xFFFFFEF7, lr;
	s5 =	simm.s32 $0xFFFFFFFF;
	p2 =	slt.u32 s8, $0xFFFFF086  }
0x1c: {  	p1 =	slt.u32 s9, $0xF7A;
	s5 =	simm.s32 @!p2 $0x0  }
0x1d: {  	s5 =	simm.s32 @p1 $0x1;
	p0 =	seq.s32 s7, s2  }
0x1e: {  	s7 =	smul.u32 @!p0 $0xF7A, s2;
	p2 =	seq.s32 @!p0 s5, $0x0  }
0x1f: {  	s9 =	smul.u32 $0xF7A, s1;
	s8 =	simm.s32 @!p0 $0x1BF5;
	p2 =	por !p2, p0  }
0x20: {  	[sflag:s8] =	ssyncset.s32 @!p0 $0xFFFFF086;
	s6 =	sadd.s32 @!p0 s3, s7;
	s7 =	simm.s32 @!p0 $0x108  }
0x21: {  	s3 =	sadd.s32 s3, s9;
	s6 =	sadd.s32 @!p0 $0x88, s6;
	s7 =	simm.s32 @p2 $0x1082  }
0x22: {  	[simem:s7], [sflag:s8] =	dma.local @!p0 [hbm:s6], $0xF7A  }
0x23: {  	s9 =	sor.u32 $0xD0000000, s2;
	s6 =	simm.s32 $0x108;
	_ =	swait.ge @!p0 [sflag:s8], $0x0  }
0x24: {  	s3 =	sadd.s32 $0x88, s3;
	s6 =	simm.s32 @!p1 $0x1082;
	[sflag:s4] =	ssyncset.s32 $0xFFFFF086  }
0x25: {  	[simem:s6], [sflag:s4] =	dma.local [hbm:s3], $0xF7A  }
0x26: {  	[smem:$0x3F97] =	sst s1;
	(tag) =	ssettag s2;
	_ =	strace s9  }
0x27: {  	s1 =	sld [smem:$0x3FA7]  }
0x28: {  	s2 =	sld [smem:$0x3FA8]  }
0x29: {  	s4 =	sld [smem:$0x3FAA]  }
0x2a: {  	p0 =	seq.s32 s5, $0x0;
	s5 =	sld [smem:$0x3FAB]  }
0x2b: {  	s6 =	sld [smem:$0x3FAC]  }
0x2c: {  	s7 =	sld [smem:$0x3FAD]  }
0x2d: {  	s3 =	simm.s32 $0x108;
	s8 =	sld [smem:$0x3FAE]  }
0x2e: {  	s3 =	simm.s32 @!p0 $0x1082;
	s9 =	sld [smem:$0x3FAF]  }
0x2f: {  	lr =	sadd.s32 s0, s3;
	s0 =	sld [smem:$0x3FA6]  }
0x30: {  	s3 =	sld [smem:$0x3FA9]  }
0x31: {  	[smem:$0x3FB2] =	sst s10  }
0x32: {  	s10 =	sld [smem:$0x3FB0];
	_ =	sdelay $0x3  }
0x33: {  	p0 =	seq.s32 s10, $0x1;
	s10 =	sld [smem:$0x3FB2];
	_ =	sdelay $0x3  }
0x34: {  	[smem:$0x3FB2] =	sst s10  }
0x35: {  	s10 =	sld [smem:$0x3FB1];
	_ =	sdelay $0x3  }
0x36: {  	p1 =	seq.s32 s10, $0x1;
	s10 =	sld [smem:$0x3FB2];
	_ =	sdelay $0x3  }
0x37: {  	[smem:$0x3FB2] =	sst s10  }
0x38: {  	s10 =	sld [smem:$0x3FB3]  }
0x39: {  	_ = 	snop;
	(pc) =	sbr.ind lr, $3  }
0x3a: {  	_ = 	snop  }
0x3b: {  	_ = 	snop  }
0x3c: {  	p2 =	seq.s32 s10, $0x1;
	s10 =	sld [smem:$0x3FB2]  }
0x3d: {  	_ =	shalt  }
0x3e: {  	_ =	shalt  }
0x3f: {  	_ =	shalt  }
0x40: {  	_ =	shalt  }
0x41: {  	_ =	shalt  }
0x42: {  	_ =	shalt  }
0x43: {  	_ =	shalt  }
0x44: {  	_ =	shalt  }
0x45: {  	_ =	shalt  }
0x46: {  	_ =	shalt  }
0x47: {  	_ =	shalt  }
0x48: {  	_ =	shalt  }
0x49: {  	_ =	shalt  }
0x4a: {  	_ =	shalt  }
0x4b: {  	_ =	shalt  }
0x4c: {  	_ =	shalt  }
0x4d: {  	_ =	shalt  }
0x4e: {  	_ =	shalt  }
0x4f: {  	_ =	shalt  }
0x50: {  	_ =	shalt  }
0x51: {  	_ =	shalt  }
0x52: {  	_ =	shalt  }
0x53: {  	_ =	shalt  }
0x54: {  	_ =	shalt  }
0x55: {  	_ =	shalt  }
0x56: {  	_ =	shalt  }
0x57: {  	_ =	shalt  }
0x58: {  	_ =	shalt  }
0x59: {  	_ =	shalt  }
0x5a: {  	_ =	shalt  }
0x5b: {  	_ =	shalt  }
0x5c: {  	_ =	shalt  }
0x5d: {  	_ =	shalt  }
0x5e: {  	_ =	shalt  }
0x5f: {  	_ =	shalt  }
0x60: {  	_ =	shalt  }
0x61: {  	_ =	shalt  }
0x62: {  	_ =	shalt  }
0x63: {  	_ =	shalt  }
0x64: {  	_ =	shalt  }
0x65: {  	_ =	shalt  }
0x66: {  	_ =	shalt  }
0x67: {  	_ =	shalt  }
0x68: {  	_ =	shalt  }
0x69: {  	_ =	shalt  }
0x6a: {  	_ =	shalt  }
0x6b: {  	_ =	shalt  }
0x6c: {  	_ =	shalt  }
0x6d: {  	_ =	shalt  }
0x6e: {  	_ =	shalt  }
0x6f: {  	_ =	shalt  }
0x70: {  	_ =	shalt  }
0x71: {  	_ =	shalt  }
0x72: {  	_ =	shalt  }
0x73: {  	_ =	shalt  }
0x74: {  	_ =	shalt  }
0x75: {  	_ =	shalt  }
0x76: {  	_ =	shalt  }
0x77: {  	_ =	shalt  }
0x78: {  	_ =	shalt  }
0x79: {  	_ =	shalt  }
0x7a: {  	_ =	shalt  }
0x7b: {  	_ =	shalt  }
0x7c: {  	_ =	shalt  }
0x7d: {  	_ =	shalt  }
0x7e: {  	_ =	shalt  }
0x7f: {  	_ =	shalt  }
0x80: {  	_ =	shalt  }
0x81: {  	_ =	shalt  }
0x82: {  	_ =	shalt  }
0x83: {  	_ =	shalt  }
0x84: {  	_ =	shalt  }
0x85: {  	_ =	shalt  }
0x86: {  	_ =	shalt  }
0x87: {  	_ =	shalt  }
.Lfunc_end0:
.L_simem_size_0:
called_computation_lowered:
.L_overlay_start_0:
0x88: {  	s2 =	sld [smem:$0x3FD9]  }
0x89: {  	s3 =	sld [smem:$0x3FFE];
	_ =	sdelay $0x1  }
0x8a: {  	s1 =	srdreg.scid  }
0x8b: {  	s0 =	sand.u32 $0x1, s1  }
0x8c: {  	s17 =	sshll.u32 s0, $0xA;
	s2 =	sadd.s32 s3, s2  }
0x8d: {  	s2 =	sadd.s32 s2, s17  }
0x8e: {  	[smem:$0x3FBE] =	sst s2  }
0x8f: {  	_ = 	snop  }
0x90: {  	s2 =	sld [smem:$0x3FD0];
	(tm) =	ssettm $0x1  }
0x91: {  	s18 =	sld [smem:$0x3FFB];
	_ =	sdelay $0x3  }
0x92: {  	_ =	strace s18  }
0x93: {  	s3 =	sld [smem:$0x3FFC];
	_ =	sdelay $0x3  }
0x94: {  	_ =	strace s3  }
0x95: {  	s3 =	sld [smem:$0x3FFD];
	_ =	sdelay $0x3  }
0x96: {  	_ =	strace s3  }
0x97: {  	_ =	strace $0x8FFFFFFF  }
0x98: {  	s19 =	sld [smem:$0x3FDB];
	_ =	sdelay $0x1  }
0x99: {  	s4 =	simm.s32 $_scs_section_size  }
0x9a: {  	s5 =	simm.s32 $_size__tile_overlayer_lowered;
	s6 =	simm.s32 $_tile_overlayer_lowered  }
0x9b: {  	s22 =	simm.s32 $0x1BFF;
	s21 =	sshll.u32 s6, $0x1;
	s3 =	sadd.s32 s4, s19  }
0x9c: {  	s7 =	simm.s32 $0x0;
	s20 =	sshll.u32 s5, $0x1;
	s5 =	sadd.s32 s21, s3  }
0x9d: {  	[timem:s7], [sflag:s22] =	dma.local [hbm:s5], s20  }
0x9e: {  	_ =	swait.ge [sflag:s22], s20  }
0x9f: {  	s4 =	ssub.s32 $0x0, s20;
	[sflag:s22] =	ssyncset.done $0x0  }
0xa0: {  	[sflag:s22] =	ssyncadd.s32 s4;
	_ =	sdelay $0x1  }
0xa1: {  	s23 =	simm.s32 $0x1B8B  }
0xa2: {  	_ =	swait.ge [sflag:s23], $0x1  }
0xa3: {  	[sflag:s23] =	ssyncset.done $0x0  }
0xa4: {  	s25 =	simm.s32 $0x1B8E;
	s24 =	sld [smem:$0x3FFE];
	[sflag:s23] =	ssyncadd.s32 $0xFFFFFFFF  }
0xa5: {  	s26 =	simm.s32 $execute0_lowered;
	[smem:$0x3FD2] =	sst s25  }
0xa6: {  	s5 =	sshll.u32 s26, $0x1;
	_ =	strace $0x80000046;
	[dreg:$0x1] =	wrdreg $0xFFFFFFFF  }
0xa7: {  	s28 =	simm.s32 $_size_execute0_lowered;
	s3 =	sadd.s32 s3, s5;
	[dreg:$0x0] =	wrdreg $0x0  }
0xa8: {  	s5 =	sshll.u32 s28, $0x1;
	[dreg:$0x2] =	wrdreg s3  }
0xa9: {  	[dreg:$0x3] =	wrdreg s5  }
0xaa: {  	[dreg:$0x4] =	wrdreg $0xC0  }
0xab: {  	_ =	task [dreg:s7], $0x5FFFF  }
0xac: {  	[dreg:$0x1] =	wrdreg $0xFFFFFFFF  }
0xad: {  	[dreg:$0x0] =	wrdreg $0x60  }
0xae: {  	[dreg:$0x2] =	wrdreg s24  }
0xaf: {  	[dreg:$0x3] =	wrdreg s2  }
0xb0: {  	[dreg:$0x4] =	wrdreg $0x79800  }
0xb1: {  	[dreg:$0x5] =	wrdreg $0x9  }
0xb2: {  	_ =	task.clear_ibuf [dreg:s7], $0x6FFFF;
	_ =	strace $0x90000046  }
0xb3: {  	s29 =	simm.s32 $0x9;
	_ =	strace $0x80000048  }
0xb4: {  	_ =	swait.ge [sflag:s29], $0x1  }
0xb5: {  	[sflag:s29] =	ssyncadd.s32 $0xFFFFFFFF  }
0xb6: {  	_ =	strace $0x90000048  }
0xb7: {  	_ =	sfence  }
0xb8: {  	s30 =	sld [smem:$0x0];
	_ =	sdelay $0x2  }
0xb9: {  	s31 =	sshll.u32 s1, $0xD;
	s1 =	sshrl.u32 s1, $0x2  }
0xba: {  	s3 =	sand.u32 $0x4000, s31;
	s1 =	sadd.s32 s1, s30  }
0xbb: {  	s0 =	sor.u32 s3, s0;
	s1 =	sshll.u32 s1, $0x11  }
0xbc: {  	s0 =	sor.u32 s1, s0  }
0xbd: {  	s0 =	sadd.s32 $0x8F2B, s0  }
0xbe: {  	[sflag:s0] =	ssyncadd.remote.s32 $0x1  }
0xbf: {  	_ =	sfence.sel $0xFFFF  }
0xc0: {  	[dreg:$0x0] =	wrdreg $0xFFFFFFFF;
	(pc) =	sbr.abs _section_cstart, $3  }
0xc1: {  	[dreg:$0x1] =	wrdreg $0xFFFFFFFF  }
0xc2: {  	_ =	task.clear_ibuf [dreg:s7], $0x2FFFF;
	_ =	strace $0x9FFFFFFF  }
0xc3: {  	(tm) =	ssettm $0x7FFFFFFF  }
tec
execute0_lowered:
.L_overlay_start_1:
0x0: {  	(tag) =	ssettag $0x1  }
0x1: {  	s1 =	rddreg [dreg:$0x0]  }
0x2: {  	s2 =	rddreg [dreg:$0x1]  }
0x3: {  	s3 =	rddreg [dreg:$0x2];
	s0 =	srdreg.scid  }
0x4: {  	s5 =	simm.s32 $0x0;
	s9 =	stileid.u32;
	s19 =	simm.s32 $0xD80  }
0x5: {  	s20 =	simm.s32 $0x5;
	s28 =	simm.s32 $0x780;
	s29 =	simm.s32 $0x1  }
0x6: {  	s30 =	simm.s32 $0x2;
	s0 =	sand.u32 $0x1, s0;
	s8 =	smul.u32 $0x16800, s9  }
0x7: {  	[smem:$0x7FF] =	sst s5;
	s6 =	sshll.u32 s9, $0x1;
	s9 =	smul.u32 $0x5A000, s9  }
0x8: {  	s31 =	simm.s32 $0x3;
	s4 =	smul.u32 $0x168000, s0;
	_ =	strace $0x80000047  }
0x9: {  	s7 =	sor.u32 s0, s6;
	s6 =	sadd.s32 $0x2D000, s1;
	s0 =	ssub.s32 $0x2, s0  }
0xa: {  	s11 =	smul.u32 $0x5100, s7;
	s21 =	sshrl.u32 s9, $0x2;
	s22 =	sshrl.u32 s0, $0x1  }
0xb: {  	s25 =	sadd.s32 s8, s3;
	s4 =	sadd.s32 s8, s4;
	s7 =	sadd.s32 s21, s3  }
0xc: {  	s0 =	ssub.s32 s0, s22;
	s21 =	simm.s32 $0x60;
	s25 =	sshrl.u32 s25, $0x3  }
0xd: {  	s22 =	simm.s32 $0x0;
	s4 =	sshrl.u32 s4, $0x3;
	s10 =	sshrl.u32 s11, $0x3  }
0xe: {  	s23 =	sadd.s32 $0x14400, s7;
	s0 =	smax.u32 s0, $0x1;
	s26 =	sadd.s32 $0x3600, s7  }
0xf: {  	s15 =	sadd.s32 $0x6C00, s7;
	s16 =	sadd.s32 $0xA200, s7;
	s17 =	sadd.s32 $0xD800, s7  }
0x10: {  	s18 =	sadd.s32 $0x10E00, s7;
	s4 =	sadd.s32 s4, s1;
	[dreg:$0x4] =	wrdreg s23  }
0x11: {  	s24 =	sadd.s32 s6, s10;
	s10 =	sor.u32 $0xC0, s11;
	[dreg:$0x7] =	wrdreg s0  }
0x12: {  	s11 =	sadd.s32 $0x180, s11;
	[dreg:$0x8] =	wrdreg s26;
	s23 =	simm.s32 $0xC0  }
0x13: {  	v0 =	vimm.f32 $0.0e+00;
	v1 =	vimm.s32 $0x0;
	s26 =	simm.s32 $0x120;
	[dreg:$0x5] =	wrdreg s24;
	s4 =	sadd.s32 $0x41400, s4  }
0x14: {  	v2 =	vimm.s32 $0x1;
	v3 =	vimm.s32 $0x2;
	v4 =	vimm.s32 $0x3;
	s0 =	simm.s32 $0x4;
	s24 =	simm.s32 $0x4380;
	[dreg:$0x6] =	wrdreg s4  }
.LBB2_1:
0x15: {  	s4 =	simm.s32 $0x0;
	s8 =	simm.s32 $0x240  }
.LBB2_2:
0x16: {  	p0 =	sne.s32 s8, $0xD5C0;
	[tilespmem:s4+$0xE00] =	vst v0  }
0x17: {  	[tilespmem:s4+$0xD80] =	vst v0  }
0x18: {  	[tilespmem:s4+$0xD90] =	vst v0  }
0x19: {  	[tilespmem:s4+$0xDA0] =	vst v0  }
.Ltmp0:
0x1a: {  	[tilespmem:s4+$0xDB0] =	vst v0;
	(pc) =	sbr.rel @p0 .LBB2_2-.Ltmp0, $4  }
0x1b: {  	[tilespmem:s4+$0xDC0] =	vst v0  }
0x1c: {  	[tilespmem:s4+$0xDD0] =	vst v0  }
0x1d: {  	[tilespmem:s4+$0xDE0] =	vst v0  }
0x1e: {  	[tilespmem:s4+$0xDF0] =	vst v0;
	s4 =	sshra.s32 s8, $0x2;
	s8 =	sadd.s32 $0x240, s8  }
0x1f: {  	[tilespmem:s4+$0xE00] =	vst v0  }
0x20: {  	[tilespmem:s4+$0xD80] =	vst v0  }
0x21: {  	[tilespmem:s4+$0xD90] =	vst v0  }
0x22: {  	[tilespmem:s4+$0xDA0] =	vst v0  }
0x23: {  	[tilespmem:s4+$0xDB0] =	vst v0  }
0x24: {  	[tilespmem:s4+$0xDC0] =	vst v0  }
0x25: {  	[tilespmem:s4+$0xDD0] =	vst v0  }
0x26: {  	[tilespmem:s4+$0xDE0] =	vst v0  }
0x27: {  	[tilespmem:s4+$0xDF0] =	vst v0  }
0x28: {  	[spmem:s7] =	stream.linear.scatter [tilespmem:s19], [sflag:$0x5], $0x3600, $0x38;
	[tilespmem:$0x1E180] =	vst v63  }
0x29: {  	_ =	swait.ge [sflag:s20], $0x3600  }
0x2a: {  	[sflag:s20] =	ssyncset.done $0x0  }
0x2b: {  	s12 =	rddreg [dreg:$0x8];
	[sflag:s20] =	ssyncadd.s32 $0xFFFFCA00  }
0x2c: {  	[spmem:s12] =	stream.linear.scatter [tilespmem:s19], [sflag:$0x5], $0x3600, $0x38;
	[tilespmem:$0x1E180] =	vst v63  }
0x2d: {  	_ =	swait.ge [sflag:s20], $0x3600  }
0x2e: {  	[sflag:s20] =	ssyncset.done $0x0  }
0x2f: {  	[sflag:s20] =	ssyncadd.s32 $0xFFFFCA00  }
0x30: {  	[spmem:s15] =	stream.linear.scatter [tilespmem:s19], [sflag:$0x5], $0x3600, $0x38;
	[tilespmem:$0x1E180] =	vst v63  }
0x31: {  	_ =	swait.ge [sflag:s20], $0x3600  }
0x32: {  	[sflag:s20] =	ssyncset.done $0x0  }
0x33: {  	[sflag:s20] =	ssyncadd.s32 $0xFFFFCA00  }
0x34: {  	[spmem:s16] =	stream.linear.scatter [tilespmem:s19], [sflag:$0x5], $0x3600, $0x38;
	[tilespmem:$0x1E180] =	vst v63  }
0x35: {  	_ =	swait.ge [sflag:s20], $0x3600  }
0x36: {  	[sflag:s20] =	ssyncset.done $0x0  }
0x37: {  	[sflag:s20] =	ssyncadd.s32 $0xFFFFCA00  }
0x38: {  	[spmem:s17] =	stream.linear.scatter [tilespmem:s19], [sflag:$0x5], $0x3600, $0x38;
	[tilespmem:$0x1E180] =	vst v63  }
0x39: {  	_ =	swait.ge [sflag:s20], $0x3600  }
0x3a: {  	[sflag:s20] =	ssyncset.done $0x0  }
0x3b: {  	[sflag:s20] =	ssyncadd.s32 $0xFFFFCA00  }
0x3c: {  	[spmem:s18] =	stream.linear.scatter [tilespmem:s19], [sflag:$0x5], $0x3600, $0x38;
	[tilespmem:$0x1E180] =	vst v63  }
0x3d: {  	_ =	swait.ge [sflag:s20], $0x3600  }
0x3e: {  	[sflag:s20] =	ssyncset.done $0x0  }
0x3f: {  	s13 =	rddreg [dreg:$0x4];
	[sflag:s20] =	ssyncadd.s32 $0xFFFFCA00  }
0x40: {  	[spmem:s13] =	stream.linear.scatter [tilespmem:s19], [sflag:$0x5], $0x2400, $0x38;
	[tilespmem:$0x1E180] =	vst v63  }
0x41: {  	_ =	swait.ge [sflag:s20], $0x2400  }
0x42: {  	[sflag:s20] =	ssyncset.done $0x0  }
0x43: {  	[sflag:s20] =	ssyncadd.s32 $0xFFFFDC00  }
0x44: {  	[bflag:$0x0] =	sbarrier.arrive $0xFFFF  }
0x45: {  	s4 =	simm.s32 $0x0;
	s8 =	rddreg [dreg:$0x5]  }
0x46: {  	[tilespmem:s4], [sflag:$0x5] =	stream.linear.gather [hbm4b:s8+s4], $0xC0, $0x38;
	[tilespmem:$0x1E180] =	vst v63  }
0x47: {  	_ =	swait.ge [sflag:s20], $0xC0  }
0x48: {  	[sflag:s20] =	ssyncset.done $0x0  }
0x49: {  	[sflag:s20] =	ssyncadd.s32 $0xFFFFFF40  }
0x4a: {  	[tilespmem:s19], [sflag:$0x1] =	stream.indirect.gather [hbm4b:s1+s21], $0x90, s4, s21, $0xb8;
	[tilespmem:$0x1E180] =	vst v63  }
0x4b: {  	s14 =	simm.s32 $0x180  }
0x4c: {  	[tilespmem:s14], [sflag:$0x1] =	stream.indirect.gather [hbm4b:s2+s21], $0x10, s21, s21, $0xb8;
	[tilespmem:$0x1E180] =	vst v63  }
.LBB2_4:
0x4d: {  	p0 =	seq.s32 s4, $0x0;
	s8 =	smul.u32 $0x180, s4  }
0x4e: {  	s9 =	simm.s32 @!p0 $0x4  }
0x4f: {  	_ =	swait.ge @!p0 [sflag:s9], $0x3600;
	s12 =	sadd.s32 s8, s10  }
0x50: {  	[sflag:s9] =	ssyncset.done @!p0 $0x0;
	s12 =	sshrl.u32 s12, $0x3  }
0x51: {  	[sflag:s9] =	ssyncadd.s32 @!p0 $0xFFFFCA00;
	s13 =	sadd.s32 s6, s12  }
0x52: {  	[tilespmem:s23], [sflag:$0x5] =	stream.linear.gather [hbm4b:s13+s5], $0xC0, $0x38;
	[tilespmem:$0x1E180] =	vst v63  }
0x53: {  	_ =	swait.ge [sflag:s20], $0xC0  }
0x54: {  	[sflag:s20] =	ssyncset.done $0x0  }
0x55: {  	[sflag:s20] =	ssyncadd.s32 $0xFFFFFF40  }
0x56: {  	[tilespmem:s24], [sflag:$0x2] =	stream.indirect.gather [hbm4b:s1+s21], $0x90, s23, s21, $0xb8;
	[tilespmem:$0x1E180] =	vst v63  }
0x57: {  	_ = 	snop  }
0x58: {  	[tilespmem:s28], [sflag:$0x2] =	stream.indirect.gather [hbm4b:s2+s21], $0x10, s26, s21, $0xb8;
	[tilespmem:$0x1E180] =	vst v63  }
0x59: {  	_ =	swait.ge [sflag:s29], $0x3600  }
0x5a: {  	[sflag:s29] =	ssyncset.done $0x0  }
0x5b: {  	[sflag:s29] =	ssyncadd.s32 $0xFFFFCA00  }
0x5c: {  	_ =	swait.ge [sflag:s29], $0x600  }
0x5d: {  	[sflag:s29] =	ssyncset.done $0x0  }
0x5e: {  	s9 =	simm.s32 $0xE10;
	[sflag:s29] =	ssyncadd.s32 $0xFFFFFA00  }
0x5f: {  	s14 =	simm.s32 $0x10;
	v5 =	vld [tilespmem:s9+$0xFFFFFFF0]  }
0x60: {  	v6 =	vld [tilespmem:s14+$0x170];
	_ =	sdelay $0x4  }
0x61: {  	v5 =	vadd.f32 v6, v5;
	_ =	sdelay $0x1  }
0x62: {  	v6 =	vmul.f32 $2.000000030e-01, v5  }
0x63: {  	vm0 =	vgt.f32 v5, $0.0e+00  }
0x64: {  	v5 =	vsel vm0, v5, v6  }
0x65: {  	v5 =	vmul.f32 $1.442695020e+00, v5;
	_ =	sdelay $0x1  }
0x66: {  	(erf) = vpow2.f32 v5;
	_ =	sdelay $0x6  }
0x67: {  	v7 =	vld [tilespmem:s9+$0xFFFFFF70]  }
0x68: {  	v8 =	vld [tilespmem:s9+$0xFFFFFFD0]  }
0x69: {  	v9 =	vld [tilespmem:s9+$0xFFFFFF90];
	v10 =	vpop (erf)  }
0x6a: {  	v11 =	vld [tilespmem:s9+$0xFFFFFFE0];
	v12 =	vperm.xlane v10, v1  }
0x6b: {  	v13 =	vld [tilespmem:s9+$0xFFFFFF80];
	v14 =	vperm.xlane v10, v4  }
0x6c: {  	v15 =	vld [tilespmem:s9+$0xFFFFFFC0];
	v16 =	vperm.xlane v10, v2;
	v7 =	vmul.f32 v7, v12  }
0x6d: {  	v17 =	vld [tilespmem:s9+$0xFFFFFFA0];
	[tilespmem:s9+$0xFFFFFFF0] =	vst v10;
	v8 =	vmul.f32 v8, v14  }
0x6e: {  	v18 =	vld [tilespmem:s9+$0xFFFFFFB0];
	v9 =	vmul.f32 v9, v16;
	[tilespmem:s9+$0xFFFFFF70] =	vst v7  }
0x6f: {  	v7 =	vperm.xlane v10, v3;
	v10 =	vmul.f32 v11, v14;
	[tilespmem:s9+$0xFFFFFFD0] =	vst v8  }
0x70: {  	v8 =	vmul.f32 v13, v12;
	[tilespmem:s9+$0xFFFFFF90] =	vst v9  }
0x71: {  	v9 =	vmul.f32 v15, v7;
	[tilespmem:s9+$0xFFFFFFE0] =	vst v10  }
0x72: {  	v10 =	vmul.f32 v17, v16;
	[tilespmem:s9+$0xFFFFFF80] =	vst v8  }
0x73: {  	v7 =	vmul.f32 v18, v7;
	[tilespmem:s9+$0xFFFFFFC0] =	vst v9  }
0x74: {  	[tilespmem:s9+$0xFFFFFFA0] =	vst v10  }
0x75: {  	[tilespmem:s9+$0xFFFFFFB0] =	vst v7;
	v7 =	vld [tilespmem:s9+$0x80]  }
0x76: {  	v8 =	vld [tilespmem:s14+$0x180];
	_ =	sdelay $0x4  }
0x77: {  	v7 =	vadd.f32 v8, v7;
	_ =	sdelay $0x1  }
0x78: {  	v8 =	vmul.f32 $2.000000030e-01, v7  }
0x79: {  	vm15 =	vgt.f32 v7, $0.0e+00  }
0x7a: {  	v7 =	vsel vm15, v7, v8  }
0x7b: {  	v8 =	vmul.f32 $1.442695020e+00, v7;
	_ =	sdelay $0x1  }
0x7c: {  	(erf) = vpow2.f32 v8;
	_ =	sdelay $0x1  }
0x7d: {  	v6 =	vld [tilespmem:s9+$0x0]  }
0x7e: {  	v5 =	vld [tilespmem:s9+$0x10]  }
0x7f: {  	v7 =	vld [tilespmem:s9+$0x40]  }
0x80: {  	s12 =	simm.s32 $0xC0;
	s13 =	simm.s32 $0xE10;
	v8 =	vld [tilespmem:s9+$0x50]  }
.LBB2_5:
0x81: {  	p0 =	sne.s32 s12, $0x17C0  }
0x82: {  	v9 =	vld [tilespmem:s9+$0x60];
	s13 =	sadd.s32 $0x120, s13;
	s14 =	smov.u32 s12;
	s12 =	sadd.s32 $0x80, s12  }
0x83: {  	v10 =	vld [tilespmem:s9+$0x20]  }
0x84: {  	v11 =	vld [tilespmem:s9+$0x30];
	v12 =	vpop (erf)  }
0x85: {  	[tilespmem:s9+$0x80] =	vst v12;
	v13 =	vperm.xlane v12, v1;
	v14 =	vperm.xlane v12, v2;
	v15 =	vld [tilespmem:s9+$0x70]  }
0x86: {  	v16 =	vperm.xlane v12, v3;
	v12 =	vperm.xlane v12, v4  }
0x87: {  	v6 =	vmul.f32 v6, v13;
	v5 =	vmul.f32 v5, v13  }
0x88: {  	v8 =	vmul.f32 v8, v16;
	v9 =	vmul.f32 v9, v12  }
0x89: {  	v10 =	vmul.f32 v10, v14;
	[tilespmem:s9+$0x10] =	vst v5;
	v11 =	vmul.f32 v11, v14  }
0x8a: {  	v7 =	vmul.f32 v7, v16;
	v5 =	vld [tilespmem:s13+$0x10];
	[tilespmem:s9+$0x0] =	vst v6;
	v12 =	vmul.f32 v15, v12  }
0x8b: {  	v6 =	vld [tilespmem:s13+$0x0];
	[tilespmem:s9+$0x50] =	vst v8  }
0x8c: {  	[tilespmem:s9+$0x60] =	vst v9  }
0x8d: {  	[tilespmem:s9+$0x40] =	vst v7  }
0x8e: {  	[tilespmem:s9+$0x20] =	vst v10  }
0x8f: {  	[tilespmem:s9+$0x70] =	vst v12  }
0x90: {  	s14 =	sshra.s32 s14, $0x2;
	v7 =	vld [tilespmem:s13+$0xFFFFFFF0];
	[tilespmem:s9+$0x30] =	vst v11;
	s9 =	smov.u32 s13  }
0x91: {  	v8 =	vld [tilespmem:s14+$0x170];
	_ =	sdelay $0x4  }
0x92: {  	v7 =	vadd.f32 v8, v7;
	_ =	sdelay $0x1  }
0x93: {  	v8 =	vmul.f32 $2.000000030e-01, v7  }
0x94: {  	vm0 =	vgt.f32 v7, $0.0e+00  }
0x95: {  	v7 =	vsel vm0, v7, v8  }
0x96: {  	v7 =	vmul.f32 $1.442695020e+00, v7;
	_ =	sdelay $0x1  }
0x97: {  	(erf) = vpow2.f32 v7;
	_ =	sdelay $0x2  }
0x98: {  	v7 =	vld [tilespmem:s13+$0xFFFFFFA0]  }
0x99: {  	v8 =	vld [tilespmem:s13+$0xFFFFFFC0]  }
0x9a: {  	v9 =	vld [tilespmem:s13+$0xFFFFFFE0]  }
0x9b: {  	v10 =	vld [tilespmem:s13+$0xFFFFFFD0]  }
0x9c: {  	v11 =	vld [tilespmem:s13+$0xFFFFFF70]  }
0x9d: {  	v12 =	vld [tilespmem:s13+$0xFFFFFF90]  }
0x9e: {  	v13 =	vld [tilespmem:s13+$0xFFFFFFB0];
	v14 =	vpop (erf)  }
0x9f: {  	[tilespmem:s13+$0xFFFFFFF0] =	vst v14;
	v15 =	vperm.xlane v14, v1;
	v16 =	vld [tilespmem:s13+$0xFFFFFF80];
	v17 =	vperm.xlane v14, v4  }
0xa0: {  	v18 =	vperm.xlane v14, v2;
	v14 =	vperm.xlane v14, v3  }
0xa1: {  	v11 =	vmul.f32 v11, v15;
	v10 =	vmul.f32 v10, v17  }
0xa2: {  	v9 =	vmul.f32 v9, v17;
	v12 =	vmul.f32 v12, v18  }
0xa3: {  	v8 =	vmul.f32 v8, v14;
	[tilespmem:s13+$0xFFFFFF70] =	vst v11;
	v11 =	vmul.f32 v13, v14  }
0xa4: {  	v7 =	vmul.f32 v7, v18;
	v13 =	vmul.f32 v16, v15;
	[tilespmem:s13+$0xFFFFFFD0] =	vst v10  }
0xa5: {  	[tilespmem:s13+$0xFFFFFF90] =	vst v12  }
0xa6: {  	[tilespmem:s13+$0xFFFFFFE0] =	vst v9  }
0xa7: {  	[tilespmem:s13+$0xFFFFFF80] =	vst v13  }
0xa8: {  	[tilespmem:s13+$0xFFFFFFC0] =	vst v8  }
0xa9: {  	[tilespmem:s13+$0xFFFFFFA0] =	vst v7  }
0xaa: {  	[tilespmem:s13+$0xFFFFFFB0] =	vst v11;
	v7 =	vld [tilespmem:s13+$0x80]  }
0xab: {  	v8 =	vld [tilespmem:s14+$0x180];
	_ =	sdelay $0x4  }
0xac: {  	v7 =	vadd.f32 v8, v7;
	_ =	sdelay $0x1  }
0xad: {  	v8 =	vmul.f32 $2.000000030e-01, v7  }
0xae: {  	vm0 =	vgt.f32 v7, $0.0e+00  }
0xaf: {  	v7 =	vsel vm0, v7, v8  }
0xb0: {  	v7 =	vmul.f32 $1.442695020e+00, v7;
	_ =	sdelay $0x1  }
0xb1: {  	(erf) = vpow2.f32 v7;
	_ =	sdelay $0x1  }
.Ltmp1:
0xb2: {  	(pc) =	sbr.rel @p0 .LBB2_5-.Ltmp1, $3  }
0xb3: {  	_ =	sdelay $0x1  }
0xb4: {  	v7 =	vld [tilespmem:s13+$0x40]  }
0xb5: {  	v8 =	vld [tilespmem:s13+$0x50]  }
0xb6: {  	_ =	sdelay $0x1  }
0xb7: {  	v9 =	vpop (erf)  }
0xb8: {  	v10 =	vld [tilespmem:s9+$0x60];
	v11 =	vperm.xlane v9, v1;
	_ =	sdelay $0x1  }
0xb9: {  	v15 =	vld [tilespmem:s9+$0x70];
	v14 =	vperm.xlane v9, v3;
	v5 =	vmul.f32 v5, v11  }
0xba: {  	v12 =	vld [tilespmem:s9+$0x20];
	[tilespmem:s9+$0x80] =	vst v9;
	v16 =	vperm.xlane v9, v4;
	v6 =	vmul.f32 v6, v11  }
0xbb: {  	v13 =	vld [tilespmem:s9+$0x30];
	v8 =	vmul.f32 v8, v14;
	[tilespmem:s9+$0x10] =	vst v5  }
0xbc: {  	v5 =	vperm.xlane v9, v2;
	v9 =	vmul.f32 v10, v16;
	[tilespmem:s9+$0x0] =	vst v6  }
0xbd: {  	v6 =	vmul.f32 v7, v14;
	[tilespmem:s9+$0x50] =	vst v8  }
0xbe: {  	v8 =	vmul.f32 v15, v16;
	[tilespmem:s9+$0x60] =	vst v9  }
0xbf: {  	v7 =	vmul.f32 v12, v5;
	[tilespmem:s9+$0x40] =	vst v6  }
0xc0: {  	v5 =	vmul.f32 v13, v5;
	[tilespmem:s9+$0x70] =	vst v8  }
0xc1: {  	p0 =	sgt.u32 s4, $0x34;
	[tilespmem:s9+$0x20] =	vst v7  }
0xc2: {  	[tilespmem:s9+$0x30] =	vst v5;
	s9 =	simm.s32 @!p0 $0x3  }
0xc3: {  	[spmem:s3] =	stream.indirect.scatter.add.f32 [tilespmem:s19], [sflag:$0x3], $0x90, s21, s21, $0xb8;
	[tilespmem:$0x1E180] =	vst v63  }
0xc4: {  	s8 =	sadd.s32 @!p0 s8, s11;
	_ =	swait.ge @!p0 [sflag:s9], $0x3600  }
0xc5: {  	s8 =	sshrl.u32 @!p0 s8, $0x3;
	[sflag:s9] =	ssyncset.done @!p0 $0x0  }
0xc6: {  	s8 =	sadd.s32 @!p0 s6, s8;
	[sflag:s9] =	ssyncadd.s32 @!p0 $0xFFFFCA00;
	s9 =	simm.s32 @!p0 $0x0  }
0xc7: {  	[tilespmem:s9], [sflag:$0x5] =	stream.linear.gather @!p0 [hbm4b:s8+s9], $0xC0, $0x38;
	[tilespmem:$0x1E180] =	vst v63  }
0xc8: {  	s8 =	simm.s32 @!p0 $0x5  }
0xc9: {  	_ =	swait.ge @!p0 [sflag:s8], $0xC0  }
0xca: {  	[sflag:s8] =	ssyncset.done @!p0 $0x0  }
0xcb: {  	s12 =	simm.s32 @!p0 $0xD80;
	[sflag:s8] =	ssyncadd.s32 @!p0 $0xFFFFFF40;
	s8 =	simm.s32 @!p0 $0x60  }
0xcc: {  	[tilespmem:s12], [sflag:$0x1] =	stream.indirect.gather @!p0 [hbm4b:s1+s8], $0x90, s9, s8, $0xb8;
	[tilespmem:$0x1E180] =	vst v63  }
0xcd: {  	s9 =	simm.s32 @!p0 $0x180  }
0xce: {  	[tilespmem:s9], [sflag:$0x1] =	stream.indirect.gather @!p0 [hbm4b:s2+s8], $0x10, s8, s8, $0xb8;
	[tilespmem:$0x1E180] =	vst v63  }
0xcf: {  	_ =	swait.ge [sflag:s30], $0x3600  }
0xd0: {  	[sflag:s30] =	ssyncset.done $0x0  }
0xd1: {  	[sflag:s30] =	ssyncadd.s32 $0xFFFFCA00  }
0xd2: {  	_ =	swait.ge [sflag:s30], $0x600  }
0xd3: {  	[sflag:s30] =	ssyncset.done $0x0  }
0xd4: {  	s8 =	simm.s32 $0x4410;
	[sflag:s30] =	ssyncadd.s32 $0xFFFFFA00  }
0xd5: {  	s14 =	simm.s32 $0x10;
	v5 =	vld [tilespmem:s8+$0xFFFFFFF0]  }
0xd6: {  	v6 =	vld [tilespmem:s14+$0x770];
	_ =	sdelay $0x4  }
0xd7: {  	v5 =	vadd.f32 v6, v5;
	_ =	sdelay $0x1  }
0xd8: {  	v6 =	vmul.f32 $2.000000030e-01, v5  }
0xd9: {  	vm0 =	vgt.f32 v5, $0.0e+00  }
0xda: {  	v5 =	vsel vm0, v5, v6  }
0xdb: {  	v5 =	vmul.f32 $1.442695020e+00, v5;
	_ =	sdelay $0x1  }
0xdc: {  	(erf) = vpow2.f32 v5;
	_ =	sdelay $0x6  }
0xdd: {  	v7 =	vld [tilespmem:s8+$0xFFFFFF70]  }
0xde: {  	v8 =	vld [tilespmem:s8+$0xFFFFFFD0]  }
0xdf: {  	v9 =	vld [tilespmem:s8+$0xFFFFFF90];
	v10 =	vpop (erf)  }
0xe0: {  	v11 =	vld [tilespmem:s8+$0xFFFFFFE0];
	v59 =	vperm.xlane v10, v1  }
0xe1: {  	v60 =	vld [tilespmem:s8+$0xFFFFFF80];
	v61 =	vperm.xlane v10, v4  }
0xe2: {  	v62 =	vld [tilespmem:s8+$0xFFFFFFC0];
	v63 =	vperm.xlane v10, v2;
	v7 =	vmul.f32 v7, v59  }
0xe3: {  	v17 =	vld [tilespmem:s8+$0xFFFFFFA0];
	[tilespmem:s8+$0xFFFFFFF0] =	vst v10;
	v8 =	vmul.f32 v8, v61  }
0xe4: {  	v18 =	vld [tilespmem:s8+$0xFFFFFFB0];
	v9 =	vmul.f32 v9, v63;
	[tilespmem:s8+$0xFFFFFF70] =	vst v7  }
0xe5: {  	v7 =	vperm.xlane v10, v3;
	v10 =	vmul.f32 v11, v61;
	[tilespmem:s8+$0xFFFFFFD0] =	vst v8  }
0xe6: {  	v8 =	vmul.f32 v60, v59;
	[tilespmem:s8+$0xFFFFFF90] =	vst v9  }
0xe7: {  	v9 =	vmul.f32 v62, v7;
	[tilespmem:s8+$0xFFFFFFE0] =	vst v10  }
0xe8: {  	v10 =	vmul.f32 v17, v63;
	[tilespmem:s8+$0xFFFFFF80] =	vst v8  }
0xe9: {  	v7 =	vmul.f32 v18, v7;
	[tilespmem:s8+$0xFFFFFFC0] =	vst v9  }
0xea: {  	[tilespmem:s8+$0xFFFFFFA0] =	vst v10  }
0xeb: {  	[tilespmem:s8+$0xFFFFFFB0] =	vst v7;
	v7 =	vld [tilespmem:s8+$0x80]  }
0xec: {  	v8 =	vld [tilespmem:s14+$0x780];
	_ =	sdelay $0x4  }
0xed: {  	v7 =	vadd.f32 v8, v7;
	_ =	sdelay $0x1  }
0xee: {  	v8 =	vmul.f32 $2.000000030e-01, v7  }
0xef: {  	vm15 =	vgt.f32 v7, $0.0e+00  }
0xf0: {  	v7 =	vsel vm15, v7, v8  }
0xf1: {  	v8 =	vmul.f32 $1.442695020e+00, v7;
	_ =	sdelay $0x1  }
0xf2: {  	(erf) = vpow2.f32 v8;
	_ =	sdelay $0x1  }
0xf3: {  	v6 =	vld [tilespmem:s8+$0x0]  }
0xf4: {  	v5 =	vld [tilespmem:s8+$0x10]  }
0xf5: {  	v7 =	vld [tilespmem:s8+$0x40]  }
0xf6: {  	s12 =	simm.s32 $0x4410;
	s9 =	simm.s32 $0xC0;
	v8 =	vld [tilespmem:s8+$0x50]  }
.LBB2_7:
0xf7: {  	p0 =	sne.s32 s9, $0x17C0  }
0xf8: {  	v9 =	vld [tilespmem:s8+$0x60];
	s12 =	sadd.s32 $0x120, s12;
	s13 =	smov.u32 s9;
	s9 =	sadd.s32 $0x80, s9  }
0xf9: {  	v10 =	vld [tilespmem:s8+$0x20]  }
0xfa: {  	v11 =	vld [tilespmem:s8+$0x30];
	v12 =	vpop (erf)  }
0xfb: {  	[tilespmem:s8+$0x80] =	vst v12;
	v13 =	vperm.xlane v12, v1;
	v14 =	vperm.xlane v12, v2;
	v15 =	vld [tilespmem:s8+$0x70]  }
0xfc: {  	v16 =	vperm.xlane v12, v3;
	v12 =	vperm.xlane v12, v4  }
0xfd: {  	v6 =	vmul.f32 v6, v13;
	v5 =	vmul.f32 v5, v13  }
0xfe: {  	v8 =	vmul.f32 v8, v16;
	v9 =	vmul.f32 v9, v12  }
0xff: {  	v10 =	vmul.f32 v10, v14;
	[tilespmem:s8+$0x10] =	vst v5;
	v11 =	vmul.f32 v11, v14  }
0x100: {  	v7 =	vmul.f32 v7, v16;
	v5 =	vld [tilespmem:s12+$0x10];
	[tilespmem:s8+$0x0] =	vst v6;
	v12 =	vmul.f32 v15, v12  }
0x101: {  	v6 =	vld [tilespmem:s12+$0x0];
	[tilespmem:s8+$0x50] =	vst v8  }
0x102: {  	[tilespmem:s8+$0x60] =	vst v9  }
0x103: {  	[tilespmem:s8+$0x40] =	vst v7  }
0x104: {  	[tilespmem:s8+$0x20] =	vst v10  }
0x105: {  	[tilespmem:s8+$0x70] =	vst v12  }
0x106: {  	s13 =	sshra.s32 s13, $0x2;
	v7 =	vld [tilespmem:s12+$0xFFFFFFF0];
	[tilespmem:s8+$0x30] =	vst v11;
	s8 =	smov.u32 s12  }
0x107: {  	v8 =	vld [tilespmem:s13+$0x770];
	_ =	sdelay $0x4  }
0x108: {  	v7 =	vadd.f32 v8, v7;
	_ =	sdelay $0x1  }
0x109: {  	v8 =	vmul.f32 $2.000000030e-01, v7  }
0x10a: {  	vm0 =	vgt.f32 v7, $0.0e+00  }
0x10b: {  	v7 =	vsel vm0, v7, v8  }
0x10c: {  	v7 =	vmul.f32 $1.442695020e+00, v7;
	_ =	sdelay $0x1  }
0x10d: {  	(erf) = vpow2.f32 v7;
	_ =	sdelay $0x2  }
0x10e: {  	v7 =	vld [tilespmem:s12+$0xFFFFFFA0]  }
0x10f: {  	v8 =	vld [tilespmem:s12+$0xFFFFFFC0]  }
0x110: {  	v9 =	vld [tilespmem:s12+$0xFFFFFFE0]  }
0x111: {  	v10 =	vld [tilespmem:s12+$0xFFFFFFD0]  }
0x112: {  	v11 =	vld [tilespmem:s12+$0xFFFFFF70]  }
0x113: {  	v12 =	vld [tilespmem:s12+$0xFFFFFF90]  }
0x114: {  	v13 =	vld [tilespmem:s12+$0xFFFFFFB0];
	v14 =	vpop (erf)  }
0x115: {  	[tilespmem:s12+$0xFFFFFFF0] =	vst v14;
	v15 =	vperm.xlane v14, v1;
	v16 =	vld [tilespmem:s12+$0xFFFFFF80];
	v17 =	vperm.xlane v14, v4  }
0x116: {  	v18 =	vperm.xlane v14, v2;
	v14 =	vperm.xlane v14, v3  }
0x117: {  	v11 =	vmul.f32 v11, v15;
	v10 =	vmul.f32 v10, v17  }
0x118: {  	v9 =	vmul.f32 v9, v17;
	v12 =	vmul.f32 v12, v18  }
0x119: {  	v8 =	vmul.f32 v8, v14;
	[tilespmem:s12+$0xFFFFFF70] =	vst v11;
	v11 =	vmul.f32 v13, v14  }
0x11a: {  	v7 =	vmul.f32 v7, v18;
	v13 =	vmul.f32 v16, v15;
	[tilespmem:s12+$0xFFFFFFD0] =	vst v10  }
0x11b: {  	[tilespmem:s12+$0xFFFFFF90] =	vst v12  }
0x11c: {  	[tilespmem:s12+$0xFFFFFFE0] =	vst v9  }
0x11d: {  	[tilespmem:s12+$0xFFFFFF80] =	vst v13  }
0x11e: {  	[tilespmem:s12+$0xFFFFFFC0] =	vst v8  }
0x11f: {  	[tilespmem:s12+$0xFFFFFFA0] =	vst v7  }
0x120: {  	[tilespmem:s12+$0xFFFFFFB0] =	vst v11;
	v7 =	vld [tilespmem:s12+$0x80]  }
0x121: {  	v8 =	vld [tilespmem:s13+$0x780];
	_ =	sdelay $0x4  }
0x122: {  	v7 =	vadd.f32 v8, v7;
	_ =	sdelay $0x1  }
0x123: {  	v8 =	vmul.f32 $2.000000030e-01, v7  }
0x124: {  	vm0 =	vgt.f32 v7, $0.0e+00  }
0x125: {  	v7 =	vsel vm0, v7, v8  }
0x126: {  	v7 =	vmul.f32 $1.442695020e+00, v7;
	_ =	sdelay $0x1  }
0x127: {  	(erf) = vpow2.f32 v7;
	_ =	sdelay $0x1  }
.Ltmp2:
0x128: {  	(pc) =	sbr.rel @p0 .LBB2_7-.Ltmp2, $3  }
0x129: {  	_ =	sdelay $0x1  }
0x12a: {  	v7 =	vld [tilespmem:s12+$0x40]  }
0x12b: {  	v8 =	vld [tilespmem:s12+$0x50]  }
0x12c: {  	_ =	sdelay $0x1  }
0x12d: {  	v9 =	vpop (erf)  }
0x12e: {  	v10 =	vld [tilespmem:s8+$0x60];
	v11 =	vperm.xlane v9, v1  }
0x12f: {  	v15 =	vld [tilespmem:s8+$0x70]  }
0x130: {  	v14 =	vperm.xlane v9, v3;
	v5 =	vmul.f32 v5, v11  }
0x131: {  	v12 =	vld [tilespmem:s8+$0x20];
	[tilespmem:s8+$0x80] =	vst v9;
	v16 =	vperm.xlane v9, v4;
	v6 =	vmul.f32 v6, v11  }
0x132: {  	v13 =	vld [tilespmem:s8+$0x30];
	v8 =	vmul.f32 v8, v14;
	[tilespmem:s8+$0x10] =	vst v5  }
0x133: {  	v62 =	vmul.f32 v10, v16;
	[tilespmem:s8+$0x0] =	vst v6  }
0x134: {  	s4 =	sadd.s32 $0x1, s4;
	v63 =	vmul.f32 v15, v16;
	v5 =	vperm.xlane v9, v2;
	[tilespmem:s8+$0x50] =	vst v8  }
0x135: {  	p0 =	sne.s32 s4, $0x36;
	v6 =	vmul.f32 v7, v14;
	[tilespmem:s8+$0x60] =	vst v62  }
.Ltmp3:
0x136: {  	[tilespmem:s8+$0x70] =	vst v63;
	v7 =	vmul.f32 v12, v5;
	(pc) =	sbr.rel @p0 .LBB2_4-.Ltmp3, $4  }
0x137: {  	[tilespmem:s8+$0x40] =	vst v6;
	v5 =	vmul.f32 v13, v5  }
0x138: {  	[tilespmem:s8+$0x20] =	vst v7  }
0x139: {  	[tilespmem:s8+$0x30] =	vst v5  }
0x13a: {  	[spmem:s3] =	stream.indirect.scatter.add.f32 [tilespmem:s24], [sflag:$0x4], $0x90, s26, s21, $0xb8;
	[tilespmem:$0x1E180] =	vst v63  }
0x13b: {  	_ =	swait.ge [sflag:s31], $0x3600  }
0x13c: {  	[sflag:s31] =	ssyncset.done $0x0  }
0x13d: {  	[sflag:s31] =	ssyncadd.s32 $0xFFFFCA00  }
0x13e: {  	_ =	swait.ge [sflag:s0], $0x3600  }
0x13f: {  	[sflag:s0] =	ssyncset.done $0x0  }
0x140: {  	s4 =	stileid.u32;
	[sflag:s0] =	ssyncadd.s32 $0xFFFFCA00  }
0x141: {  	s4 =	sshll.u32 s4, $0x6;
	[bflag:$0x0] =	sbarrier.arrive $0xFFFF  }
0x142: {  	s4 =	sor.u32 $0x1C05, s4;
	s8 =	rddreg [dreg:$0x6]  }
0x143: {  	[hbm:s8], [sflag:s4] =	dma.local [spmem:s25], $0x2D00  }
0x144: {  	_ =	swait.ge [sflag:s20], $0x2D00  }
0x145: {  	s22 =	sadd.s32 $0x1, s22;
	s14 =	rddreg [dreg:$0x7]  }
0x146: {  	p0 =	sne.s32 s22, s14  }
.Ltmp4:
0x147: {  	_ = 	snop;
	(pc) =	sbr.rel @p0 .LBB2_1-.Ltmp4, $3  }
0x148: {  	_ =	sdelay $0x1  }
0x149: {  	[sflag:s20] =	ssyncset.done $0x0  }
0x14a: {  	[sflag:s20] =	ssyncadd.s32 $0xFFFFD300  }
0x14b: {  	_ =	sfence.sel $0x180000  }
0x14c: {  	[bflag:$0x0] =	sbarrier.arrive $0xFFFF  }
0x14d: {  	_ =	strace $0x90000047  }
0x14e: {  	s0 =	stileid.u32;
	[bflag:$0x2] =	sbarrier.arrive $0xFFFF  }
0x14f: {  	p0 =	sne.s32 s0, $0x0;
	s0 =	rddreg [dreg:$0x3]  }
0x150: {  	s0 =	sadd.s32 @!p0 $0x100000, s0  }
0x151: {  	[sflag:s0] =	ssyncadd.tile.s32 @!p0 $0x1;
	_ =	shalt  }
.Lfunc_end2:
_tile_overlayer_lowered:
.L_overlay_start_2:
0x152: {  	(tag) =	ssettag $0x2  }
0x153: {  	s0 =	rddreg [dreg:$0x0];
	s2 =	stileid.u32  }
0x154: {  	s1 =	rddreg [dreg:$0x1];
	p0 =	sne.s32 s2, $0x0  }
0x155: {  	s3 =	rddreg [dreg:$0x2];
	[bflag:$0x3] =	sbarrier.arrive $0xFFFF;
	s2 =	simm.s32 @!p0 $0x1C05  }
0x156: {  	[timem:s3], [sflag:s2] =	dma.local @!p0 [hbm:s0], s1  }
0x157: {  	s0 =	simm.s32 @!p0 $0x5  }
0x158: {  	_ =	swait.ge @!p0 [sflag:s0], s1  }
0x159: {  	s1 =	ssub.s32 @!p0 $0x0, s1;
	[sflag:s0] =	ssyncset.done @!p0 $0x0  }
0x15a: {  	[sflag:s0] =	ssyncadd.s32 @!p0 s1  }
0x15b: {  	[bflag:$0x3] =	sbarrier.arrive $0xFFFF  }
0x15c: {  	_ =	shalt  }

</sc_bundles>
